<compile_context>
chip_gen: v7x
topology: tpu7x:2x2x1
jax: 0.10.2.dev20260603
libtpu: 0.0.44.dev20260713+nightly
codegen_flags: <defaults>
</compile_context>

<pallas_src>
import functools

import jax
import jax.numpy as jnp
from jax import lax
from jax.experimental import pallas as pl
from jax.experimental.pallas import tpu as pltpu
from jax.experimental.pallas import tpu_sc as plsc

N = 10000
E = 320000
D = 128
H = 64
EPS = 1e-5

NC = 2
NS = 16
NW = NC * NS
CH = 128
EPW = E // NW
NFULL = EPW // CH
TAIL = EPW - NFULL * CH

_MESH = dict(core_axis_name="c", subcore_axis_name="s", num_cores=NC,
             num_subcores=NS)

ROWS_PER_SUB = N // NS



def _sc_gather(T, ei1d):

    @functools.partial(
        pl.kernel,
        out_type=jax.ShapeDtypeStruct((E, H), jnp.float32),
        mesh=plsc.VectorSubcoreMesh(**_MESH),
        scratch_types=[
            pltpu.VMEM((EPW,), jnp.int32),
            pltpu.VMEM((EPW,), jnp.int32),
            pltpu.VMEM((CH, H), jnp.float32),
            pltpu.VMEM((CH, H), jnp.float32),
            pltpu.VMEM((TAIL, H), jnp.float32),
            pltpu.SemaphoreType.DMA,
            pltpu.SemaphoreType.DMA,
        ],
        compiler_params=pltpu.CompilerParams(use_tc_tiling_on_sc=False),
    )
    def k(t_hbm, ei_hbm, pre_hbm, idxd, idxs, buf0, buf1, buf_t,
          sem0, sem1):
        c = lax.axis_index("c")
        s = lax.axis_index("s")
        wid = s * NC + c
        base0 = wid * EPW

        pltpu.sync_copy(ei_hbm.at[pl.ds(E + base0, EPW)], idxd)
        pltpu.sync_copy(ei_hbm.at[pl.ds(base0, EPW)], idxs)

        def shift(i, carry):
            sl = pl.ds(i * 16, 16)
            idxd[sl] = idxd[sl] * 2
            idxs[sl] = idxs[sl] * 2 + 1
            return carry

        lax.fori_loop(0, EPW // 16, shift, 0)

        def gsta(ci, b, sem, add):
            iref = idxs if add else idxd
            pltpu.async_copy(t_hbm.at[iref.at[pl.ds(ci * CH, CH)]], b, sem,
                             add=add)

        def gwait(ci, b, sem, add):
            iref = idxs if add else idxd
            pltpu.make_async_copy(t_hbm.at[iref.at[pl.ds(ci * CH, CH)]], b,
                                  sem).wait()

        def ssta(ci, b, sem):
            pltpu.async_copy(b, pre_hbm.at[pl.ds(base0 + ci * CH, CH)], sem)

        def swait(ci, b, sem):
            pltpu.make_async_copy(b, pre_hbm.at[pl.ds(base0 + ci * CH, CH)],
                                  sem).wait()

        NP = NFULL // 2
        gsta(0, buf0, sem0, False)

        def body(i, carry):
            c0 = 2 * i
            c1 = c0 + 1
            gwait(c0, buf0, sem0, False)
            gsta(c0, buf0, sem0, True)

            @pl.when(i > 0)
            def _():
                swait(c1 - 2, buf1, sem1)

            gsta(c1, buf1, sem1, False)
            gwait(c0, buf0, sem0, True)
            ssta(c0, buf0, sem0)
            gwait(c1, buf1, sem1, False)
            gsta(c1, buf1, sem1, True)
            swait(c0, buf0, sem0)

            @pl.when(i < NP - 1)
            def _():
                gsta(c0 + 2, buf0, sem0, False)

            gwait(c1, buf1, sem1, True)
            ssta(c1, buf1, sem1)
            return carry

        lax.fori_loop(0, NP, body, 0)
        swait(NFULL - 1, buf1, sem1)

        tb = NFULL * CH
        pltpu.sync_copy(t_hbm.at[idxd.at[pl.ds(tb, TAIL)]], buf_t)
        pltpu.sync_copy(t_hbm.at[idxs.at[pl.ds(tb, TAIL)]], buf_t, add=True)
        pltpu.sync_copy(buf_t, pre_hbm.at[pl.ds(base0 + tb, TAIL)])

    return k(T, ei1d)


DW = 16


def _sc_scatter(h2, ei1d, with_deg):
    out_type = [jax.ShapeDtypeStruct((NC, N, H), jnp.float32)]
    scratch = [
        pltpu.VMEM_SHARED((N, H), jnp.float32),
        pltpu.VMEM((ROWS_PER_SUB, H), jnp.float32),
        pltpu.VMEM((CH,), jnp.int32),
        pltpu.VMEM((CH,), jnp.int32),
        pltpu.VMEM((CH, H), jnp.float32),
        pltpu.VMEM((CH, H), jnp.float32),
        pltpu.VMEM((TAIL,), jnp.int32),
        pltpu.VMEM((TAIL, H), jnp.float32),
        pltpu.SemaphoreType.DMA,
        pltpu.SemaphoreType.DMA,
        pltpu.SemaphoreType.DMA,
        pltpu.SemaphoreType.DMA,
    ]
    if with_deg:
        out_type.append(jax.ShapeDtypeStruct((NC, N, DW), jnp.float32))
        scratch += [
            pltpu.VMEM_SHARED((N, DW), jnp.float32),
            pltpu.VMEM((ROWS_PER_SUB, DW), jnp.float32),
            pltpu.VMEM((CH, DW), jnp.float32),
            pltpu.VMEM((TAIL, DW), jnp.float32),
        ]

    @functools.partial(
        pl.kernel,
        out_type=tuple(out_type),
        mesh=plsc.VectorSubcoreMesh(**_MESH),
        scratch_types=scratch,
        compiler_params=pltpu.CompilerParams(use_tc_tiling_on_sc=False),
    )
    def k(h2_hbm, ei_hbm, out_hbm, *rest):
        if with_deg:
            (outd_hbm, acc, stage, idx0, idx1, buf0, buf1, idx_t, buf_t,
             semL0, semL1, semW0, semW1, dacc, dstage, ones, ones_t) = rest
        else:
            (acc, stage, idx0, idx1, buf0, buf1, idx_t, buf_t,
             semL0, semL1, semW0, semW1) = rest
        c = lax.axis_index("c")
        s = lax.axis_index("s")
        wid = s * NC + c
        base0 = wid * EPW
        eibase = E
        rsl = pl.ds(s * ROWS_PER_SUB, ROWS_PER_SUB)

        def zrow(i, carry):
            for j in range(H // 16):
                stage[i, pl.ds(j * 16, 16)] = jnp.zeros((16,), jnp.float32)
            return carry

        lax.fori_loop(0, ROWS_PER_SUB, zrow, 0)
        pltpu.sync_copy(stage, acc.at[rsl])
        if with_deg:
            def zdrow(i, carry):
                dstage[i, pl.ds(0, 16)] = jnp.zeros((16,), jnp.float32)
                return carry

            lax.fori_loop(0, ROWS_PER_SUB, zdrow, 0)
            pltpu.sync_copy(dstage, dacc.at[rsl])

            def orow(i, carry):
                ones[i, pl.ds(0, 16)] = jnp.ones((16,), jnp.float32)
                return carry

            lax.fori_loop(0, CH, orow, 0)
            for i in range(TAIL):
                ones_t[i, pl.ds(0, 16)] = jnp.ones((16,), jnp.float32)
        plsc.subcore_barrier()

        def lsta(ci, i_r, b, sem):
            base = base0 + ci * CH
            pltpu.async_copy(ei_hbm.at[pl.ds(eibase + base, CH)], i_r, sem)
            pltpu.async_copy(h2_hbm.at[pl.ds(base, CH)], b, sem)

        def lwait(ci, i_r, b, sem):
            base = base0 + ci * CH
            pltpu.make_async_copy(ei_hbm.at[pl.ds(eibase + base, CH)], i_r,
                                  sem).wait()
            pltpu.make_async_copy(h2_hbm.at[pl.ds(base, CH)], b, sem).wait()

        def wsta(i_r, b, sem):
            pltpu.async_copy(b, acc.at[i_r], sem, add=True)

        def wwait(i_r, b, sem):
            pltpu.make_async_copy(b, acc.at[i_r], sem).wait()

        NP = NFULL // 2
        lsta(0, idx0, buf0, semL0)

        def body(i, carry):
            c0 = 2 * i
            c1 = c0 + 1
            lwait(c0, idx0, buf0, semL0)

            @pl.when(i > 0)
            def _():
                wwait(idx1, buf1, semW1)

            lsta(c1, idx1, buf1, semL1)
            wsta(idx0, buf0, semW0)
            if with_deg:
                pltpu.sync_copy(ones, dacc.at[idx0], add=True)
            lwait(c1, idx1, buf1, semL1)
            wwait(idx0, buf0, semW0)

            @pl.when(i < NP - 1)
            def _():
                lsta(c0 + 2, idx0, buf0, semL0)

            wsta(idx1, buf1, semW1)
            if with_deg:
                pltpu.sync_copy(ones, dacc.at[idx1], add=True)
            return carry

        lax.fori_loop(0, NP, body, 0)
        wwait(idx1, buf1, semW1)

        tb = base0 + NFULL * CH
        pltpu.sync_copy(ei_hbm.at[pl.ds(eibase + tb, TAIL)], idx_t)
        pltpu.sync_copy(h2_hbm.at[pl.ds(tb, TAIL)], buf_t)
        pltpu.sync_copy(buf_t, acc.at[idx_t], add=True)
        if with_deg:
            pltpu.sync_copy(ones_t, dacc.at[idx_t], add=True)

        plsc.subcore_barrier()
        pltpu.sync_copy(acc.at[rsl], stage)
        pltpu.sync_copy(stage, out_hbm.at[c, rsl])
        if with_deg:
            pltpu.sync_copy(dacc.at[rsl], dstage)
            pltpu.sync_copy(dstage, outd_hbm.at[c, rsl])

    res = k(h2, ei1d)
    return res if with_deg else res[0]



def _prep1(x, w1):
    BR, NB = 2000, N // 2000

    def body(x_ref, w_ref, o_ref):
        w = w_ref[...]
        wb = w[D:]
        wcat = jnp.concatenate([w[:D] - wb, wb], axis=1)
        o_ref[...] = jnp.dot(x_ref[...], wcat,
                             preferred_element_type=jnp.float32)

    return pl.pallas_call(
        body,
        grid=(NB,),
        in_specs=[
            pl.BlockSpec((BR, D), lambda j: (j, 0)),
            pl.BlockSpec((2 * D, H), lambda j: (0, 0)),
        ],
        out_specs=pl.BlockSpec((BR, 2 * H), lambda j: (j, 0)),
        out_shape=jax.ShapeDtypeStruct((N, 2 * H), jnp.float32),
    )(x, w1)


def _prep2(S, w1, s2d, crow, degp):
    BR, NB = 2000, N // 2000

    def body(s_ref, w_ref, sc_ref, c_ref, d_ref, o_ref):
        xin = s_ref[0] + s_ref[1]
        dcol = d_ref[0, :, 0:1] + d_ref[1, :, 0:1]
        w = w_ref[...]
        wb = w[H:]
        wcat = jnp.concatenate([w[:H] - wb, wb], axis=1)
        vrow = jnp.dot(c_ref[...], wcat, preferred_element_type=jnp.float32)
        o_ref[...] = (jnp.dot(xin, sc_ref[...] * wcat,
                              preferred_element_type=jnp.float32)
                      + dcol * vrow)

    return pl.pallas_call(
        body,
        grid=(NB,),
        in_specs=[
            pl.BlockSpec((2, BR, H), lambda j: (0, j, 0)),
            pl.BlockSpec((2 * H, H), lambda j: (0, 0)),
            pl.BlockSpec((H, 1), lambda j: (0, 0)),
            pl.BlockSpec((1, H), lambda j: (0, 0)),
            pl.BlockSpec((2, BR, DW), lambda j: (0, j, 0)),
        ],
        out_specs=pl.BlockSpec((BR, 2 * H), lambda j: (j, 0)),
        out_shape=jax.ShapeDtypeStruct((N, 2 * H), jnp.float32),
    )(S, w1, s2d, crow, degp)


def _edge_stats(pre128, b1row):
    BR = 16000
    E2 = E // 2
    NB = E2 // BR

    def body(p_ref, b_ref, o_ref):
        b128 = jnp.concatenate([b_ref[...], b_ref[...]], axis=1)
        h = jnp.maximum(p_ref[...] + b128, 0.0)

        @pl.when(pl.program_id(0) == 0)
        def _():
            o_ref[...] = jnp.zeros_like(o_ref)

        o_ref[0:1, :] += jnp.sum(h, axis=0, keepdims=True)
        o_ref[1:2, :] += jnp.sum(h * h, axis=0, keepdims=True)

    return pl.pallas_call(
        body,
        grid=(NB,),
        in_specs=[
            pl.BlockSpec((BR, 2 * H), lambda i: (i, 0)),
            pl.BlockSpec((1, H), lambda i: (0, 0)),
        ],
        out_specs=pl.BlockSpec((8, 2 * H), lambda i: (0, 0)),
        out_shape=jax.ShapeDtypeStruct((8, 2 * H), jnp.float32),
    )(pre128, b1row)


def _edge_mm(pre128, b1row, w2, s1d, c1row, b2row):
    BR = 8000
    E2 = E // 2
    NB = E2 // BR

    def body(p_ref, b1_ref, w_ref, s1_ref, c1_ref, b2_ref, h2_ref, st_ref):
        w2p = s1_ref[...] * w_ref[...]
        b2p = (jnp.dot(c1_ref[...], w_ref[...],
                       preferred_element_type=jnp.float32) + b2_ref[...])
        b128 = jnp.concatenate([b1_ref[...], b1_ref[...]], axis=1)
        h1 = jnp.maximum(p_ref[...] + b128, 0.0)
        zz = jnp.zeros((H, H), jnp.float32)
        w2bd = jnp.concatenate(
            [jnp.concatenate([w2p, zz], axis=1),
             jnp.concatenate([zz, w2p], axis=1)], axis=0)
        h2 = jnp.maximum(
            jnp.dot(h1, w2bd, preferred_element_type=jnp.float32)
            + jnp.concatenate([b2p, b2p], axis=1), 0.0)
        h2_ref[...] = h2

        @pl.when(pl.program_id(0) == 0)
        def _():
            st_ref[...] = jnp.zeros_like(st_ref)

        st_ref[0:1, :] += jnp.sum(h2, axis=0, keepdims=True)
        st_ref[1:2, :] += jnp.sum(h2 * h2, axis=0, keepdims=True)

    return pl.pallas_call(
        body,
        grid=(NB,),
        in_specs=[
            pl.BlockSpec((BR, 2 * H), lambda i: (i, 0)),
            pl.BlockSpec((1, H), lambda i: (0, 0)),
            pl.BlockSpec((H, H), lambda i: (0, 0)),
            pl.BlockSpec((H, 1), lambda i: (0, 0)),
            pl.BlockSpec((1, H), lambda i: (0, 0)),
            pl.BlockSpec((1, H), lambda i: (0, 0)),
        ],
        out_specs=[
            pl.BlockSpec((BR, 2 * H), lambda i: (i, 0)),
            pl.BlockSpec((8, 2 * H), lambda i: (0, 0)),
        ],
        out_shape=[
            jax.ShapeDtypeStruct((E2, 2 * H), jnp.float32),
            jax.ShapeDtypeStruct((8, 2 * H), jnp.float32),
        ],
    )(pre128, b1row, w2, s1d, c1row, b2row)


def _cat_mm(S1, S2, degp, w, brow, sa, sb, ca, cb):
    BR, NB = 2000, N // 2000
    MH = w.shape[1]

    def body(s1_ref, s2_ref, d_ref, w_ref, b_ref, sa_ref, sb_ref, ca_ref,
             cb_ref, r_ref, st_ref):
        x1 = s1_ref[0] + s1_ref[1]
        x2 = s2_ref[0] + s2_ref[1]
        dcol = d_ref[0, :, 0:1] + d_ref[1, :, 0:1]
        wt = w_ref[...][:H]
        wb = w_ref[...][H:]
        vrow = (jnp.dot(ca_ref[...], wt, preferred_element_type=jnp.float32)
                + jnp.dot(cb_ref[...], wb,
                          preferred_element_type=jnp.float32))
        z = (jnp.dot(x1, sa_ref[...] * wt,
                     preferred_element_type=jnp.float32)
             + jnp.dot(x2, sb_ref[...] * wb,
                       preferred_element_type=jnp.float32)
             + dcol * vrow + b_ref[...])
        r = jnp.maximum(z, 0.0)
        r_ref[...] = r

        @pl.when(pl.program_id(0) == 0)
        def _():
            st_ref[...] = jnp.zeros_like(st_ref)

        st_ref[0:1, :] += jnp.sum(r, axis=0, keepdims=True)
        st_ref[1:2, :] += jnp.sum(r * r, axis=0, keepdims=True)

    return pl.pallas_call(
        body,
        grid=(NB,),
        in_specs=[
            pl.BlockSpec((2, BR, H), lambda j: (0, j, 0)),
            pl.BlockSpec((2, BR, H), lambda j: (0, j, 0)),
            pl.BlockSpec((2, BR, DW), lambda j: (0, j, 0)),
            pl.BlockSpec((2 * H, MH), lambda j: (0, 0)),
            pl.BlockSpec((1, MH), lambda j: (0, 0)),
            pl.BlockSpec((H, 1), lambda j: (0, 0)),
            pl.BlockSpec((H, 1), lambda j: (0, 0)),
            pl.BlockSpec((1, H), lambda j: (0, 0)),
            pl.BlockSpec((1, H), lambda j: (0, 0)),
        ],
        out_specs=[
            pl.BlockSpec((BR, MH), lambda j: (j, 0)),
            pl.BlockSpec((8, MH), lambda j: (0, 0)),
        ],
        out_shape=[
            jax.ShapeDtypeStruct((N, MH), jnp.float32),
            jax.ShapeDtypeStruct((8, MH), jnp.float32),
        ],
    )(S1, S2, degp, w, brow, sa, sb, ca, cb)


def _node_mm(xin, w, brow, sd, crow):
    BR, NB = 2000, N // 2000
    K, M = w.shape

    def body(x_ref, w_ref, b_ref, s_ref, c_ref, r_ref, st_ref):
        w = w_ref[...]
        beff = (jnp.dot(c_ref[...], w, preferred_element_type=jnp.float32)
                + b_ref[...])
        r = jnp.maximum(
            jnp.dot(x_ref[...], s_ref[...] * w,
                    preferred_element_type=jnp.float32) + beff, 0.0)
        r_ref[...] = r

        @pl.when(pl.program_id(0) == 0)
        def _():
            st_ref[...] = jnp.zeros_like(st_ref)

        st_ref[0:1, :] += jnp.sum(r, axis=0, keepdims=True)
        st_ref[1:2, :] += jnp.sum(r * r, axis=0, keepdims=True)

    return pl.pallas_call(
        body,
        grid=(NB,),
        in_specs=[
            pl.BlockSpec((BR, K), lambda j: (j, 0)),
            pl.BlockSpec((K, M), lambda j: (0, 0)),
            pl.BlockSpec((1, M), lambda j: (0, 0)),
            pl.BlockSpec((K, 1), lambda j: (0, 0)),
            pl.BlockSpec((1, K), lambda j: (0, 0)),
        ],
        out_specs=[
            pl.BlockSpec((BR, M), lambda j: (j, 0)),
            pl.BlockSpec((8, M), lambda j: (0, 0)),
        ],
        out_shape=[
            jax.ShapeDtypeStruct((N, M), jnp.float32),
            jax.ShapeDtypeStruct((8, M), jnp.float32),
        ],
    )(xin, w, brow, sd, crow)


def _final_mm(xin, w, brow, sd, crow):
    BR, NB = 2000, N // 2000
    K, M = w.shape

    def body(x_ref, w_ref, b_ref, s_ref, c_ref, o_ref):
        w = w_ref[...]
        beff = (jnp.dot(c_ref[...], w, preferred_element_type=jnp.float32)
                + b_ref[...])
        z = jnp.dot(x_ref[...], s_ref[...] * w,
                    preferred_element_type=jnp.float32) + beff
        m = jnp.max(z, axis=1, keepdims=True)
        lse = jnp.log(jnp.sum(jnp.exp(z - m), axis=1, keepdims=True)) + m
        o_ref[...] = z - lse

    return pl.pallas_call(
        body,
        grid=(NB,),
        in_specs=[
            pl.BlockSpec((BR, K), lambda j: (j, 0)),
            pl.BlockSpec((K, M), lambda j: (0, 0)),
            pl.BlockSpec((1, M), lambda j: (0, 0)),
            pl.BlockSpec((K, 1), lambda j: (0, 0)),
            pl.BlockSpec((1, K), lambda j: (0, 0)),
        ],
        out_specs=pl.BlockSpec((BR, M), lambda j: (j, 0)),
        out_shape=jax.ShapeDtypeStruct((N, M), jnp.float32),
    )(xin, w, brow, sd, crow)



def _bn_fold(st, g, be):
    mu = st[0] / E
    var = st[1] / E - mu * mu
    s = g / jnp.sqrt(var + EPS)
    return mu, s, be - s * mu


def _bn_fold_n(st, g, be):
    mu = st[0] / N
    var = st[1] / N - mu * mu
    s = g / jnp.sqrt(var + EPS)
    return mu, s, be - s * mu


def _edge_layer(xin_T, ei1d, b1, g1, be1, W2, b2, g2, be2, with_deg):
    pre = _sc_gather(xin_T, ei1d)
    pre128 = pre.reshape(E // 2, 2 * H)
    b1r = b1.reshape(1, H)
    st1p = _edge_stats(pre128, b1r)
    st1 = st1p[:, :H] + st1p[:, H:]
    _, s1, c1 = _bn_fold(st1, g1, be1)
    s1d = s1.reshape(H, 1)
    c1r = c1.reshape(1, H)
    b2r = b2.reshape(1, H)
    h2_128, st2p = _edge_mm(pre128, b1r, W2, s1d, c1r, b2r)
    st2 = st2p[:, :H] + st2p[:, H:]
    mu2 = st2[0] / E
    var2 = st2[1] / E - mu2 * mu2
    s2 = g2 / jnp.sqrt(var2 + EPS)
    c2 = be2 - s2 * mu2
    out = _sc_scatter(h2_128.reshape(E, H), ei1d, with_deg)
    if with_deg:
        S, degp = out
        return S, s2, c2, degp
    return out, s2, c2


def kernel(x, edge_index, c1_W1, c1_b1, c1_g1, c1_be1, c1_W2, c1_b2, c1_g2,
           c1_be2, c2_W1, c2_b1, c2_g1, c2_be1, c2_W2, c2_b2, c2_g2, c2_be2,
           l1_W, l1_b, l1_g, l1_be, m1_W, m1_b, m1_g, m1_be, m2_W, m2_b,
           m2_g, m2_be, f_W, f_b):
    ei1d = edge_index.reshape(2 * E)

    T1 = _prep1(x, c1_W1).reshape(2 * N, H)
    S1, s2a, c2a, degp = _edge_layer(T1, ei1d, c1_b1, c1_g1, c1_be1,
                                     c1_W2, c1_b2, c1_g2, c1_be2, True)

    T2 = _prep2(S1, c2_W1, s2a.reshape(H, 1), c2a.reshape(1, H),
                degp).reshape(2 * N, H)
    S2, s2b, c2b = _edge_layer(T2, ei1d, c2_b1, c2_g1, c2_be1,
                               c2_W2, c2_b2, c2_g2, c2_be2, False)

    r1, stA = _cat_mm(S1, S2, degp, l1_W, l1_b.reshape(1, -1),
                      s2a.reshape(H, 1), s2b.reshape(H, 1),
                      c2a.reshape(1, H), c2b.reshape(1, H))
    _, sA, cA = _bn_fold_n(stA, l1_g, l1_be)

    r2, stB = _node_mm(r1, m1_W, m1_b.reshape(1, -1),
                       sA.reshape(-1, 1), cA.reshape(1, -1))
    _, sB, cB = _bn_fold_n(stB, m1_g, m1_be)

    r3, stC = _node_mm(r2, m2_W, m2_b.reshape(1, -1),
                       sB.reshape(-1, 1), cB.reshape(1, -1))
    _, sC, cC = _bn_fold_n(stC, m2_g, m2_be)

    return _final_mm(r3, f_W, f_b.reshape(1, -1),
                     sC.reshape(-1, 1), cC.reshape(1, -1))

# --- scband reference (transcript-rebuilt; emitter-appended) ---
"""Pipeline reference for scband-dgcn-network-83726092468415 (READ-ONLY COPY).

The authoritative reference and input builder live on the scoring server;
editing this copy changes nothing except your own understanding.
"""

import jax, jax.numpy as jnp
import numpy as np

N = 10000
E = 320000
D = 128
H = 64
MH = 256
C = 10


def _bn(h, g, be):
    mu = jnp.mean(h, axis=0, keepdims=True)
    var = jnp.var(h, axis=0, keepdims=True)
    return g * (h - mu) / jnp.sqrt(var + 1e-5) + be


def _mlp_block(x, W, b, g, be):
    return _bn(jax.nn.relu(x @ W + b), g, be)


def _edge_conv(x, src, dst, p1, p2):
    xi = jnp.take(x, dst, axis=0)
    xj = jnp.take(x, src, axis=0)
    m = jnp.concatenate([xi, xj - xi], axis=-1)
    m = _mlp_block(m, *p1)
    m = _mlp_block(m, *p2)
    return jax.ops.segment_sum(m, dst, num_segments=x.shape[0])


def setup_inputs(seed: int = 0):
    key = jax.random.key(seed)
    ks = jax.random.split(key, 12)
    w = lambda k, s: jax.random.normal(k, s, dtype=jnp.float32) * 0.05
    inp = {}
    inp['x'] = jax.random.normal(ks[0], (N, D), dtype=jnp.float32)
    inp['edge_index'] = jax.random.randint(ks[1], (2, E), 0, N, dtype=jnp.int32)
    inp['c1_W1'] = w(ks[2], (2 * D, H)); inp['c1_b1'] = jnp.zeros((H,), jnp.float32)
    inp['c1_g1'] = jnp.ones((H,), jnp.float32); inp['c1_be1'] = jnp.zeros((H,), jnp.float32)
    inp['c1_W2'] = w(ks[3], (H, H)); inp['c1_b2'] = jnp.zeros((H,), jnp.float32)
    inp['c1_g2'] = jnp.ones((H,), jnp.float32); inp['c1_be2'] = jnp.zeros((H,), jnp.float32)
    inp['c2_W1'] = w(ks[4], (2 * H, H)); inp['c2_b1'] = jnp.zeros((H,), jnp.float32)
    inp['c2_g1'] = jnp.ones((H,), jnp.float32); inp['c2_be1'] = jnp.zeros((H,), jnp.float32)
    inp['c2_W2'] = w(ks[5], (H, H)); inp['c2_b2'] = jnp.zeros((H,), jnp.float32)
    inp['c2_g2'] = jnp.ones((H,), jnp.float32); inp['c2_be2'] = jnp.zeros((H,), jnp.float32)
    inp['l1_W'] = w(ks[6], (2 * H, MH)); inp['l1_b'] = jnp.zeros((MH,), jnp.float32)
    inp['l1_g'] = jnp.ones((MH,), jnp.float32); inp['l1_be'] = jnp.zeros((MH,), jnp.float32)
    inp['m1_W'] = w(ks[7], (MH, MH // 4)); inp['m1_b'] = jnp.zeros((MH // 4,), jnp.float32)
    inp['m1_g'] = jnp.ones((MH // 4,), jnp.float32); inp['m1_be'] = jnp.zeros((MH // 4,), jnp.float32)
    inp['m2_W'] = w(ks[8], (MH // 4, MH // 8)); inp['m2_b'] = jnp.zeros((MH // 8,), jnp.float32)
    inp['m2_g'] = jnp.ones((MH // 8,), jnp.float32); inp['m2_be'] = jnp.zeros((MH // 8,), jnp.float32)
    inp['f_W'] = w(ks[9], (MH // 8, C)); inp['f_b'] = jnp.zeros((C,), jnp.float32)
    return inp


def reference(x, edge_index, c1_W1, c1_b1, c1_g1, c1_be1, c1_W2, c1_b2, c1_g2, c1_be2, c2_W1, c2_b1, c2_g1, c2_be1, c2_W2, c2_b2, c2_g2, c2_be2, l1_W, l1_b, l1_g, l1_be, m1_W, m1_b, m1_g, m1_be, m2_W, m2_b, m2_g, m2_be, f_W, f_b):
    src = edge_index[0]
    dst = edge_index[1]
    x1 = _edge_conv(x, src, dst, (c1_W1, c1_b1, c1_g1, c1_be1), (c1_W2, c1_b2, c1_g2, c1_be2))
    x2 = _edge_conv(x1, src, dst, (c2_W1, c2_b1, c2_g1, c2_be1), (c2_W2, c2_b2, c2_g2, c2_be2))
    out = _mlp_block(jnp.concatenate([x1, x2], axis=1), l1_W, l1_b, l1_g, l1_be)
    out = _mlp_block(out, m1_W, m1_b, m1_g, m1_be)
    out = _mlp_block(out, m2_W, m2_b, m2_g, m2_be)
    out = out @ f_W + f_b
    return jax.nn.log_softmax(out, axis=1)

if __name__ == "__main__":
    import jax
    _d = setup_inputs()
    print(jax.jit(kernel)(*tuple(_d.values())))

</pallas_src>

<mosaic_0001>
#map = affine_map<(d0, d1) -> (0, 0)>
#map1 = affine_map<(d0, d1) -> (0)>
module attributes {stable_mosaic.version = 14 : i64} {
  func.func @k(%arg0: i32, %arg1: i32, %arg2: memref<20000x64xf32, #tpu.memory_space<hbm>>, %arg3: memref<640000xi32, #tpu.memory_space<hbm>>, %arg4: memref<320000x64xf32, #tpu.memory_space<hbm>>, %arg5: memref<10000xi32, #tpu.memory_space<vmem>>, %arg6: memref<10000xi32, #tpu.memory_space<vmem>>, %arg7: memref<128x64xf32, #tpu.memory_space<vmem>>, %arg8: memref<128x64xf32, #tpu.memory_space<vmem>>, %arg9: memref<16x64xf32, #tpu.memory_space<vmem>>, %arg10: memref<!tpu.dma_semaphore, #tpu.memory_space<semaphore_mem>>, %arg11: memref<!tpu.dma_semaphore, #tpu.memory_space<semaphore_mem>>) attributes {dimension_semantics = [#tpu.dimension_semantics<core_parallel>, #tpu.dimension_semantics<subcore_parallel>], iteration_bounds = array<i64: 2, 16>, scalar_prefetch = 0 : i64, scratch_operands = 7 : i64, tpu.core_type = #tpu.core_type<sc_vector_subcore>, window_params = [{transform_indices = #map}, {transform_indices = #map1}, {transform_indices = #map}]} {
    %mul3A = arith.constant 2 : i32
    %mul3A_0 = arith.muli %arg1, %mul3A : i32
    %add3A = arith.addi %mul3A_0, %arg0 : i32
    %mul3A_1 = arith.constant 10000 : i32
    %mul3A_2 = arith.muli %add3A, %mul3A_1 : i32
    %add3A_3 = arith.constant 320000 : i32
    %add3A_4 = arith.addi %add3A_3, %mul3A_2 : i32
    "tpu.region"() ({
      %run_scoped3A = tpu.sem_alloc : memref<!tpu.dma_semaphore, #tpu.memory_space<semaphore_mem>>
      %dma_start3A_27 = tpu.memref_slice %arg3[%add3A_4] : memref<640000xi32, #tpu.memory_space<hbm>> -> memref<10000xi32, #tpu.memory_space<hbm>>
      %dma_start3A_28 = tpu.memref_slice %arg3[%add3A_4] : memref<640000xi32, #tpu.memory_space<hbm>> -> memref<10000xi32, #tpu.memory_space<hbm>>
      tpu.enqueue_dma source(%dma_start3A_28 : memref<10000xi32, #tpu.memory_space<hbm>>) target(%arg5 : memref<10000xi32, #tpu.memory_space<vmem>>) target_semaphore(%run_scoped3A : memref<!tpu.dma_semaphore, #tpu.memory_space<semaphore_mem>>)
      %dma_wait3A_29 = tpu.memref_slice %arg3[%add3A_4] : memref<640000xi32, #tpu.memory_space<hbm>> -> memref<10000xi32, #tpu.memory_space<hbm>>
      %dma_wait3A_30 = tpu.memref_slice %arg3[%add3A_4] : memref<640000xi32, #tpu.memory_space<hbm>> -> memref<10000xi32, #tpu.memory_space<hbm>>
      tpu.wait_dma2 semaphore(%run_scoped3A : memref<!tpu.dma_semaphore, #tpu.memory_space<semaphore_mem>>) src(%dma_wait3A_30 : memref<10000xi32, #tpu.memory_space<hbm>>) dst(%arg5 : memref<10000xi32, #tpu.memory_space<vmem>>)
      tpu.yield
    }) : () -> ()
    "tpu.region"() ({
      %run_scoped3A = tpu.sem_alloc : memref<!tpu.dma_semaphore, #tpu.memory_space<semaphore_mem>>
      %dma_start3A_27 = tpu.memref_slice %arg3[%mul3A_2] : memref<640000xi32, #tpu.memory_space<hbm>> -> memref<10000xi32, #tpu.memory_space<hbm>>
      %dma_start3A_28 = tpu.memref_slice %arg3[%mul3A_2] : memref<640000xi32, #tpu.memory_space<hbm>> -> memref<10000xi32, #tpu.memory_space<hbm>>
      tpu.enqueue_dma source(%dma_start3A_28 : memref<10000xi32, #tpu.memory_space<hbm>>) target(%arg6 : memref<10000xi32, #tpu.memory_space<vmem>>) target_semaphore(%run_scoped3A : memref<!tpu.dma_semaphore, #tpu.memory_space<semaphore_mem>>)
      %dma_wait3A_29 = tpu.memref_slice %arg3[%mul3A_2] : memref<640000xi32, #tpu.memory_space<hbm>> -> memref<10000xi32, #tpu.memory_space<hbm>>
      %dma_wait3A_30 = tpu.memref_slice %arg3[%mul3A_2] : memref<640000xi32, #tpu.memory_space<hbm>> -> memref<10000xi32, #tpu.memory_space<hbm>>
      tpu.wait_dma2 semaphore(%run_scoped3A : memref<!tpu.dma_semaphore, #tpu.memory_space<semaphore_mem>>) src(%dma_wait3A_30 : memref<10000xi32, #tpu.memory_space<hbm>>) dst(%arg6 : memref<10000xi32, #tpu.memory_space<vmem>>)
      tpu.yield
    }) : () -> ()
    %scan3A = arith.constant 0 : i32
    %scan3A_5 = arith.constant 0 : i32
    %scan3A_6 = arith.constant 625 : i32
    %scan3A_7 = arith.addi %scan3A_5, %scan3A_6 : i32
    %scan3A_8 = arith.constant 1 : i32
    scf.for %scan3A_27 = %scan3A_5 to %scan3A_7 step %scan3A_8  : i32 {
      %mul3A_28 = arith.constant 16 : i32
      %mul3A_29 = arith.muli %scan3A_27, %mul3A_28 : i32
      %get3A = arith.index_cast %mul3A_29 : i32 to index
      %get3A_30 = tpu.vector_load %arg5[%get3A] {strides = array<i32>} : memref<10000xi32, #tpu.memory_space<vmem>>, vector<16xi32>,
      %get3A_31 = vector.shape_cast %get3A_30 : vector<16xi32> to vector<16xi32>
      %mul3A_32 = arith.constant 2 : i32
      %mul3A_33 = vector.broadcast %mul3A_32 : i32 to vector<16xi32>
      %mul3A_34 = arith.muli %get3A_31, %mul3A_33 : vector<16xi32>
      %swap3A = arith.index_cast %mul3A_29 : i32 to index
      %swap3A_35 = tpu.vector_load %arg5[%swap3A] {strides = array<i32>} : memref<10000xi32, #tpu.memory_space<vmem>>, vector<16xi32>,
      %swap3A_36 = vector.shape_cast %swap3A_35 : vector<16xi32> to vector<16xi32>
      %swap3A_37 = vector.shape_cast %mul3A_34 : vector<16xi32> to vector<16xi32>
      tpu.vector_store %arg5[%swap3A], %swap3A_37 {strides = array<i32>} : memref<10000xi32, #tpu.memory_space<vmem>>, vector<16xi32>,
      %get3A_38 = arith.index_cast %mul3A_29 : i32 to index
      %get3A_39 = tpu.vector_load %arg6[%get3A_38] {strides = array<i32>} : memref<10000xi32, #tpu.memory_space<vmem>>, vector<16xi32>,
      %get3A_40 = vector.shape_cast %get3A_39 : vector<16xi32> to vector<16xi32>
      %mul3A_41 = arith.constant 2 : i32
      %mul3A_42 = vector.broadcast %mul3A_41 : i32 to vector<16xi32>
      %mul3A_43 = arith.muli %get3A_40, %mul3A_42 : vector<16xi32>
      %add3A_44 = arith.constant 1 : i32
      %add3A_45 = vector.broadcast %add3A_44 : i32 to vector<16xi32>
      %add3A_46 = arith.addi %mul3A_43, %add3A_45 : vector<16xi32>
      %swap3A_47 = arith.index_cast %mul3A_29 : i32 to index
      %swap3A_48 = tpu.vector_load %arg6[%swap3A_47] {strides = array<i32>} : memref<10000xi32, #tpu.memory_space<vmem>>, vector<16xi32>,
      %swap3A_49 = vector.shape_cast %swap3A_48 : vector<16xi32> to vector<16xi32>
      %swap3A_50 = vector.shape_cast %add3A_46 : vector<16xi32> to vector<16xi32>
      tpu.vector_store %arg6[%swap3A_47], %swap3A_50 {strides = array<i32>} : memref<10000xi32, #tpu.memory_space<vmem>>, vector<16xi32>,
    }
    %scan3A_9 = arith.constant 625 : i32
    %dma_start3A = arith.constant 0 : i32
    %dma_start3A_10 = tpu.memref_slice %arg5[%dma_start3A] : memref<10000xi32, #tpu.memory_space<vmem>> -> memref<128xi32, #tpu.memory_space<vmem>>
    %dma_start3A_11 = arith.constant 0 : i32
    %dma_start3A_12 = arith.constant 0 : i32
    %dma_start3A_13 = tpu.memref_slice %arg2[%dma_start3A_11, %dma_start3A_12] : memref<20000x64xf32, #tpu.memory_space<hbm>> -> memref<20000x64xf32, #tpu.memory_space<hbm>>
    tpu.enqueue_indirect_dma source(%dma_start3A_13 : memref<20000x64xf32, #tpu.memory_space<hbm>>) target(%arg7 : memref<128x64xf32, #tpu.memory_space<vmem>>) offsets(%dma_start3A_10 : memref<128xi32, #tpu.memory_space<vmem>>) semaphore(%arg10 : memref<!tpu.dma_semaphore, #tpu.memory_space<semaphore_mem>>)
    %scan3A_14 = arith.constant 0 : i32
    %scan3A_15 = arith.constant 0 : i32
    %scan3A_16 = arith.constant 39 : i32
    %scan3A_17 = arith.addi %scan3A_15, %scan3A_16 : i32
    %scan3A_18 = arith.constant 1 : i32
    scf.for %scan3A_27 = %scan3A_15 to %scan3A_17 step %scan3A_18  : i32 {
      %mul3A_28 = arith.constant 2 : i32
      %mul3A_29 = arith.muli %mul3A_28, %scan3A_27 : i32
      %add3A_30 = arith.constant 1 : i32
      %add3A_31 = arith.addi %mul3A_29, %add3A_30 : i32
      %mul3A_32 = arith.constant 128 : i32
      %mul3A_33 = arith.muli %mul3A_29, %mul3A_32 : i32
      %dma_wait3A_34 = tpu.memref_slice %arg5[%mul3A_33] : memref<10000xi32, #tpu.memory_space<vmem>> -> memref<128xi32, #tpu.memory_space<vmem>>
      %dma_wait3A_35 = arith.constant 0 : i32
      %dma_wait3A_36 = arith.constant 0 : i32
      %dma_wait3A_37 = tpu.memref_slice %arg2[%dma_wait3A_35, %dma_wait3A_36] : memref<20000x64xf32, #tpu.memory_space<hbm>> -> memref<20000x64xf32, #tpu.memory_space<hbm>>
      tpu.wait_indirect_dma semaphore(%arg10 : memref<!tpu.dma_semaphore, #tpu.memory_space<semaphore_mem>>) src(%dma_wait3A_37 : memref<20000x64xf32, #tpu.memory_space<hbm>>) dst(%arg7 : memref<128x64xf32, #tpu.memory_space<vmem>>)
      %mul3A_38 = arith.constant 128 : i32
      %mul3A_39 = arith.muli %mul3A_29, %mul3A_38 : i32
      %dma_start3A_40 = tpu.memref_slice %arg6[%mul3A_39] : memref<10000xi32, #tpu.memory_space<vmem>> -> memref<128xi32, #tpu.memory_space<vmem>>
      %dma_start3A_41 = arith.constant 0 : i32
      %dma_start3A_42 = arith.constant 0 : i32
      %dma_start3A_43 = tpu.memref_slice %arg2[%dma_start3A_41, %dma_start3A_42] : memref<20000x64xf32, #tpu.memory_space<hbm>> -> memref<20000x64xf32, #tpu.memory_space<hbm>>
      tpu.enqueue_indirect_dma source(%dma_start3A_43 : memref<20000x64xf32, #tpu.memory_space<hbm>>) target(%arg7 : memref<128x64xf32, #tpu.memory_space<vmem>>) offsets(%dma_start3A_40 : memref<128xi32, #tpu.memory_space<vmem>>) semaphore(%arg10 : memref<!tpu.dma_semaphore, #tpu.memory_space<semaphore_mem>>) {add = true}
      %gt3A = arith.constant 0 : i32
      %gt3A_44 = arith.cmpi sgt, %scan3A_27, %gt3A : i32
      %convert_element_type3A = arith.extui %gt3A_44 : i1 to i32
      %cond3A = arith.constant 0 : i32
      %cond3A_45 = arith.cmpi ne, %convert_element_type3A, %cond3A : i32
      scf.if %cond3A_45 {
        %sub3A = arith.constant 2 : i32
        %sub3A_101 = arith.subi %add3A_31, %sub3A : i32
        %mul3A_102 = arith.constant 128 : i32
        %mul3A_103 = arith.muli %sub3A_101, %mul3A_102 : i32
        %add3A_104 = arith.addi %mul3A_2, %mul3A_103 : i32
        %dma_wait3A_105 = arith.constant 0 : i32
        %dma_wait3A_106 = tpu.memref_slice %arg4[%add3A_104, %dma_wait3A_105] : memref<320000x64xf32, #tpu.memory_space<hbm>> -> memref<128x64xf32, #tpu.memory_space<hbm>>
        %dma_wait3A_107 = arith.constant 0 : i32
        %dma_wait3A_108 = tpu.memref_slice %arg4[%add3A_104, %dma_wait3A_107] : memref<320000x64xf32, #tpu.memory_space<hbm>> -> memref<128x64xf32, #tpu.memory_space<hbm>>
        tpu.wait_dma2 semaphore(%arg11 : memref<!tpu.dma_semaphore, #tpu.memory_space<semaphore_mem>>) src(%arg8 : memref<128x64xf32, #tpu.memory_space<vmem>>) dst(%dma_wait3A_108 : memref<128x64xf32, #tpu.memory_space<hbm>>)
      } else {
      }
      %mul3A_46 = arith.constant 128 : i32
      %mul3A_47 = arith.muli %add3A_31, %mul3A_46 : i32
      %dma_start3A_48 = tpu.memref_slice %arg5[%mul3A_47] : memref<10000xi32, #tpu.memory_space<vmem>> -> memref<128xi32, #tpu.memory_space<vmem>>
      %dma_start3A_49 = arith.constant 0 : i32
      %dma_start3A_50 = arith.constant 0 : i32
      %dma_start3A_51 = tpu.memref_slice %arg2[%dma_start3A_49, %dma_start3A_50] : memref<20000x64xf32, #tpu.memory_space<hbm>> -> memref<20000x64xf32, #tpu.memory_space<hbm>>
      tpu.enqueue_indirect_dma source(%dma_start3A_51 : memref<20000x64xf32, #tpu.memory_space<hbm>>) target(%arg8 : memref<128x64xf32, #tpu.memory_space<vmem>>) offsets(%dma_start3A_48 : memref<128xi32, #tpu.memory_space<vmem>>) semaphore(%arg11 : memref<!tpu.dma_semaphore, #tpu.memory_space<semaphore_mem>>)
      %mul3A_52 = arith.constant 128 : i32
      %mul3A_53 = arith.muli %mul3A_29, %mul3A_52 : i32
      %dma_wait3A_54 = tpu.memref_slice %arg6[%mul3A_53] : memref<10000xi32, #tpu.memory_space<vmem>> -> memref<128xi32, #tpu.memory_space<vmem>>
      %dma_wait3A_55 = arith.constant 0 : i32
      %dma_wait3A_56 = arith.constant 0 : i32
      %dma_wait3A_57 = tpu.memref_slice %arg2[%dma_wait3A_55, %dma_wait3A_56] : memref<20000x64xf32, #tpu.memory_space<hbm>> -> memref<20000x64xf32, #tpu.memory_space<hbm>>
      tpu.wait_indirect_dma semaphore(%arg10 : memref<!tpu.dma_semaphore, #tpu.memory_space<semaphore_mem>>) src(%dma_wait3A_57 : memref<20000x64xf32, #tpu.memory_space<hbm>>) dst(%arg7 : memref<128x64xf32, #tpu.memory_space<vmem>>)
      %mul3A_58 = arith.constant 128 : i32
      %mul3A_59 = arith.muli %mul3A_29, %mul3A_58 : i32
      %add3A_60 = arith.addi %mul3A_2, %mul3A_59 : i32
      %dma_start3A_61 = arith.constant 0 : i32
      %dma_start3A_62 = tpu.memref_slice %arg4[%add3A_60, %dma_start3A_61] : memref<320000x64xf32, #tpu.memory_space<hbm>> -> memref<128x64xf32, #tpu.memory_space<hbm>>
      %dma_start3A_63 = arith.constant 0 : i32
      %dma_start3A_64 = tpu.memref_slice %arg4[%add3A_60, %dma_start3A_63] : memref<320000x64xf32, #tpu.memory_space<hbm>> -> memref<128x64xf32, #tpu.memory_space<hbm>>
      tpu.enqueue_dma source(%arg7 : memref<128x64xf32, #tpu.memory_space<vmem>>) target(%dma_start3A_64 : memref<128x64xf32, #tpu.memory_space<hbm>>) target_semaphore(%arg10 : memref<!tpu.dma_semaphore, #tpu.memory_space<semaphore_mem>>)
      %mul3A_65 = arith.constant 128 : i32
      %mul3A_66 = arith.muli %add3A_31, %mul3A_65 : i32
      %dma_wait3A_67 = tpu.memref_slice %arg5[%mul3A_66] : memref<10000xi32, #tpu.memory_space<vmem>> -> memref<128xi32, #tpu.memory_space<vmem>>
      %dma_wait3A_68 = arith.constant 0 : i32
      %dma_wait3A_69 = arith.constant 0 : i32
      %dma_wait3A_70 = tpu.memref_slice %arg2[%dma_wait3A_68, %dma_wait3A_69] : memref<20000x64xf32, #tpu.memory_space<hbm>> -> memref<20000x64xf32, #tpu.memory_space<hbm>>
      tpu.wait_indirect_dma semaphore(%arg11 : memref<!tpu.dma_semaphore, #tpu.memory_space<semaphore_mem>>) src(%dma_wait3A_70 : memref<20000x64xf32, #tpu.memory_space<hbm>>) dst(%arg8 : memref<128x64xf32, #tpu.memory_space<vmem>>)
      %mul3A_71 = arith.constant 128 : i32
      %mul3A_72 = arith.muli %add3A_31, %mul3A_71 : i32
      %dma_start3A_73 = tpu.memref_slice %arg6[%mul3A_72] : memref<10000xi32, #tpu.memory_space<vmem>> -> memref<128xi32, #tpu.memory_space<vmem>>
      %dma_start3A_74 = arith.constant 0 : i32
      %dma_start3A_75 = arith.constant 0 : i32
      %dma_start3A_76 = tpu.memref_slice %arg2[%dma_start3A_74, %dma_start3A_75] : memref<20000x64xf32, #tpu.memory_space<hbm>> -> memref<20000x64xf32, #tpu.memory_space<hbm>>
      tpu.enqueue_indirect_dma source(%dma_start3A_76 : memref<20000x64xf32, #tpu.memory_space<hbm>>) target(%arg8 : memref<128x64xf32, #tpu.memory_space<vmem>>) offsets(%dma_start3A_73 : memref<128xi32, #tpu.memory_space<vmem>>) semaphore(%arg11 : memref<!tpu.dma_semaphore, #tpu.memory_space<semaphore_mem>>) {add = true}
      %mul3A_77 = arith.constant 128 : i32
      %mul3A_78 = arith.muli %mul3A_29, %mul3A_77 : i32
      %add3A_79 = arith.addi %mul3A_2, %mul3A_78 : i32
      %dma_wait3A_80 = arith.constant 0 : i32
      %dma_wait3A_81 = tpu.memref_slice %arg4[%add3A_79, %dma_wait3A_80] : memref<320000x64xf32, #tpu.memory_space<hbm>> -> memref<128x64xf32, #tpu.memory_space<hbm>>
      %dma_wait3A_82 = arith.constant 0 : i32
      %dma_wait3A_83 = tpu.memref_slice %arg4[%add3A_79, %dma_wait3A_82] : memref<320000x64xf32, #tpu.memory_space<hbm>> -> memref<128x64xf32, #tpu.memory_space<hbm>>
      tpu.wait_dma2 semaphore(%arg10 : memref<!tpu.dma_semaphore, #tpu.memory_space<semaphore_mem>>) src(%arg7 : memref<128x64xf32, #tpu.memory_space<vmem>>) dst(%dma_wait3A_83 : memref<128x64xf32, #tpu.memory_space<hbm>>)
      %lt3A = arith.constant 38 : i32
      %lt3A_84 = arith.cmpi slt, %scan3A_27, %lt3A : i32
      %convert_element_type3A_85 = arith.extui %lt3A_84 : i1 to i32
      %cond3A_86 = arith.constant 0 : i32
      %cond3A_87 = arith.cmpi ne, %convert_element_type3A_85, %cond3A_86 : i32
      scf.if %cond3A_87 {
        %add3A_101 = arith.constant 2 : i32
        %add3A_102 = arith.addi %mul3A_29, %add3A_101 : i32
        %mul3A_103 = arith.constant 128 : i32
        %mul3A_104 = arith.muli %add3A_102, %mul3A_103 : i32
        %dma_start3A_105 = tpu.memref_slice %arg5[%mul3A_104] : memref<10000xi32, #tpu.memory_space<vmem>> -> memref<128xi32, #tpu.memory_space<vmem>>
        %dma_start3A_106 = arith.constant 0 : i32
        %dma_start3A_107 = arith.constant 0 : i32
        %dma_start3A_108 = tpu.memref_slice %arg2[%dma_start3A_106, %dma_start3A_107] : memref<20000x64xf32, #tpu.memory_space<hbm>> -> memref<20000x64xf32, #tpu.memory_space<hbm>>
        tpu.enqueue_indirect_dma source(%dma_start3A_108 : memref<20000x64xf32, #tpu.memory_space<hbm>>) target(%arg7 : memref<128x64xf32, #tpu.memory_space<vmem>>) offsets(%dma_start3A_105 : memref<128xi32, #tpu.memory_space<vmem>>) semaphore(%arg10 : memref<!tpu.dma_semaphore, #tpu.memory_space<semaphore_mem>>)
      } else {
      }
      %mul3A_88 = arith.constant 128 : i32
      %mul3A_89 = arith.muli %add3A_31, %mul3A_88 : i32
      %dma_wait3A_90 = tpu.memref_slice %arg6[%mul3A_89] : memref<10000xi32, #tpu.memory_space<vmem>> -> memref<128xi32, #tpu.memory_space<vmem>>
      %dma_wait3A_91 = arith.constant 0 : i32
      %dma_wait3A_92 = arith.constant 0 : i32
      %dma_wait3A_93 = tpu.memref_slice %arg2[%dma_wait3A_91, %dma_wait3A_92] : memref<20000x64xf32, #tpu.memory_space<hbm>> -> memref<20000x64xf32, #tpu.memory_space<hbm>>
      tpu.wait_indirect_dma semaphore(%arg11 : memref<!tpu.dma_semaphore, #tpu.memory_space<semaphore_mem>>) src(%dma_wait3A_93 : memref<20000x64xf32, #tpu.memory_space<hbm>>) dst(%arg8 : memref<128x64xf32, #tpu.memory_space<vmem>>)
      %mul3A_94 = arith.constant 128 : i32
      %mul3A_95 = arith.muli %add3A_31, %mul3A_94 : i32
      %add3A_96 = arith.addi %mul3A_2, %mul3A_95 : i32
      %dma_start3A_97 = arith.constant 0 : i32
      %dma_start3A_98 = tpu.memref_slice %arg4[%add3A_96, %dma_start3A_97] : memref<320000x64xf32, #tpu.memory_space<hbm>> -> memref<128x64xf32, #tpu.memory_space<hbm>>
      %dma_start3A_99 = arith.constant 0 : i32
      %dma_start3A_100 = tpu.memref_slice %arg4[%add3A_96, %dma_start3A_99] : memref<320000x64xf32, #tpu.memory_space<hbm>> -> memref<128x64xf32, #tpu.memory_space<hbm>>
      tpu.enqueue_dma source(%arg8 : memref<128x64xf32, #tpu.memory_space<vmem>>) target(%dma_start3A_100 : memref<128x64xf32, #tpu.memory_space<hbm>>) target_semaphore(%arg11 : memref<!tpu.dma_semaphore, #tpu.memory_space<semaphore_mem>>)
    }
    %scan3A_19 = arith.constant 39 : i32
    %add3A_20 = arith.constant 9856 : i32
    %add3A_21 = arith.addi %mul3A_2, %add3A_20 : i32
    %dma_wait3A = arith.constant 0 : i32
    %dma_wait3A_22 = tpu.memref_slice %arg4[%add3A_21, %dma_wait3A] : memref<320000x64xf32, #tpu.memory_space<hbm>> -> memref<128x64xf32, #tpu.memory_space<hbm>>
    %dma_wait3A_23 = arith.constant 0 : i32
    %dma_wait3A_24 = tpu.memref_slice %arg4[%add3A_21, %dma_wait3A_23] : memref<320000x64xf32, #tpu.memory_space<hbm>> -> memref<128x64xf32, #tpu.memory_space<hbm>>
    tpu.wait_dma2 semaphore(%arg11 : memref<!tpu.dma_semaphore, #tpu.memory_space<semaphore_mem>>) src(%arg8 : memref<128x64xf32, #tpu.memory_space<vmem>>) dst(%dma_wait3A_24 : memref<128x64xf32, #tpu.memory_space<hbm>>)
    "tpu.region"() ({
      %run_scoped3A = tpu.sem_alloc : memref<!tpu.dma_semaphore, #tpu.memory_space<semaphore_mem>>
      %dma_start3A_27 = arith.constant 9984 : i32
      %dma_start3A_28 = tpu.memref_slice %arg5[%dma_start3A_27] : memref<10000xi32, #tpu.memory_space<vmem>> -> memref<16xi32, #tpu.memory_space<vmem>>
      %dma_start3A_29 = arith.constant 0 : i32
      %dma_start3A_30 = arith.constant 0 : i32
      %dma_start3A_31 = tpu.memref_slice %arg2[%dma_start3A_29, %dma_start3A_30] : memref<20000x64xf32, #tpu.memory_space<hbm>> -> memref<20000x64xf32, #tpu.memory_space<hbm>>
      tpu.enqueue_indirect_dma source(%dma_start3A_31 : memref<20000x64xf32, #tpu.memory_space<hbm>>) target(%arg9 : memref<16x64xf32, #tpu.memory_space<vmem>>) offsets(%dma_start3A_28 : memref<16xi32, #tpu.memory_space<vmem>>) semaphore(%run_scoped3A : memref<!tpu.dma_semaphore, #tpu.memory_space<semaphore_mem>>)
      %dma_wait3A_32 = arith.constant 9984 : i32
      %dma_wait3A_33 = tpu.memref_slice %arg5[%dma_wait3A_32] : memref<10000xi32, #tpu.memory_space<vmem>> -> memref<16xi32, #tpu.memory_space<vmem>>
      %dma_wait3A_34 = arith.constant 0 : i32
      %dma_wait3A_35 = arith.constant 0 : i32
      %dma_wait3A_36 = tpu.memref_slice %arg2[%dma_wait3A_34, %dma_wait3A_35] : memref<20000x64xf32, #tpu.memory_space<hbm>> -> memref<20000x64xf32, #tpu.memory_space<hbm>>
      tpu.wait_indirect_dma semaphore(%run_scoped3A : memref<!tpu.dma_semaphore, #tpu.memory_space<semaphore_mem>>) src(%dma_wait3A_36 : memref<20000x64xf32, #tpu.memory_space<hbm>>) dst(%arg9 : memref<16x64xf32, #tpu.memory_space<vmem>>)
      tpu.yield
    }) : () -> ()
    "tpu.region"() ({
      %run_scoped3A = tpu.sem_alloc : memref<!tpu.dma_semaphore, #tpu.memory_space<semaphore_mem>>
      %dma_start3A_27 = arith.constant 9984 : i32
      %dma_start3A_28 = tpu.memref_slice %arg6[%dma_start3A_27] : memref<10000xi32, #tpu.memory_space<vmem>> -> memref<16xi32, #tpu.memory_space<vmem>>
      %dma_start3A_29 = arith.constant 0 : i32
      %dma_start3A_30 = arith.constant 0 : i32
      %dma_start3A_31 = tpu.memref_slice %arg2[%dma_start3A_29, %dma_start3A_30] : memref<20000x64xf32, #tpu.memory_space<hbm>> -> memref<20000x64xf32, #tpu.memory_space<hbm>>
      tpu.enqueue_indirect_dma source(%dma_start3A_31 : memref<20000x64xf32, #tpu.memory_space<hbm>>) target(%arg9 : memref<16x64xf32, #tpu.memory_space<vmem>>) offsets(%dma_start3A_28 : memref<16xi32, #tpu.memory_space<vmem>>) semaphore(%run_scoped3A : memref<!tpu.dma_semaphore, #tpu.memory_space<semaphore_mem>>) {add = true}
      %dma_wait3A_32 = arith.constant 9984 : i32
      %dma_wait3A_33 = tpu.memref_slice %arg6[%dma_wait3A_32] : memref<10000xi32, #tpu.memory_space<vmem>> -> memref<16xi32, #tpu.memory_space<vmem>>
      %dma_wait3A_34 = arith.constant 0 : i32
      %dma_wait3A_35 = arith.constant 0 : i32
      %dma_wait3A_36 = tpu.memref_slice %arg2[%dma_wait3A_34, %dma_wait3A_35] : memref<20000x64xf32, #tpu.memory_space<hbm>> -> memref<20000x64xf32, #tpu.memory_space<hbm>>
      tpu.wait_indirect_dma semaphore(%run_scoped3A : memref<!tpu.dma_semaphore, #tpu.memory_space<semaphore_mem>>) src(%dma_wait3A_36 : memref<20000x64xf32, #tpu.memory_space<hbm>>) dst(%arg9 : memref<16x64xf32, #tpu.memory_space<vmem>>)
      tpu.yield
    }) : () -> ()
    %add3A_25 = arith.constant 9984 : i32
    %add3A_26 = arith.addi %mul3A_2, %add3A_25 : i32
    "tpu.region"() ({
      %run_scoped3A = tpu.sem_alloc : memref<!tpu.dma_semaphore, #tpu.memory_space<semaphore_mem>>
      %dma_start3A_27 = arith.constant 0 : i32
      %dma_start3A_28 = tpu.memref_slice %arg4[%add3A_26, %dma_start3A_27] : memref<320000x64xf32, #tpu.memory_space<hbm>> -> memref<16x64xf32, #tpu.memory_space<hbm>>
      %dma_start3A_29 = arith.constant 0 : i32
      %dma_start3A_30 = tpu.memref_slice %arg4[%add3A_26, %dma_start3A_29] : memref<320000x64xf32, #tpu.memory_space<hbm>> -> memref<16x64xf32, #tpu.memory_space<hbm>>
      tpu.enqueue_dma source(%arg9 : memref<16x64xf32, #tpu.memory_space<vmem>>) target(%dma_start3A_30 : memref<16x64xf32, #tpu.memory_space<hbm>>) target_semaphore(%run_scoped3A : memref<!tpu.dma_semaphore, #tpu.memory_space<semaphore_mem>>)
      %dma_wait3A_31 = arith.constant 0 : i32
      %dma_wait3A_32 = tpu.memref_slice %arg4[%add3A_26, %dma_wait3A_31] : memref<320000x64xf32, #tpu.memory_space<hbm>> -> memref<16x64xf32, #tpu.memory_space<hbm>>
      %dma_wait3A_33 = arith.constant 0 : i32
      %dma_wait3A_34 = tpu.memref_slice %arg4[%add3A_26, %dma_wait3A_33] : memref<320000x64xf32, #tpu.memory_space<hbm>> -> memref<16x64xf32, #tpu.memory_space<hbm>>
      tpu.wait_dma2 semaphore(%run_scoped3A : memref<!tpu.dma_semaphore, #tpu.memory_space<semaphore_mem>>) src(%arg9 : memref<16x64xf32, #tpu.memory_space<vmem>>) dst(%dma_wait3A_34 : memref<16x64xf32, #tpu.memory_space<hbm>>)
      tpu.yield
    }) : () -> ()
    return
  }
}

#map = affine_map<(d0, d1) -> (0, 0)>
#map1 = affine_map<(d0, d1) -> (0)>
#map2 = affine_map<(d0, d1) -> (0, 0, 0)>
module attributes {stable_mosaic.version = 14 : i64} {
  func.func @k(%arg0: i32, %arg1: i32, %arg2: memref<320000x64xf32, #tpu.memory_space<hbm>>, %arg3: memref<640000xi32, #tpu.memory_space<hbm>>, %arg4: memref<2x10000x64xf32, #tpu.memory_space<hbm>>, %arg5: memref<10000x64xf32, #tpu.memory_space<vmem_shared>>, %arg6: memref<625x64xf32, #tpu.memory_space<vmem>>, %arg7: memref<128xi32, #tpu.memory_space<vmem>>, %arg8: memref<128xi32, #tpu.memory_space<vmem>>, %arg9: memref<128x64xf32, #tpu.memory_space<vmem>>, %arg10: memref<128x64xf32, #tpu.memory_space<vmem>>, %arg11: memref<16xi32, #tpu.memory_space<vmem>>, %arg12: memref<16x64xf32, #tpu.memory_space<vmem>>, %arg13: memref<!tpu.dma_semaphore, #tpu.memory_space<semaphore_mem>>, %arg14: memref<!tpu.dma_semaphore, #tpu.memory_space<semaphore_mem>>, %arg15: memref<!tpu.dma_semaphore, #tpu.memory_space<semaphore_mem>>, %arg16: memref<!tpu.dma_semaphore, #tpu.memory_space<semaphore_mem>>) attributes {dimension_semantics = [#tpu.dimension_semantics<core_parallel>, #tpu.dimension_semantics<subcore_parallel>], iteration_bounds = array<i64: 2, 16>, scalar_prefetch = 0 : i64, scratch_operands = 12 : i64, tpu.core_type = #tpu.core_type<sc_vector_subcore>, window_params = [{transform_indices = #map}, {transform_indices = #map1}, {transform_indices = #map2}]} {
    %mul3A = arith.constant 2 : i32
    %mul3A_0 = arith.muli %arg1, %mul3A : i32
    %add3A = arith.addi %mul3A_0, %arg0 : i32
    %mul3A_1 = arith.constant 10000 : i32
    %mul3A_2 = arith.muli %add3A, %mul3A_1 : i32
    %mul3A_3 = arith.constant 625 : i32
    %mul3A_4 = arith.muli %arg1, %mul3A_3 : i32
    %scan3A = arith.constant 0 : i32
    %scan3A_5 = arith.constant 0 : i32
    %scan3A_6 = arith.constant 625 : i32
    %scan3A_7 = arith.addi %scan3A_5, %scan3A_6 : i32
    %scan3A_8 = arith.constant 1 : i32
    scf.for %scan3A_32 = %scan3A_5 to %scan3A_7 step %scan3A_8  : i32 {
      %broadcast_in_dim3A = arith.constant 0.000000e+00 : f32
      %broadcast_in_dim3A_33 = vector.broadcast %broadcast_in_dim3A : f32 to vector<16xf32>
      %swap3A = arith.index_cast %scan3A_32 : i32 to index
      %swap3A_34 = arith.constant 0 : index
      %swap3A_35 = tpu.vector_load %arg6[%swap3A, %swap3A_34] {strides = array<i32>} : memref<625x64xf32, #tpu.memory_space<vmem>>, vector<1x16xf32>,
      %swap3A_36 = vector.shape_cast %swap3A_35 : vector<1x16xf32> to vector<16xf32>
      %swap3A_37 = vector.shape_cast %broadcast_in_dim3A_33 : vector<16xf32> to vector<1x16xf32>
      tpu.vector_store %arg6[%swap3A, %swap3A_34], %swap3A_37 {strides = array<i32>} : memref<625x64xf32, #tpu.memory_space<vmem>>, vector<1x16xf32>,
      %broadcast_in_dim3A_38 = arith.constant 0.000000e+00 : f32
      %broadcast_in_dim3A_39 = vector.broadcast %broadcast_in_dim3A_38 : f32 to vector<16xf32>
      %swap3A_40 = arith.index_cast %scan3A_32 : i32 to index
      %swap3A_41 = arith.constant 16 : index
      %swap3A_42 = tpu.vector_load %arg6[%swap3A_40, %swap3A_41] {strides = array<i32>} : memref<625x64xf32, #tpu.memory_space<vmem>>, vector<1x16xf32>,
      %swap3A_43 = vector.shape_cast %swap3A_42 : vector<1x16xf32> to vector<16xf32>
      %swap3A_44 = vector.shape_cast %broadcast_in_dim3A_39 : vector<16xf32> to vector<1x16xf32>
      tpu.vector_store %arg6[%swap3A_40, %swap3A_41], %swap3A_44 {strides = array<i32>} : memref<625x64xf32, #tpu.memory_space<vmem>>, vector<1x16xf32>,
      %broadcast_in_dim3A_45 = arith.constant 0.000000e+00 : f32
      %broadcast_in_dim3A_46 = vector.broadcast %broadcast_in_dim3A_45 : f32 to vector<16xf32>
      %swap3A_47 = arith.index_cast %scan3A_32 : i32 to index
      %swap3A_48 = arith.constant 32 : index
      %swap3A_49 = tpu.vector_load %arg6[%swap3A_47, %swap3A_48] {strides = array<i32>} : memref<625x64xf32, #tpu.memory_space<vmem>>, vector<1x16xf32>,
      %swap3A_50 = vector.shape_cast %swap3A_49 : vector<1x16xf32> to vector<16xf32>
      %swap3A_51 = vector.shape_cast %broadcast_in_dim3A_46 : vector<16xf32> to vector<1x16xf32>
      tpu.vector_store %arg6[%swap3A_47, %swap3A_48], %swap3A_51 {strides = array<i32>} : memref<625x64xf32, #tpu.memory_space<vmem>>, vector<1x16xf32>,
      %broadcast_in_dim3A_52 = arith.constant 0.000000e+00 : f32
      %broadcast_in_dim3A_53 = vector.broadcast %broadcast_in_dim3A_52 : f32 to vector<16xf32>
      %swap3A_54 = arith.index_cast %scan3A_32 : i32 to index
      %swap3A_55 = arith.constant 48 : index
      %swap3A_56 = tpu.vector_load %arg6[%swap3A_54, %swap3A_55] {strides = array<i32>} : memref<625x64xf32, #tpu.memory_space<vmem>>, vector<1x16xf32>,
      %swap3A_57 = vector.shape_cast %swap3A_56 : vector<1x16xf32> to vector<16xf32>
      %swap3A_58 = vector.shape_cast %broadcast_in_dim3A_53 : vector<16xf32> to vector<1x16xf32>
      tpu.vector_store %arg6[%swap3A_54, %swap3A_55], %swap3A_58 {strides = array<i32>} : memref<625x64xf32, #tpu.memory_space<vmem>>, vector<1x16xf32>,
    }
    %scan3A_9 = arith.constant 625 : i32
    "tpu.region"() ({
      %run_scoped3A = tpu.sem_alloc : memref<!tpu.dma_semaphore, #tpu.memory_space<semaphore_mem>>
      %dma_start3A_32 = arith.constant 0 : i32
      %dma_start3A_33 = tpu.memref_slice %arg5[%mul3A_4, %dma_start3A_32] : memref<10000x64xf32, #tpu.memory_space<vmem_shared>> -> memref<625x64xf32, #tpu.memory_space<vmem_shared>>
      %dma_start3A_34 = arith.constant 0 : i32
      %dma_start3A_35 = tpu.memref_slice %arg5[%mul3A_4, %dma_start3A_34] : memref<10000x64xf32, #tpu.memory_space<vmem_shared>> -> memref<625x64xf32, #tpu.memory_space<vmem_shared>>
      tpu.enqueue_dma source(%arg6 : memref<625x64xf32, #tpu.memory_space<vmem>>) target(%dma_start3A_35 : memref<625x64xf32, #tpu.memory_space<vmem_shared>>) target_semaphore(%run_scoped3A : memref<!tpu.dma_semaphore, #tpu.memory_space<semaphore_mem>>)
      %dma_wait3A_36 = arith.constant 0 : i32
      %dma_wait3A_37 = tpu.memref_slice %arg5[%mul3A_4, %dma_wait3A_36] : memref<10000x64xf32, #tpu.memory_space<vmem_shared>> -> memref<625x64xf32, #tpu.memory_space<vmem_shared>>
      %dma_wait3A_38 = arith.constant 0 : i32
      %dma_wait3A_39 = tpu.memref_slice %arg5[%mul3A_4, %dma_wait3A_38] : memref<10000x64xf32, #tpu.memory_space<vmem_shared>> -> memref<625x64xf32, #tpu.memory_space<vmem_shared>>
      tpu.wait_dma2 semaphore(%run_scoped3A : memref<!tpu.dma_semaphore, #tpu.memory_space<semaphore_mem>>) src(%arg6 : memref<625x64xf32, #tpu.memory_space<vmem>>) dst(%dma_wait3A_39 : memref<625x64xf32, #tpu.memory_space<vmem_shared>>)
      tpu.yield
    }) : () -> ()
    %barrier3A = arith.constant 0 : index
    tpu.barrier barrier_id(%barrier3A)
    %add3A_10 = arith.constant 0 : i32
    %add3A_11 = arith.addi %mul3A_2, %add3A_10 : i32
    %add3A_12 = arith.constant 320000 : i32
    %add3A_13 = arith.addi %add3A_12, %add3A_11 : i32
    %dma_start3A = tpu.memref_slice %arg3[%add3A_13] : memref<640000xi32, #tpu.memory_space<hbm>> -> memref<128xi32, #tpu.memory_space<hbm>>
    %dma_start3A_14 = tpu.memref_slice %arg3[%add3A_13] : memref<640000xi32, #tpu.memory_space<hbm>> -> memref<128xi32, #tpu.memory_space<hbm>>
    tpu.enqueue_dma source(%dma_start3A_14 : memref<128xi32, #tpu.memory_space<hbm>>) target(%arg7 : memref<128xi32, #tpu.memory_space<vmem>>) target_semaphore(%arg13 : memref<!tpu.dma_semaphore, #tpu.memory_space<semaphore_mem>>)
    %dma_start3A_15 = arith.constant 0 : i32
    %dma_start3A_16 = tpu.memref_slice %arg2[%add3A_11, %dma_start3A_15] : memref<320000x64xf32, #tpu.memory_space<hbm>> -> memref<128x64xf32, #tpu.memory_space<hbm>>
    %dma_start3A_17 = arith.constant 0 : i32
    %dma_start3A_18 = tpu.memref_slice %arg2[%add3A_11, %dma_start3A_17] : memref<320000x64xf32, #tpu.memory_space<hbm>> -> memref<128x64xf32, #tpu.memory_space<hbm>>
    tpu.enqueue_dma source(%dma_start3A_18 : memref<128x64xf32, #tpu.memory_space<hbm>>) target(%arg9 : memref<128x64xf32, #tpu.memory_space<vmem>>) target_semaphore(%arg13 : memref<!tpu.dma_semaphore, #tpu.memory_space<semaphore_mem>>)
    %scan3A_19 = arith.constant 0 : i32
    %scan3A_20 = arith.constant 0 : i32
    %scan3A_21 = arith.constant 39 : i32
    %scan3A_22 = arith.addi %scan3A_20, %scan3A_21 : i32
    %scan3A_23 = arith.constant 1 : i32
    scf.for %scan3A_32 = %scan3A_20 to %scan3A_22 step %scan3A_23  : i32 {
      %mul3A_33 = arith.constant 2 : i32
      %mul3A_34 = arith.muli %mul3A_33, %scan3A_32 : i32
      %add3A_35 = arith.constant 1 : i32
      %add3A_36 = arith.addi %mul3A_34, %add3A_35 : i32
      %mul3A_37 = arith.constant 128 : i32
      %mul3A_38 = arith.muli %mul3A_34, %mul3A_37 : i32
      %add3A_39 = arith.addi %mul3A_2, %mul3A_38 : i32
      %add3A_40 = arith.constant 320000 : i32
      %add3A_41 = arith.addi %add3A_40, %add3A_39 : i32
      %dma_wait3A_42 = tpu.memref_slice %arg3[%add3A_41] : memref<640000xi32, #tpu.memory_space<hbm>> -> memref<128xi32, #tpu.memory_space<hbm>>
      %dma_wait3A_43 = tpu.memref_slice %arg3[%add3A_41] : memref<640000xi32, #tpu.memory_space<hbm>> -> memref<128xi32, #tpu.memory_space<hbm>>
      tpu.wait_dma2 semaphore(%arg13 : memref<!tpu.dma_semaphore, #tpu.memory_space<semaphore_mem>>) src(%dma_wait3A_43 : memref<128xi32, #tpu.memory_space<hbm>>) dst(%arg7 : memref<128xi32, #tpu.memory_space<vmem>>)
      %dma_wait3A_44 = arith.constant 0 : i32
      %dma_wait3A_45 = tpu.memref_slice %arg2[%add3A_39, %dma_wait3A_44] : memref<320000x64xf32, #tpu.memory_space<hbm>> -> memref<128x64xf32, #tpu.memory_space<hbm>>
      %dma_wait3A_46 = arith.constant 0 : i32
      %dma_wait3A_47 = tpu.memref_slice %arg2[%add3A_39, %dma_wait3A_46] : memref<320000x64xf32, #tpu.memory_space<hbm>> -> memref<128x64xf32, #tpu.memory_space<hbm>>
      tpu.wait_dma2 semaphore(%arg13 : memref<!tpu.dma_semaphore, #tpu.memory_space<semaphore_mem>>) src(%dma_wait3A_47 : memref<128x64xf32, #tpu.memory_space<hbm>>) dst(%arg9 : memref<128x64xf32, #tpu.memory_space<vmem>>)
      %gt3A = arith.constant 0 : i32
      %gt3A_48 = arith.cmpi sgt, %scan3A_32, %gt3A : i32
      %convert_element_type3A = arith.extui %gt3A_48 : i1 to i32
      %cond3A = arith.constant 0 : i32
      %cond3A_49 = arith.cmpi ne, %convert_element_type3A, %cond3A : i32
      scf.if %cond3A_49 {
        %dma_wait3A_85 = arith.constant 0 : i32
        %dma_wait3A_86 = arith.constant 0 : i32
        %dma_wait3A_87 = tpu.memref_slice %arg5[%dma_wait3A_85, %dma_wait3A_86] : memref<10000x64xf32, #tpu.memory_space<vmem_shared>> -> memref<10000x64xf32, #tpu.memory_space<vmem_shared>>
        tpu.wait_indirect_dma semaphore(%arg16 : memref<!tpu.dma_semaphore, #tpu.memory_space<semaphore_mem>>) src(%arg10 : memref<128x64xf32, #tpu.memory_space<vmem>>) dst(%dma_wait3A_87 : memref<10000x64xf32, #tpu.memory_space<vmem_shared>>)
      } else {
      }
      %mul3A_50 = arith.constant 128 : i32
      %mul3A_51 = arith.muli %add3A_36, %mul3A_50 : i32
      %add3A_52 = arith.addi %mul3A_2, %mul3A_51 : i32
      %add3A_53 = arith.constant 320000 : i32
      %add3A_54 = arith.addi %add3A_53, %add3A_52 : i32
      %dma_start3A_55 = tpu.memref_slice %arg3[%add3A_54] : memref<640000xi32, #tpu.memory_space<hbm>> -> memref<128xi32, #tpu.memory_space<hbm>>
      %dma_start3A_56 = tpu.memref_slice %arg3[%add3A_54] : memref<640000xi32, #tpu.memory_space<hbm>> -> memref<128xi32, #tpu.memory_space<hbm>>
      tpu.enqueue_dma source(%dma_start3A_56 : memref<128xi32, #tpu.memory_space<hbm>>) target(%arg8 : memref<128xi32, #tpu.memory_space<vmem>>) target_semaphore(%arg14 : memref<!tpu.dma_semaphore, #tpu.memory_space<semaphore_mem>>)
      %dma_start3A_57 = arith.constant 0 : i32
      %dma_start3A_58 = tpu.memref_slice %arg2[%add3A_52, %dma_start3A_57] : memref<320000x64xf32, #tpu.memory_space<hbm>> -> memref<128x64xf32, #tpu.memory_space<hbm>>
      %dma_start3A_59 = arith.constant 0 : i32
      %dma_start3A_60 = tpu.memref_slice %arg2[%add3A_52, %dma_start3A_59] : memref<320000x64xf32, #tpu.memory_space<hbm>> -> memref<128x64xf32, #tpu.memory_space<hbm>>
      tpu.enqueue_dma source(%dma_start3A_60 : memref<128x64xf32, #tpu.memory_space<hbm>>) target(%arg10 : memref<128x64xf32, #tpu.memory_space<vmem>>) target_semaphore(%arg14 : memref<!tpu.dma_semaphore, #tpu.memory_space<semaphore_mem>>)
      %dma_start3A_61 = arith.constant 0 : i32
      %dma_start3A_62 = arith.constant 0 : i32
      %dma_start3A_63 = tpu.memref_slice %arg5[%dma_start3A_61, %dma_start3A_62] : memref<10000x64xf32, #tpu.memory_space<vmem_shared>> -> memref<10000x64xf32, #tpu.memory_space<vmem_shared>>
      tpu.enqueue_indirect_dma source(%arg9 : memref<128x64xf32, #tpu.memory_space<vmem>>) target(%dma_start3A_63 : memref<10000x64xf32, #tpu.memory_space<vmem_shared>>) offsets(%arg7 : memref<128xi32, #tpu.memory_space<vmem>>) semaphore(%arg15 : memref<!tpu.dma_semaphore, #tpu.memory_space<semaphore_mem>>) {add = true}
      %mul3A_64 = arith.constant 128 : i32
      %mul3A_65 = arith.muli %add3A_36, %mul3A_64 : i32
      %add3A_66 = arith.addi %mul3A_2, %mul3A_65 : i32
      %add3A_67 = arith.constant 320000 : i32
      %add3A_68 = arith.addi %add3A_67, %add3A_66 : i32
      %dma_wait3A_69 = tpu.memref_slice %arg3[%add3A_68] : memref<640000xi32, #tpu.memory_space<hbm>> -> memref<128xi32, #tpu.memory_space<hbm>>
      %dma_wait3A_70 = tpu.memref_slice %arg3[%add3A_68] : memref<640000xi32, #tpu.memory_space<hbm>> -> memref<128xi32, #tpu.memory_space<hbm>>
      tpu.wait_dma2 semaphore(%arg14 : memref<!tpu.dma_semaphore, #tpu.memory_space<semaphore_mem>>) src(%dma_wait3A_70 : memref<128xi32, #tpu.memory_space<hbm>>) dst(%arg8 : memref<128xi32, #tpu.memory_space<vmem>>)
      %dma_wait3A_71 = arith.constant 0 : i32
      %dma_wait3A_72 = tpu.memref_slice %arg2[%add3A_66, %dma_wait3A_71] : memref<320000x64xf32, #tpu.memory_space<hbm>> -> memref<128x64xf32, #tpu.memory_space<hbm>>
      %dma_wait3A_73 = arith.constant 0 : i32
      %dma_wait3A_74 = tpu.memref_slice %arg2[%add3A_66, %dma_wait3A_73] : memref<320000x64xf32, #tpu.memory_space<hbm>> -> memref<128x64xf32, #tpu.memory_space<hbm>>
      tpu.wait_dma2 semaphore(%arg14 : memref<!tpu.dma_semaphore, #tpu.memory_space<semaphore_mem>>) src(%dma_wait3A_74 : memref<128x64xf32, #tpu.memory_space<hbm>>) dst(%arg10 : memref<128x64xf32, #tpu.memory_space<vmem>>)
      %dma_wait3A_75 = arith.constant 0 : i32
      %dma_wait3A_76 = arith.constant 0 : i32
      %dma_wait3A_77 = tpu.memref_slice %arg5[%dma_wait3A_75, %dma_wait3A_76] : memref<10000x64xf32, #tpu.memory_space<vmem_shared>> -> memref<10000x64xf32, #tpu.memory_space<vmem_shared>>
      tpu.wait_indirect_dma semaphore(%arg15 : memref<!tpu.dma_semaphore, #tpu.memory_space<semaphore_mem>>) src(%arg9 : memref<128x64xf32, #tpu.memory_space<vmem>>) dst(%dma_wait3A_77 : memref<10000x64xf32, #tpu.memory_space<vmem_shared>>)
      %lt3A = arith.constant 38 : i32
      %lt3A_78 = arith.cmpi slt, %scan3A_32, %lt3A : i32
      %convert_element_type3A_79 = arith.extui %lt3A_78 : i1 to i32
      %cond3A_80 = arith.constant 0 : i32
      %cond3A_81 = arith.cmpi ne, %convert_element_type3A_79, %cond3A_80 : i32
      scf.if %cond3A_81 {
        %add3A_85 = arith.constant 2 : i32
        %add3A_86 = arith.addi %mul3A_34, %add3A_85 : i32
        %mul3A_87 = arith.constant 128 : i32
        %mul3A_88 = arith.muli %add3A_86, %mul3A_87 : i32
        %add3A_89 = arith.addi %mul3A_2, %mul3A_88 : i32
        %add3A_90 = arith.constant 320000 : i32
        %add3A_91 = arith.addi %add3A_90, %add3A_89 : i32
        %dma_start3A_92 = tpu.memref_slice %arg3[%add3A_91] : memref<640000xi32, #tpu.memory_space<hbm>> -> memref<128xi32, #tpu.memory_space<hbm>>
        %dma_start3A_93 = tpu.memref_slice %arg3[%add3A_91] : memref<640000xi32, #tpu.memory_space<hbm>> -> memref<128xi32, #tpu.memory_space<hbm>>
        tpu.enqueue_dma source(%dma_start3A_93 : memref<128xi32, #tpu.memory_space<hbm>>) target(%arg7 : memref<128xi32, #tpu.memory_space<vmem>>) target_semaphore(%arg13 : memref<!tpu.dma_semaphore, #tpu.memory_space<semaphore_mem>>)
        %dma_start3A_94 = arith.constant 0 : i32
        %dma_start3A_95 = tpu.memref_slice %arg2[%add3A_89, %dma_start3A_94] : memref<320000x64xf32, #tpu.memory_space<hbm>> -> memref<128x64xf32, #tpu.memory_space<hbm>>
        %dma_start3A_96 = arith.constant 0 : i32
        %dma_start3A_97 = tpu.memref_slice %arg2[%add3A_89, %dma_start3A_96] : memref<320000x64xf32, #tpu.memory_space<hbm>> -> memref<128x64xf32, #tpu.memory_space<hbm>>
        tpu.enqueue_dma source(%dma_start3A_97 : memref<128x64xf32, #tpu.memory_space<hbm>>) target(%arg9 : memref<128x64xf32, #tpu.memory_space<vmem>>) target_semaphore(%arg13 : memref<!tpu.dma_semaphore, #tpu.memory_space<semaphore_mem>>)
      } else {
      }
      %dma_start3A_82 = arith.constant 0 : i32
      %dma_start3A_83 = arith.constant 0 : i32
      %dma_start3A_84 = tpu.memref_slice %arg5[%dma_start3A_82, %dma_start3A_83] : memref<10000x64xf32, #tpu.memory_space<vmem_shared>> -> memref<10000x64xf32, #tpu.memory_space<vmem_shared>>
      tpu.enqueue_indirect_dma source(%arg10 : memref<128x64xf32, #tpu.memory_space<vmem>>) target(%dma_start3A_84 : memref<10000x64xf32, #tpu.memory_space<vmem_shared>>) offsets(%arg8 : memref<128xi32, #tpu.memory_space<vmem>>) semaphore(%arg16 : memref<!tpu.dma_semaphore, #tpu.memory_space<semaphore_mem>>) {add = true}
    }
    %scan3A_24 = arith.constant 39 : i32
    %dma_wait3A = arith.constant 0 : i32
    %dma_wait3A_25 = arith.constant 0 : i32
    %dma_wait3A_26 = tpu.memref_slice %arg5[%dma_wait3A, %dma_wait3A_25] : memref<10000x64xf32, #tpu.memory_space<vmem_shared>> -> memref<10000x64xf32, #tpu.memory_space<vmem_shared>>
    tpu.wait_indirect_dma semaphore(%arg16 : memref<!tpu.dma_semaphore, #tpu.memory_space<semaphore_mem>>) src(%arg10 : memref<128x64xf32, #tpu.memory_space<vmem>>) dst(%dma_wait3A_26 : memref<10000x64xf32, #tpu.memory_space<vmem_shared>>)
    %add3A_27 = arith.constant 9984 : i32
    %add3A_28 = arith.addi %mul3A_2, %add3A_27 : i32
    %add3A_29 = arith.constant 320000 : i32
    %add3A_30 = arith.addi %add3A_29, %add3A_28 : i32
    "tpu.region"() ({
      %run_scoped3A = tpu.sem_alloc : memref<!tpu.dma_semaphore, #tpu.memory_space<semaphore_mem>>
      %dma_start3A_32 = tpu.memref_slice %arg3[%add3A_30] : memref<640000xi32, #tpu.memory_space<hbm>> -> memref<16xi32, #tpu.memory_space<hbm>>
      %dma_start3A_33 = tpu.memref_slice %arg3[%add3A_30] : memref<640000xi32, #tpu.memory_space<hbm>> -> memref<16xi32, #tpu.memory_space<hbm>>
      tpu.enqueue_dma source(%dma_start3A_33 : memref<16xi32, #tpu.memory_space<hbm>>) target(%arg11 : memref<16xi32, #tpu.memory_space<vmem>>) target_semaphore(%run_scoped3A : memref<!tpu.dma_semaphore, #tpu.memory_space<semaphore_mem>>)
      %dma_wait3A_34 = tpu.memref_slice %arg3[%add3A_30] : memref<640000xi32, #tpu.memory_space<hbm>> -> memref<16xi32, #tpu.memory_space<hbm>>
      %dma_wait3A_35 = tpu.memref_slice %arg3[%add3A_30] : memref<640000xi32, #tpu.memory_space<hbm>> -> memref<16xi32, #tpu.memory_space<hbm>>
      tpu.wait_dma2 semaphore(%run_scoped3A : memref<!tpu.dma_semaphore, #tpu.memory_space<semaphore_mem>>) src(%dma_wait3A_35 : memref<16xi32, #tpu.memory_space<hbm>>) dst(%arg11 : memref<16xi32, #tpu.memory_space<vmem>>)
      tpu.yield
    }) : () -> ()
    "tpu.region"() ({
      %run_scoped3A = tpu.sem_alloc : memref<!tpu.dma_semaphore, #tpu.memory_space<semaphore_mem>>
      %dma_start3A_32 = arith.constant 0 : i32
      %dma_start3A_33 = tpu.memref_slice %arg2[%add3A_28, %dma_start3A_32] : memref<320000x64xf32, #tpu.memory_space<hbm>> -> memref<16x64xf32, #tpu.memory_space<hbm>>
      %dma_start3A_34 = arith.constant 0 : i32
      %dma_start3A_35 = tpu.memref_slice %arg2[%add3A_28, %dma_start3A_34] : memref<320000x64xf32, #tpu.memory_space<hbm>> -> memref<16x64xf32, #tpu.memory_space<hbm>>
      tpu.enqueue_dma source(%dma_start3A_35 : memref<16x64xf32, #tpu.memory_space<hbm>>) target(%arg12 : memref<16x64xf32, #tpu.memory_space<vmem>>) target_semaphore(%run_scoped3A : memref<!tpu.dma_semaphore, #tpu.memory_space<semaphore_mem>>)
      %dma_wait3A_36 = arith.constant 0 : i32
      %dma_wait3A_37 = tpu.memref_slice %arg2[%add3A_28, %dma_wait3A_36] : memref<320000x64xf32, #tpu.memory_space<hbm>> -> memref<16x64xf32, #tpu.memory_space<hbm>>
      %dma_wait3A_38 = arith.constant 0 : i32
      %dma_wait3A_39 = tpu.memref_slice %arg2[%add3A_28, %dma_wait3A_38] : memref<320000x64xf32, #tpu.memory_space<hbm>> -> memref<16x64xf32, #tpu.memory_space<hbm>>
      tpu.wait_dma2 semaphore(%run_scoped3A : memref<!tpu.dma_semaphore, #tpu.memory_space<semaphore_mem>>) src(%dma_wait3A_39 : memref<16x64xf32, #tpu.memory_space<hbm>>) dst(%arg12 : memref<16x64xf32, #tpu.memory_space<vmem>>)
      tpu.yield
    }) : () -> ()
    "tpu.region"() ({
      %run_scoped3A = tpu.sem_alloc : memref<!tpu.dma_semaphore, #tpu.memory_space<semaphore_mem>>
      %dma_start3A_32 = arith.constant 0 : i32
      %dma_start3A_33 = arith.constant 0 : i32
      %dma_start3A_34 = tpu.memref_slice %arg5[%dma_start3A_32, %dma_start3A_33] : memref<10000x64xf32, #tpu.memory_space<vmem_shared>> -> memref<10000x64xf32, #tpu.memory_space<vmem_shared>>
      tpu.enqueue_indirect_dma source(%arg12 : memref<16x64xf32, #tpu.memory_space<vmem>>) target(%dma_start3A_34 : memref<10000x64xf32, #tpu.memory_space<vmem_shared>>) offsets(%arg11 : memref<16xi32, #tpu.memory_space<vmem>>) semaphore(%run_scoped3A : memref<!tpu.dma_semaphore, #tpu.memory_space<semaphore_mem>>) {add = true}
      %dma_wait3A_35 = arith.constant 0 : i32
      %dma_wait3A_36 = arith.constant 0 : i32
      %dma_wait3A_37 = tpu.memref_slice %arg5[%dma_wait3A_35, %dma_wait3A_36] : memref<10000x64xf32, #tpu.memory_space<vmem_shared>> -> memref<10000x64xf32, #tpu.memory_space<vmem_shared>>
      tpu.wait_indirect_dma semaphore(%run_scoped3A : memref<!tpu.dma_semaphore, #tpu.memory_space<semaphore_mem>>) src(%arg12 : memref<16x64xf32, #tpu.memory_space<vmem>>) dst(%dma_wait3A_37 : memref<10000x64xf32, #tpu.memory_space<vmem_shared>>)
      tpu.yield
    }) : () -> ()
    %barrier3A_31 = arith.constant 0 : index
    tpu.barrier barrier_id(%barrier3A_31)
    "tpu.region"() ({
      %run_scoped3A = tpu.sem_alloc : memref<!tpu.dma_semaphore, #tpu.memory_space<semaphore_mem>>
      %dma_start3A_32 = arith.constant 0 : i32
      %dma_start3A_33 = tpu.memref_slice %arg5[%mul3A_4, %dma_start3A_32] : memref<10000x64xf32, #tpu.memory_space<vmem_shared>> -> memref<625x64xf32, #tpu.memory_space<vmem_shared>>
      %dma_start3A_34 = arith.constant 0 : i32
      %dma_start3A_35 = tpu.memref_slice %arg5[%mul3A_4, %dma_start3A_34] : memref<10000x64xf32, #tpu.memory_space<vmem_shared>> -> memref<625x64xf32, #tpu.memory_space<vmem_shared>>
      tpu.enqueue_dma source(%dma_start3A_35 : memref<625x64xf32, #tpu.memory_space<vmem_shared>>) target(%arg6 : memref<625x64xf32, #tpu.memory_space<vmem>>) target_semaphore(%run_scoped3A : memref<!tpu.dma_semaphore, #tpu.memory_space<semaphore_mem>>)
      %dma_wait3A_36 = arith.constant 0 : i32
      %dma_wait3A_37 = tpu.memref_slice %arg5[%mul3A_4, %dma_wait3A_36] : memref<10000x64xf32, #tpu.memory_space<vmem_shared>> -> memref<625x64xf32, #tpu.memory_space<vmem_shared>>
      %dma_wait3A_38 = arith.constant 0 : i32
      %dma_wait3A_39 = tpu.memref_slice %arg5[%mul3A_4, %dma_wait3A_38] : memref<10000x64xf32, #tpu.memory_space<vmem_shared>> -> memref<625x64xf32, #tpu.memory_space<vmem_shared>>
      tpu.wait_dma2 semaphore(%run_scoped3A : memref<!tpu.dma_semaphore, #tpu.memory_space<semaphore_mem>>) src(%dma_wait3A_39 : memref<625x64xf32, #tpu.memory_space<vmem_shared>>) dst(%arg6 : memref<625x64xf32, #tpu.memory_space<vmem>>)
      tpu.yield
    }) : () -> ()
    "tpu.region"() ({
      %run_scoped3A = tpu.sem_alloc : memref<!tpu.dma_semaphore, #tpu.memory_space<semaphore_mem>>
      %dma_start3A_32 = arith.constant 0 : i32
      %dma_start3A_33 = tpu.memref_slice %arg4[%arg0, %mul3A_4, %dma_start3A_32] : memref<2x10000x64xf32, #tpu.memory_space<hbm>> -> memref<1x625x64xf32, #tpu.memory_space<hbm>>
      %dma_start3A_34 = tpu.memref_squeeze %dma_start3A_33 : memref<1x625x64xf32, #tpu.memory_space<hbm>> -> memref<625x64xf32, #tpu.memory_space<hbm>>
      %dma_start3A_35 = arith.constant 0 : i32
      %dma_start3A_36 = tpu.memref_slice %arg4[%arg0, %mul3A_4, %dma_start3A_35] : memref<2x10000x64xf32, #tpu.memory_space<hbm>> -> memref<1x625x64xf32, #tpu.memory_space<hbm>>
      %dma_start3A_37 = tpu.memref_squeeze %dma_start3A_36 : memref<1x625x64xf32, #tpu.memory_space<hbm>> -> memref<625x64xf32, #tpu.memory_space<hbm>>
      tpu.enqueue_dma source(%arg6 : memref<625x64xf32, #tpu.memory_space<vmem>>) target(%dma_start3A_37 : memref<625x64xf32, #tpu.memory_space<hbm>>) target_semaphore(%run_scoped3A : memref<!tpu.dma_semaphore, #tpu.memory_space<semaphore_mem>>)
      %dma_wait3A_38 = arith.constant 0 : i32
      %dma_wait3A_39 = tpu.memref_slice %arg4[%arg0, %mul3A_4, %dma_wait3A_38] : memref<2x10000x64xf32, #tpu.memory_space<hbm>> -> memref<1x625x64xf32, #tpu.memory_space<hbm>>
      %dma_wait3A_40 = tpu.memref_squeeze %dma_wait3A_39 : memref<1x625x64xf32, #tpu.memory_space<hbm>> -> memref<625x64xf32, #tpu.memory_space<hbm>>
      %dma_wait3A_41 = arith.constant 0 : i32
      %dma_wait3A_42 = tpu.memref_slice %arg4[%arg0, %mul3A_4, %dma_wait3A_41] : memref<2x10000x64xf32, #tpu.memory_space<hbm>> -> memref<1x625x64xf32, #tpu.memory_space<hbm>>
      %dma_wait3A_43 = tpu.memref_squeeze %dma_wait3A_42 : memref<1x625x64xf32, #tpu.memory_space<hbm>> -> memref<625x64xf32, #tpu.memory_space<hbm>>
      tpu.wait_dma2 semaphore(%run_scoped3A : memref<!tpu.dma_semaphore, #tpu.memory_space<semaphore_mem>>) src(%arg6 : memref<625x64xf32, #tpu.memory_space<vmem>>) dst(%dma_wait3A_43 : memref<625x64xf32, #tpu.memory_space<hbm>>)
      tpu.yield
    }) : () -> ()
    return
  }
}

#map = affine_map<(d0, d1) -> (0, 0)>
#map1 = affine_map<(d0, d1) -> (0)>
#map2 = affine_map<(d0, d1) -> (0, 0, 0)>
module attributes {stable_mosaic.version = 14 : i64} {
  func.func @k(%arg0: i32, %arg1: i32, %arg2: memref<320000x64xf32, #tpu.memory_space<hbm>>, %arg3: memref<640000xi32, #tpu.memory_space<hbm>>, %arg4: memref<2x10000x64xf32, #tpu.memory_space<hbm>>, %arg5: memref<2x10000x16xf32, #tpu.memory_space<hbm>>, %arg6: memref<10000x64xf32, #tpu.memory_space<vmem_shared>>, %arg7: memref<625x64xf32, #tpu.memory_space<vmem>>, %arg8: memref<128xi32, #tpu.memory_space<vmem>>, %arg9: memref<128xi32, #tpu.memory_space<vmem>>, %arg10: memref<128x64xf32, #tpu.memory_space<vmem>>, %arg11: memref<128x64xf32, #tpu.memory_space<vmem>>, %arg12: memref<16xi32, #tpu.memory_space<vmem>>, %arg13: memref<16x64xf32, #tpu.memory_space<vmem>>, %arg14: memref<!tpu.dma_semaphore, #tpu.memory_space<semaphore_mem>>, %arg15: memref<!tpu.dma_semaphore, #tpu.memory_space<semaphore_mem>>, %arg16: memref<!tpu.dma_semaphore, #tpu.memory_space<semaphore_mem>>, %arg17: memref<!tpu.dma_semaphore, #tpu.memory_space<semaphore_mem>>, %arg18: memref<10000x16xf32, #tpu.memory_space<vmem_shared>>, %arg19: memref<625x16xf32, #tpu.memory_space<vmem>>, %arg20: memref<128x16xf32, #tpu.memory_space<vmem>>, %arg21: memref<16x16xf32, #tpu.memory_space<vmem>>) attributes {dimension_semantics = [#tpu.dimension_semantics<core_parallel>, #tpu.dimension_semantics<subcore_parallel>], iteration_bounds = array<i64: 2, 16>, scalar_prefetch = 0 : i64, scratch_operands = 16 : i64, tpu.core_type = #tpu.core_type<sc_vector_subcore>, window_params = [{transform_indices = #map}, {transform_indices = #map1}, {transform_indices = #map2}, {transform_indices = #map2}]} {
    %mul3A = arith.constant 2 : i32
    %mul3A_0 = arith.muli %arg1, %mul3A : i32
    %add3A = arith.addi %mul3A_0, %arg0 : i32
    %mul3A_1 = arith.constant 10000 : i32
    %mul3A_2 = arith.muli %add3A, %mul3A_1 : i32
    %mul3A_3 = arith.constant 625 : i32
    %mul3A_4 = arith.muli %arg1, %mul3A_3 : i32
    %scan3A = arith.constant 0 : i32
    %scan3A_5 = arith.constant 0 : i32
    %scan3A_6 = arith.constant 625 : i32
    %scan3A_7 = arith.addi %scan3A_5, %scan3A_6 : i32
    %scan3A_8 = arith.constant 1 : i32
    scf.for %scan3A_170 = %scan3A_5 to %scan3A_7 step %scan3A_8  : i32 {
      %broadcast_in_dim3A_171 = arith.constant 0.000000e+00 : f32
      %broadcast_in_dim3A_172 = vector.broadcast %broadcast_in_dim3A_171 : f32 to vector<16xf32>
      %swap3A_173 = arith.index_cast %scan3A_170 : i32 to index
      %swap3A_174 = arith.constant 0 : index
      %swap3A_175 = tpu.vector_load %arg7[%swap3A_173, %swap3A_174] {strides = array<i32>} : memref<625x64xf32, #tpu.memory_space<vmem>>, vector<1x16xf32>,
      %swap3A_176 = vector.shape_cast %swap3A_175 : vector<1x16xf32> to vector<16xf32>
      %swap3A_177 = vector.shape_cast %broadcast_in_dim3A_172 : vector<16xf32> to vector<1x16xf32>
      tpu.vector_store %arg7[%swap3A_173, %swap3A_174], %swap3A_177 {strides = array<i32>} : memref<625x64xf32, #tpu.memory_space<vmem>>, vector<1x16xf32>,
      %broadcast_in_dim3A_178 = arith.constant 0.000000e+00 : f32
      %broadcast_in_dim3A_179 = vector.broadcast %broadcast_in_dim3A_178 : f32 to vector<16xf32>
      %swap3A_180 = arith.index_cast %scan3A_170 : i32 to index
      %swap3A_181 = arith.constant 16 : index
      %swap3A_182 = tpu.vector_load %arg7[%swap3A_180, %swap3A_181] {strides = array<i32>} : memref<625x64xf32, #tpu.memory_space<vmem>>, vector<1x16xf32>,
      %swap3A_183 = vector.shape_cast %swap3A_182 : vector<1x16xf32> to vector<16xf32>
      %swap3A_184 = vector.shape_cast %broadcast_in_dim3A_179 : vector<16xf32> to vector<1x16xf32>
      tpu.vector_store %arg7[%swap3A_180, %swap3A_181], %swap3A_184 {strides = array<i32>} : memref<625x64xf32, #tpu.memory_space<vmem>>, vector<1x16xf32>,
      %broadcast_in_dim3A_185 = arith.constant 0.000000e+00 : f32
      %broadcast_in_dim3A_186 = vector.broadcast %broadcast_in_dim3A_185 : f32 to vector<16xf32>
      %swap3A_187 = arith.index_cast %scan3A_170 : i32 to index
      %swap3A_188 = arith.constant 32 : index
      %swap3A_189 = tpu.vector_load %arg7[%swap3A_187, %swap3A_188] {strides = array<i32>} : memref<625x64xf32, #tpu.memory_space<vmem>>, vector<1x16xf32>,
      %swap3A_190 = vector.shape_cast %swap3A_189 : vector<1x16xf32> to vector<16xf32>
      %swap3A_191 = vector.shape_cast %broadcast_in_dim3A_186 : vector<16xf32> to vector<1x16xf32>
      tpu.vector_store %arg7[%swap3A_187, %swap3A_188], %swap3A_191 {strides = array<i32>} : memref<625x64xf32, #tpu.memory_space<vmem>>, vector<1x16xf32>,
      %broadcast_in_dim3A_192 = arith.constant 0.000000e+00 : f32
      %broadcast_in_dim3A_193 = vector.broadcast %broadcast_in_dim3A_192 : f32 to vector<16xf32>
      %swap3A_194 = arith.index_cast %scan3A_170 : i32 to index
      %swap3A_195 = arith.constant 48 : index
      %swap3A_196 = tpu.vector_load %arg7[%swap3A_194, %swap3A_195] {strides = array<i32>} : memref<625x64xf32, #tpu.memory_space<vmem>>, vector<1x16xf32>,
      %swap3A_197 = vector.shape_cast %swap3A_196 : vector<1x16xf32> to vector<16xf32>
      %swap3A_198 = vector.shape_cast %broadcast_in_dim3A_193 : vector<16xf32> to vector<1x16xf32>
      tpu.vector_store %arg7[%swap3A_194, %swap3A_195], %swap3A_198 {strides = array<i32>} : memref<625x64xf32, #tpu.memory_space<vmem>>, vector<1x16xf32>,
    }
    %scan3A_9 = arith.constant 625 : i32
    "tpu.region"() ({
      %run_scoped3A = tpu.sem_alloc : memref<!tpu.dma_semaphore, #tpu.memory_space<semaphore_mem>>
      %dma_start3A_170 = arith.constant 0 : i32
      %dma_start3A_171 = tpu.memref_slice %arg6[%mul3A_4, %dma_start3A_170] : memref<10000x64xf32, #tpu.memory_space<vmem_shared>> -> memref<625x64xf32, #tpu.memory_space<vmem_shared>>
      %dma_start3A_172 = arith.constant 0 : i32
      %dma_start3A_173 = tpu.memref_slice %arg6[%mul3A_4, %dma_start3A_172] : memref<10000x64xf32, #tpu.memory_space<vmem_shared>> -> memref<625x64xf32, #tpu.memory_space<vmem_shared>>
      tpu.enqueue_dma source(%arg7 : memref<625x64xf32, #tpu.memory_space<vmem>>) target(%dma_start3A_173 : memref<625x64xf32, #tpu.memory_space<vmem_shared>>) target_semaphore(%run_scoped3A : memref<!tpu.dma_semaphore, #tpu.memory_space<semaphore_mem>>)
      %dma_wait3A_174 = arith.constant 0 : i32
      %dma_wait3A_175 = tpu.memref_slice %arg6[%mul3A_4, %dma_wait3A_174] : memref<10000x64xf32, #tpu.memory_space<vmem_shared>> -> memref<625x64xf32, #tpu.memory_space<vmem_shared>>
      %dma_wait3A_176 = arith.constant 0 : i32
      %dma_wait3A_177 = tpu.memref_slice %arg6[%mul3A_4, %dma_wait3A_176] : memref<10000x64xf32, #tpu.memory_space<vmem_shared>> -> memref<625x64xf32, #tpu.memory_space<vmem_shared>>
      tpu.wait_dma2 semaphore(%run_scoped3A : memref<!tpu.dma_semaphore, #tpu.memory_space<semaphore_mem>>) src(%arg7 : memref<625x64xf32, #tpu.memory_space<vmem>>) dst(%dma_wait3A_177 : memref<625x64xf32, #tpu.memory_space<vmem_shared>>)
      tpu.yield
    }) : () -> ()
    %scan3A_10 = arith.constant 0 : i32
    %scan3A_11 = arith.constant 0 : i32
    %scan3A_12 = arith.constant 625 : i32
    %scan3A_13 = arith.addi %scan3A_11, %scan3A_12 : i32
    %scan3A_14 = arith.constant 1 : i32
    scf.for %scan3A_170 = %scan3A_11 to %scan3A_13 step %scan3A_14  : i32 {
      %broadcast_in_dim3A_171 = arith.constant 0.000000e+00 : f32
      %broadcast_in_dim3A_172 = vector.broadcast %broadcast_in_dim3A_171 : f32 to vector<16xf32>
      %swap3A_173 = arith.index_cast %scan3A_170 : i32 to index
      %swap3A_174 = arith.constant 0 : index
      %swap3A_175 = tpu.vector_load %arg19[%swap3A_173, %swap3A_174] {strides = array<i32>} : memref<625x16xf32, #tpu.memory_space<vmem>>, vector<1x16xf32>,
      %swap3A_176 = vector.shape_cast %swap3A_175 : vector<1x16xf32> to vector<16xf32>
      %swap3A_177 = vector.shape_cast %broadcast_in_dim3A_172 : vector<16xf32> to vector<1x16xf32>
      tpu.vector_store %arg19[%swap3A_173, %swap3A_174], %swap3A_177 {strides = array<i32>} : memref<625x16xf32, #tpu.memory_space<vmem>>, vector<1x16xf32>,
    }
    %scan3A_15 = arith.constant 625 : i32
    "tpu.region"() ({
      %run_scoped3A = tpu.sem_alloc : memref<!tpu.dma_semaphore, #tpu.memory_space<semaphore_mem>>
      %dma_start3A_170 = arith.constant 0 : i32
      %dma_start3A_171 = tpu.memref_slice %arg18[%mul3A_4, %dma_start3A_170] : memref<10000x16xf32, #tpu.memory_space<vmem_shared>> -> memref<625x16xf32, #tpu.memory_space<vmem_shared>>
      %dma_start3A_172 = arith.constant 0 : i32
      %dma_start3A_173 = tpu.memref_slice %arg18[%mul3A_4, %dma_start3A_172] : memref<10000x16xf32, #tpu.memory_space<vmem_shared>> -> memref<625x16xf32, #tpu.memory_space<vmem_shared>>
      tpu.enqueue_dma source(%arg19 : memref<625x16xf32, #tpu.memory_space<vmem>>) target(%dma_start3A_173 : memref<625x16xf32, #tpu.memory_space<vmem_shared>>) target_semaphore(%run_scoped3A : memref<!tpu.dma_semaphore, #tpu.memory_space<semaphore_mem>>)
      %dma_wait3A_174 = arith.constant 0 : i32
      %dma_wait3A_175 = tpu.memref_slice %arg18[%mul3A_4, %dma_wait3A_174] : memref<10000x16xf32, #tpu.memory_space<vmem_shared>> -> memref<625x16xf32, #tpu.memory_space<vmem_shared>>
      %dma_wait3A_176 = arith.constant 0 : i32
      %dma_wait3A_177 = tpu.memref_slice %arg18[%mul3A_4, %dma_wait3A_176] : memref<10000x16xf32, #tpu.memory_space<vmem_shared>> -> memref<625x16xf32, #tpu.memory_space<vmem_shared>>
      tpu.wait_dma2 semaphore(%run_scoped3A : memref<!tpu.dma_semaphore, #tpu.memory_space<semaphore_mem>>) src(%arg19 : memref<625x16xf32, #tpu.memory_space<vmem>>) dst(%dma_wait3A_177 : memref<625x16xf32, #tpu.memory_space<vmem_shared>>)
      tpu.yield
    }) : () -> ()
    %scan3A_16 = arith.constant 0 : i32
    %scan3A_17 = arith.constant 0 : i32
    %scan3A_18 = arith.constant 128 : i32
    %scan3A_19 = arith.addi %scan3A_17, %scan3A_18 : i32
    %scan3A_20 = arith.constant 1 : i32
    scf.for %scan3A_170 = %scan3A_17 to %scan3A_19 step %scan3A_20  : i32 {
      %broadcast_in_dim3A_171 = arith.constant 1.000000e+00 : f32
      %broadcast_in_dim3A_172 = vector.broadcast %broadcast_in_dim3A_171 : f32 to vector<16xf32>
      %swap3A_173 = arith.index_cast %scan3A_170 : i32 to index
      %swap3A_174 = arith.constant 0 : index
      %swap3A_175 = tpu.vector_load %arg20[%swap3A_173, %swap3A_174] {strides = array<i32>} : memref<128x16xf32, #tpu.memory_space<vmem>>, vector<1x16xf32>,
      %swap3A_176 = vector.shape_cast %swap3A_175 : vector<1x16xf32> to vector<16xf32>
      %swap3A_177 = vector.shape_cast %broadcast_in_dim3A_172 : vector<16xf32> to vector<1x16xf32>
      tpu.vector_store %arg20[%swap3A_173, %swap3A_174], %swap3A_177 {strides = array<i32>} : memref<128x16xf32, #tpu.memory_space<vmem>>, vector<1x16xf32>,
    }
    %scan3A_21 = arith.constant 128 : i32
    %broadcast_in_dim3A = arith.constant 1.000000e+00 : f32
    %broadcast_in_dim3A_22 = vector.broadcast %broadcast_in_dim3A : f32 to vector<16xf32>
    %swap3A = arith.constant 0 : i32
    %swap3A_23 = arith.index_cast %swap3A : i32 to index
    %swap3A_24 = arith.constant 0 : index
    %swap3A_25 = tpu.vector_load %arg21[%swap3A_23, %swap3A_24] {strides = array<i32>} : memref<16x16xf32, #tpu.memory_space<vmem>>, vector<1x16xf32>,
    %swap3A_26 = vector.shape_cast %swap3A_25 : vector<1x16xf32> to vector<16xf32>
    %swap3A_27 = vector.shape_cast %broadcast_in_dim3A_22 : vector<16xf32> to vector<1x16xf32>
    tpu.vector_store %arg21[%swap3A_23, %swap3A_24], %swap3A_27 {strides = array<i32>} : memref<16x16xf32, #tpu.memory_space<vmem>>, vector<1x16xf32>,
    %broadcast_in_dim3A_28 = arith.constant 1.000000e+00 : f32
    %broadcast_in_dim3A_29 = vector.broadcast %broadcast_in_dim3A_28 : f32 to vector<16xf32>
    %swap3A_30 = arith.constant 1 : i32
    %swap3A_31 = arith.index_cast %swap3A_30 : i32 to index
    %swap3A_32 = arith.constant 0 : index
    %swap3A_33 = tpu.vector_load %arg21[%swap3A_31, %swap3A_32] {strides = array<i32>} : memref<16x16xf32, #tpu.memory_space<vmem>>, vector<1x16xf32>,
    %swap3A_34 = vector.shape_cast %swap3A_33 : vector<1x16xf32> to vector<16xf32>
    %swap3A_35 = vector.shape_cast %broadcast_in_dim3A_29 : vector<16xf32> to vector<1x16xf32>
    tpu.vector_store %arg21[%swap3A_31, %swap3A_32], %swap3A_35 {strides = array<i32>} : memref<16x16xf32, #tpu.memory_space<vmem>>, vector<1x16xf32>,
    %broadcast_in_dim3A_36 = arith.constant 1.000000e+00 : f32
    %broadcast_in_dim3A_37 = vector.broadcast %broadcast_in_dim3A_36 : f32 to vector<16xf32>
    %swap3A_38 = arith.constant 2 : i32
    %swap3A_39 = arith.index_cast %swap3A_38 : i32 to index
    %swap3A_40 = arith.constant 0 : index
    %swap3A_41 = tpu.vector_load %arg21[%swap3A_39, %swap3A_40] {strides = array<i32>} : memref<16x16xf32, #tpu.memory_space<vmem>>, vector<1x16xf32>,
    %swap3A_42 = vector.shape_cast %swap3A_41 : vector<1x16xf32> to vector<16xf32>
    %swap3A_43 = vector.shape_cast %broadcast_in_dim3A_37 : vector<16xf32> to vector<1x16xf32>
    tpu.vector_store %arg21[%swap3A_39, %swap3A_40], %swap3A_43 {strides = array<i32>} : memref<16x16xf32, #tpu.memory_space<vmem>>, vector<1x16xf32>,
    %broadcast_in_dim3A_44 = arith.constant 1.000000e+00 : f32
    %broadcast_in_dim3A_45 = vector.broadcast %broadcast_in_dim3A_44 : f32 to vector<16xf32>
    %swap3A_46 = arith.constant 3 : i32
    %swap3A_47 = arith.index_cast %swap3A_46 : i32 to index
    %swap3A_48 = arith.constant 0 : index
    %swap3A_49 = tpu.vector_load %arg21[%swap3A_47, %swap3A_48] {strides = array<i32>} : memref<16x16xf32, #tpu.memory_space<vmem>>, vector<1x16xf32>,
    %swap3A_50 = vector.shape_cast %swap3A_49 : vector<1x16xf32> to vector<16xf32>
    %swap3A_51 = vector.shape_cast %broadcast_in_dim3A_45 : vector<16xf32> to vector<1x16xf32>
    tpu.vector_store %arg21[%swap3A_47, %swap3A_48], %swap3A_51 {strides = array<i32>} : memref<16x16xf32, #tpu.memory_space<vmem>>, vector<1x16xf32>,
    %broadcast_in_dim3A_52 = arith.constant 1.000000e+00 : f32
    %broadcast_in_dim3A_53 = vector.broadcast %broadcast_in_dim3A_52 : f32 to vector<16xf32>
    %swap3A_54 = arith.constant 4 : i32
    %swap3A_55 = arith.index_cast %swap3A_54 : i32 to index
    %swap3A_56 = arith.constant 0 : index
    %swap3A_57 = tpu.vector_load %arg21[%swap3A_55, %swap3A_56] {strides = array<i32>} : memref<16x16xf32, #tpu.memory_space<vmem>>, vector<1x16xf32>,
    %swap3A_58 = vector.shape_cast %swap3A_57 : vector<1x16xf32> to vector<16xf32>
    %swap3A_59 = vector.shape_cast %broadcast_in_dim3A_53 : vector<16xf32> to vector<1x16xf32>
    tpu.vector_store %arg21[%swap3A_55, %swap3A_56], %swap3A_59 {strides = array<i32>} : memref<16x16xf32, #tpu.memory_space<vmem>>, vector<1x16xf32>,
    %broadcast_in_dim3A_60 = arith.constant 1.000000e+00 : f32
    %broadcast_in_dim3A_61 = vector.broadcast %broadcast_in_dim3A_60 : f32 to vector<16xf32>
    %swap3A_62 = arith.constant 5 : i32
    %swap3A_63 = arith.index_cast %swap3A_62 : i32 to index
    %swap3A_64 = arith.constant 0 : index
    %swap3A_65 = tpu.vector_load %arg21[%swap3A_63, %swap3A_64] {strides = array<i32>} : memref<16x16xf32, #tpu.memory_space<vmem>>, vector<1x16xf32>,
    %swap3A_66 = vector.shape_cast %swap3A_65 : vector<1x16xf32> to vector<16xf32>
    %swap3A_67 = vector.shape_cast %broadcast_in_dim3A_61 : vector<16xf32> to vector<1x16xf32>
    tpu.vector_store %arg21[%swap3A_63, %swap3A_64], %swap3A_67 {strides = array<i32>} : memref<16x16xf32, #tpu.memory_space<vmem>>, vector<1x16xf32>,
    %broadcast_in_dim3A_68 = arith.constant 1.000000e+00 : f32
    %broadcast_in_dim3A_69 = vector.broadcast %broadcast_in_dim3A_68 : f32 to vector<16xf32>
    %swap3A_70 = arith.constant 6 : i32
    %swap3A_71 = arith.index_cast %swap3A_70 : i32 to index
    %swap3A_72 = arith.constant 0 : index
    %swap3A_73 = tpu.vector_load %arg21[%swap3A_71, %swap3A_72] {strides = array<i32>} : memref<16x16xf32, #tpu.memory_space<vmem>>, vector<1x16xf32>,
    %swap3A_74 = vector.shape_cast %swap3A_73 : vector<1x16xf32> to vector<16xf32>
    %swap3A_75 = vector.shape_cast %broadcast_in_dim3A_69 : vector<16xf32> to vector<1x16xf32>
    tpu.vector_store %arg21[%swap3A_71, %swap3A_72], %swap3A_75 {strides = array<i32>} : memref<16x16xf32, #tpu.memory_space<vmem>>, vector<1x16xf32>,
    %broadcast_in_dim3A_76 = arith.constant 1.000000e+00 : f32
    %broadcast_in_dim3A_77 = vector.broadcast %broadcast_in_dim3A_76 : f32 to vector<16xf32>
    %swap3A_78 = arith.constant 7 : i32
    %swap3A_79 = arith.index_cast %swap3A_78 : i32 to index
    %swap3A_80 = arith.constant 0 : index
    %swap3A_81 = tpu.vector_load %arg21[%swap3A_79, %swap3A_80] {strides = array<i32>} : memref<16x16xf32, #tpu.memory_space<vmem>>, vector<1x16xf32>,
    %swap3A_82 = vector.shape_cast %swap3A_81 : vector<1x16xf32> to vector<16xf32>
    %swap3A_83 = vector.shape_cast %broadcast_in_dim3A_77 : vector<16xf32> to vector<1x16xf32>
    tpu.vector_store %arg21[%swap3A_79, %swap3A_80], %swap3A_83 {strides = array<i32>} : memref<16x16xf32, #tpu.memory_space<vmem>>, vector<1x16xf32>,
    %broadcast_in_dim3A_84 = arith.constant 1.000000e+00 : f32
    %broadcast_in_dim3A_85 = vector.broadcast %broadcast_in_dim3A_84 : f32 to vector<16xf32>
    %swap3A_86 = arith.constant 8 : i32
    %swap3A_87 = arith.index_cast %swap3A_86 : i32 to index
    %swap3A_88 = arith.constant 0 : index
    %swap3A_89 = tpu.vector_load %arg21[%swap3A_87, %swap3A_88] {strides = array<i32>} : memref<16x16xf32, #tpu.memory_space<vmem>>, vector<1x16xf32>,
    %swap3A_90 = vector.shape_cast %swap3A_89 : vector<1x16xf32> to vector<16xf32>
    %swap3A_91 = vector.shape_cast %broadcast_in_dim3A_85 : vector<16xf32> to vector<1x16xf32>
    tpu.vector_store %arg21[%swap3A_87, %swap3A_88], %swap3A_91 {strides = array<i32>} : memref<16x16xf32, #tpu.memory_space<vmem>>, vector<1x16xf32>,
    %broadcast_in_dim3A_92 = arith.constant 1.000000e+00 : f32
    %broadcast_in_dim3A_93 = vector.broadcast %broadcast_in_dim3A_92 : f32 to vector<16xf32>
    %swap3A_94 = arith.constant 9 : i32
    %swap3A_95 = arith.index_cast %swap3A_94 : i32 to index
    %swap3A_96 = arith.constant 0 : index
    %swap3A_97 = tpu.vector_load %arg21[%swap3A_95, %swap3A_96] {strides = array<i32>} : memref<16x16xf32, #tpu.memory_space<vmem>>, vector<1x16xf32>,
    %swap3A_98 = vector.shape_cast %swap3A_97 : vector<1x16xf32> to vector<16xf32>
    %swap3A_99 = vector.shape_cast %broadcast_in_dim3A_93 : vector<16xf32> to vector<1x16xf32>
    tpu.vector_store %arg21[%swap3A_95, %swap3A_96], %swap3A_99 {strides = array<i32>} : memref<16x16xf32, #tpu.memory_space<vmem>>, vector<1x16xf32>,
    %broadcast_in_dim3A_100 = arith.constant 1.000000e+00 : f32
    %broadcast_in_dim3A_101 = vector.broadcast %broadcast_in_dim3A_100 : f32 to vector<16xf32>
    %swap3A_102 = arith.constant 10 : i32
    %swap3A_103 = arith.index_cast %swap3A_102 : i32 to index
    %swap3A_104 = arith.constant 0 : index
    %swap3A_105 = tpu.vector_load %arg21[%swap3A_103, %swap3A_104] {strides = array<i32>} : memref<16x16xf32, #tpu.memory_space<vmem>>, vector<1x16xf32>,
    %swap3A_106 = vector.shape_cast %swap3A_105 : vector<1x16xf32> to vector<16xf32>
    %swap3A_107 = vector.shape_cast %broadcast_in_dim3A_101 : vector<16xf32> to vector<1x16xf32>
    tpu.vector_store %arg21[%swap3A_103, %swap3A_104], %swap3A_107 {strides = array<i32>} : memref<16x16xf32, #tpu.memory_space<vmem>>, vector<1x16xf32>,
    %broadcast_in_dim3A_108 = arith.constant 1.000000e+00 : f32
    %broadcast_in_dim3A_109 = vector.broadcast %broadcast_in_dim3A_108 : f32 to vector<16xf32>
    %swap3A_110 = arith.constant 11 : i32
    %swap3A_111 = arith.index_cast %swap3A_110 : i32 to index
    %swap3A_112 = arith.constant 0 : index
    %swap3A_113 = tpu.vector_load %arg21[%swap3A_111, %swap3A_112] {strides = array<i32>} : memref<16x16xf32, #tpu.memory_space<vmem>>, vector<1x16xf32>,
    %swap3A_114 = vector.shape_cast %swap3A_113 : vector<1x16xf32> to vector<16xf32>
    %swap3A_115 = vector.shape_cast %broadcast_in_dim3A_109 : vector<16xf32> to vector<1x16xf32>
    tpu.vector_store %arg21[%swap3A_111, %swap3A_112], %swap3A_115 {strides = array<i32>} : memref<16x16xf32, #tpu.memory_space<vmem>>, vector<1x16xf32>,
    %broadcast_in_dim3A_116 = arith.constant 1.000000e+00 : f32
    %broadcast_in_dim3A_117 = vector.broadcast %broadcast_in_dim3A_116 : f32 to vector<16xf32>
    %swap3A_118 = arith.constant 12 : i32
    %swap3A_119 = arith.index_cast %swap3A_118 : i32 to index
    %swap3A_120 = arith.constant 0 : index
    %swap3A_121 = tpu.vector_load %arg21[%swap3A_119, %swap3A_120] {strides = array<i32>} : memref<16x16xf32, #tpu.memory_space<vmem>>, vector<1x16xf32>,
    %swap3A_122 = vector.shape_cast %swap3A_121 : vector<1x16xf32> to vector<16xf32>
    %swap3A_123 = vector.shape_cast %broadcast_in_dim3A_117 : vector<16xf32> to vector<1x16xf32>
    tpu.vector_store %arg21[%swap3A_119, %swap3A_120], %swap3A_123 {strides = array<i32>} : memref<16x16xf32, #tpu.memory_space<vmem>>, vector<1x16xf32>,
    %broadcast_in_dim3A_124 = arith.constant 1.000000e+00 : f32
    %broadcast_in_dim3A_125 = vector.broadcast %broadcast_in_dim3A_124 : f32 to vector<16xf32>
    %swap3A_126 = arith.constant 13 : i32
    %swap3A_127 = arith.index_cast %swap3A_126 : i32 to index
    %swap3A_128 = arith.constant 0 : index
    %swap3A_129 = tpu.vector_load %arg21[%swap3A_127, %swap3A_128] {strides = array<i32>} : memref<16x16xf32, #tpu.memory_space<vmem>>, vector<1x16xf32>,
    %swap3A_130 = vector.shape_cast %swap3A_129 : vector<1x16xf32> to vector<16xf32>
    %swap3A_131 = vector.shape_cast %broadcast_in_dim3A_125 : vector<16xf32> to vector<1x16xf32>
    tpu.vector_store %arg21[%swap3A_127, %swap3A_128], %swap3A_131 {strides = array<i32>} : memref<16x16xf32, #tpu.memory_space<vmem>>, vector<1x16xf32>,
    %broadcast_in_dim3A_132 = arith.constant 1.000000e+00 : f32
    %broadcast_in_dim3A_133 = vector.broadcast %broadcast_in_dim3A_132 : f32 to vector<16xf32>
    %swap3A_134 = arith.constant 14 : i32
    %swap3A_135 = arith.index_cast %swap3A_134 : i32 to index
    %swap3A_136 = arith.constant 0 : index
    %swap3A_137 = tpu.vector_load %arg21[%swap3A_135, %swap3A_136] {strides = array<i32>} : memref<16x16xf32, #tpu.memory_space<vmem>>, vector<1x16xf32>,
    %swap3A_138 = vector.shape_cast %swap3A_137 : vector<1x16xf32> to vector<16xf32>
    %swap3A_139 = vector.shape_cast %broadcast_in_dim3A_133 : vector<16xf32> to vector<1x16xf32>
    tpu.vector_store %arg21[%swap3A_135, %swap3A_136], %swap3A_139 {strides = array<i32>} : memref<16x16xf32, #tpu.memory_space<vmem>>, vector<1x16xf32>,
    %broadcast_in_dim3A_140 = arith.constant 1.000000e+00 : f32
    %broadcast_in_dim3A_141 = vector.broadcast %broadcast_in_dim3A_140 : f32 to vector<16xf32>
    %swap3A_142 = arith.constant 15 : i32
    %swap3A_143 = arith.index_cast %swap3A_142 : i32 to index
    %swap3A_144 = arith.constant 0 : index
    %swap3A_145 = tpu.vector_load %arg21[%swap3A_143, %swap3A_144] {strides = array<i32>} : memref<16x16xf32, #tpu.memory_space<vmem>>, vector<1x16xf32>,
    %swap3A_146 = vector.shape_cast %swap3A_145 : vector<1x16xf32> to vector<16xf32>
    %swap3A_147 = vector.shape_cast %broadcast_in_dim3A_141 : vector<16xf32> to vector<1x16xf32>
    tpu.vector_store %arg21[%swap3A_143, %swap3A_144], %swap3A_147 {strides = array<i32>} : memref<16x16xf32, #tpu.memory_space<vmem>>, vector<1x16xf32>,
    %barrier3A = arith.constant 0 : index
    tpu.barrier barrier_id(%barrier3A)
    %add3A_148 = arith.constant 0 : i32
    %add3A_149 = arith.addi %mul3A_2, %add3A_148 : i32
    %add3A_150 = arith.constant 320000 : i32
    %add3A_151 = arith.addi %add3A_150, %add3A_149 : i32
    %dma_start3A = tpu.memref_slice %arg3[%add3A_151] : memref<640000xi32, #tpu.memory_space<hbm>> -> memref<128xi32, #tpu.memory_space<hbm>>
    %dma_start3A_152 = tpu.memref_slice %arg3[%add3A_151] : memref<640000xi32, #tpu.memory_space<hbm>> -> memref<128xi32, #tpu.memory_space<hbm>>
    tpu.enqueue_dma source(%dma_start3A_152 : memref<128xi32, #tpu.memory_space<hbm>>) target(%arg8 : memref<128xi32, #tpu.memory_space<vmem>>) target_semaphore(%arg14 : memref<!tpu.dma_semaphore, #tpu.memory_space<semaphore_mem>>)
    %dma_start3A_153 = arith.constant 0 : i32
    %dma_start3A_154 = tpu.memref_slice %arg2[%add3A_149, %dma_start3A_153] : memref<320000x64xf32, #tpu.memory_space<hbm>> -> memref<128x64xf32, #tpu.memory_space<hbm>>
    %dma_start3A_155 = arith.constant 0 : i32
    %dma_start3A_156 = tpu.memref_slice %arg2[%add3A_149, %dma_start3A_155] : memref<320000x64xf32, #tpu.memory_space<hbm>> -> memref<128x64xf32, #tpu.memory_space<hbm>>
    tpu.enqueue_dma source(%dma_start3A_156 : memref<128x64xf32, #tpu.memory_space<hbm>>) target(%arg10 : memref<128x64xf32, #tpu.memory_space<vmem>>) target_semaphore(%arg14 : memref<!tpu.dma_semaphore, #tpu.memory_space<semaphore_mem>>)
    %scan3A_157 = arith.constant 0 : i32
    %scan3A_158 = arith.constant 0 : i32
    %scan3A_159 = arith.constant 39 : i32
    %scan3A_160 = arith.addi %scan3A_158, %scan3A_159 : i32
    %scan3A_161 = arith.constant 1 : i32
    scf.for %scan3A_170 = %scan3A_158 to %scan3A_160 step %scan3A_161  : i32 {
      %mul3A_171 = arith.constant 2 : i32
      %mul3A_172 = arith.muli %mul3A_171, %scan3A_170 : i32
      %add3A_173 = arith.constant 1 : i32
      %add3A_174 = arith.addi %mul3A_172, %add3A_173 : i32
      %mul3A_175 = arith.constant 128 : i32
      %mul3A_176 = arith.muli %mul3A_172, %mul3A_175 : i32
      %add3A_177 = arith.addi %mul3A_2, %mul3A_176 : i32
      %add3A_178 = arith.constant 320000 : i32
      %add3A_179 = arith.addi %add3A_178, %add3A_177 : i32
      %dma_wait3A_180 = tpu.memref_slice %arg3[%add3A_179] : memref<640000xi32, #tpu.memory_space<hbm>> -> memref<128xi32, #tpu.memory_space<hbm>>
      %dma_wait3A_181 = tpu.memref_slice %arg3[%add3A_179] : memref<640000xi32, #tpu.memory_space<hbm>> -> memref<128xi32, #tpu.memory_space<hbm>>
      tpu.wait_dma2 semaphore(%arg14 : memref<!tpu.dma_semaphore, #tpu.memory_space<semaphore_mem>>) src(%dma_wait3A_181 : memref<128xi32, #tpu.memory_space<hbm>>) dst(%arg8 : memref<128xi32, #tpu.memory_space<vmem>>)
      %dma_wait3A_182 = arith.constant 0 : i32
      %dma_wait3A_183 = tpu.memref_slice %arg2[%add3A_177, %dma_wait3A_182] : memref<320000x64xf32, #tpu.memory_space<hbm>> -> memref<128x64xf32, #tpu.memory_space<hbm>>
      %dma_wait3A_184 = arith.constant 0 : i32
      %dma_wait3A_185 = tpu.memref_slice %arg2[%add3A_177, %dma_wait3A_184] : memref<320000x64xf32, #tpu.memory_space<hbm>> -> memref<128x64xf32, #tpu.memory_space<hbm>>
      tpu.wait_dma2 semaphore(%arg14 : memref<!tpu.dma_semaphore, #tpu.memory_space<semaphore_mem>>) src(%dma_wait3A_185 : memref<128x64xf32, #tpu.memory_space<hbm>>) dst(%arg10 : memref<128x64xf32, #tpu.memory_space<vmem>>)
      %gt3A = arith.constant 0 : i32
      %gt3A_186 = arith.cmpi sgt, %scan3A_170, %gt3A : i32
      %convert_element_type3A = arith.extui %gt3A_186 : i1 to i32
      %cond3A = arith.constant 0 : i32
      %cond3A_187 = arith.cmpi ne, %convert_element_type3A, %cond3A : i32
      scf.if %cond3A_187 {
        %dma_wait3A_223 = arith.constant 0 : i32
        %dma_wait3A_224 = arith.constant 0 : i32
        %dma_wait3A_225 = tpu.memref_slice %arg6[%dma_wait3A_223, %dma_wait3A_224] : memref<10000x64xf32, #tpu.memory_space<vmem_shared>> -> memref<10000x64xf32, #tpu.memory_space<vmem_shared>>
        tpu.wait_indirect_dma semaphore(%arg17 : memref<!tpu.dma_semaphore, #tpu.memory_space<semaphore_mem>>) src(%arg11 : memref<128x64xf32, #tpu.memory_space<vmem>>) dst(%dma_wait3A_225 : memref<10000x64xf32, #tpu.memory_space<vmem_shared>>)
      } else {
      }
      %mul3A_188 = arith.constant 128 : i32
      %mul3A_189 = arith.muli %add3A_174, %mul3A_188 : i32
      %add3A_190 = arith.addi %mul3A_2, %mul3A_189 : i32
      %add3A_191 = arith.constant 320000 : i32
      %add3A_192 = arith.addi %add3A_191, %add3A_190 : i32
      %dma_start3A_193 = tpu.memref_slice %arg3[%add3A_192] : memref<640000xi32, #tpu.memory_space<hbm>> -> memref<128xi32, #tpu.memory_space<hbm>>
      %dma_start3A_194 = tpu.memref_slice %arg3[%add3A_192] : memref<640000xi32, #tpu.memory_space<hbm>> -> memref<128xi32, #tpu.memory_space<hbm>>
      tpu.enqueue_dma source(%dma_start3A_194 : memref<128xi32, #tpu.memory_space<hbm>>) target(%arg9 : memref<128xi32, #tpu.memory_space<vmem>>) target_semaphore(%arg15 : memref<!tpu.dma_semaphore, #tpu.memory_space<semaphore_mem>>)
      %dma_start3A_195 = arith.constant 0 : i32
      %dma_start3A_196 = tpu.memref_slice %arg2[%add3A_190, %dma_start3A_195] : memref<320000x64xf32, #tpu.memory_space<hbm>> -> memref<128x64xf32, #tpu.memory_space<hbm>>
      %dma_start3A_197 = arith.constant 0 : i32
      %dma_start3A_198 = tpu.memref_slice %arg2[%add3A_190, %dma_start3A_197] : memref<320000x64xf32, #tpu.memory_space<hbm>> -> memref<128x64xf32, #tpu.memory_space<hbm>>
      tpu.enqueue_dma source(%dma_start3A_198 : memref<128x64xf32, #tpu.memory_space<hbm>>) target(%arg11 : memref<128x64xf32, #tpu.memory_space<vmem>>) target_semaphore(%arg15 : memref<!tpu.dma_semaphore, #tpu.memory_space<semaphore_mem>>)
      %dma_start3A_199 = arith.constant 0 : i32
      %dma_start3A_200 = arith.constant 0 : i32
      %dma_start3A_201 = tpu.memref_slice %arg6[%dma_start3A_199, %dma_start3A_200] : memref<10000x64xf32, #tpu.memory_space<vmem_shared>> -> memref<10000x64xf32, #tpu.memory_space<vmem_shared>>
      tpu.enqueue_indirect_dma source(%arg10 : memref<128x64xf32, #tpu.memory_space<vmem>>) target(%dma_start3A_201 : memref<10000x64xf32, #tpu.memory_space<vmem_shared>>) offsets(%arg8 : memref<128xi32, #tpu.memory_space<vmem>>) semaphore(%arg16 : memref<!tpu.dma_semaphore, #tpu.memory_space<semaphore_mem>>) {add = true}
      "tpu.region"() ({
        %run_scoped3A = tpu.sem_alloc : memref<!tpu.dma_semaphore, #tpu.memory_space<semaphore_mem>>
        %dma_start3A_223 = arith.constant 0 : i32
        %dma_start3A_224 = arith.constant 0 : i32
        %dma_start3A_225 = tpu.memref_slice %arg18[%dma_start3A_223, %dma_start3A_224] : memref<10000x16xf32, #tpu.memory_space<vmem_shared>> -> memref<10000x16xf32, #tpu.memory_space<vmem_shared>>
        tpu.enqueue_indirect_dma source(%arg20 : memref<128x16xf32, #tpu.memory_space<vmem>>) target(%dma_start3A_225 : memref<10000x16xf32, #tpu.memory_space<vmem_shared>>) offsets(%arg8 : memref<128xi32, #tpu.memory_space<vmem>>) semaphore(%run_scoped3A : memref<!tpu.dma_semaphore, #tpu.memory_space<semaphore_mem>>) {add = true}
        %dma_wait3A_226 = arith.constant 0 : i32
        %dma_wait3A_227 = arith.constant 0 : i32
        %dma_wait3A_228 = tpu.memref_slice %arg18[%dma_wait3A_226, %dma_wait3A_227] : memref<10000x16xf32, #tpu.memory_space<vmem_shared>> -> memref<10000x16xf32, #tpu.memory_space<vmem_shared>>
        tpu.wait_indirect_dma semaphore(%run_scoped3A : memref<!tpu.dma_semaphore, #tpu.memory_space<semaphore_mem>>) src(%arg20 : memref<128x16xf32, #tpu.memory_space<vmem>>) dst(%dma_wait3A_228 : memref<10000x16xf32, #tpu.memory_space<vmem_shared>>)
        tpu.yield
      }) : () -> ()
      %mul3A_202 = arith.constant 128 : i32
      %mul3A_203 = arith.muli %add3A_174, %mul3A_202 : i32
      %add3A_204 = arith.addi %mul3A_2, %mul3A_203 : i32
      %add3A_205 = arith.constant 320000 : i32
      %add3A_206 = arith.addi %add3A_205, %add3A_204 : i32
      %dma_wait3A_207 = tpu.memref_slice %arg3[%add3A_206] : memref<640000xi32, #tpu.memory_space<hbm>> -> memref<128xi32, #tpu.memory_space<hbm>>
      %dma_wait3A_208 = tpu.memref_slice %arg3[%add3A_206] : memref<640000xi32, #tpu.memory_space<hbm>> -> memref<128xi32, #tpu.memory_space<hbm>>
      tpu.wait_dma2 semaphore(%arg15 : memref<!tpu.dma_semaphore, #tpu.memory_space<semaphore_mem>>) src(%dma_wait3A_208 : memref<128xi32, #tpu.memory_space<hbm>>) dst(%arg9 : memref<128xi32, #tpu.memory_space<vmem>>)
      %dma_wait3A_209 = arith.constant 0 : i32
      %dma_wait3A_210 = tpu.memref_slice %arg2[%add3A_204, %dma_wait3A_209] : memref<320000x64xf32, #tpu.memory_space<hbm>> -> memref<128x64xf32, #tpu.memory_space<hbm>>
      %dma_wait3A_211 = arith.constant 0 : i32
      %dma_wait3A_212 = tpu.memref_slice %arg2[%add3A_204, %dma_wait3A_211] : memref<320000x64xf32, #tpu.memory_space<hbm>> -> memref<128x64xf32, #tpu.memory_space<hbm>>
      tpu.wait_dma2 semaphore(%arg15 : memref<!tpu.dma_semaphore, #tpu.memory_space<semaphore_mem>>) src(%dma_wait3A_212 : memref<128x64xf32, #tpu.memory_space<hbm>>) dst(%arg11 : memref<128x64xf32, #tpu.memory_space<vmem>>)
      %dma_wait3A_213 = arith.constant 0 : i32
      %dma_wait3A_214 = arith.constant 0 : i32
      %dma_wait3A_215 = tpu.memref_slice %arg6[%dma_wait3A_213, %dma_wait3A_214] : memref<10000x64xf32, #tpu.memory_space<vmem_shared>> -> memref<10000x64xf32, #tpu.memory_space<vmem_shared>>
      tpu.wait_indirect_dma semaphore(%arg16 : memref<!tpu.dma_semaphore, #tpu.memory_space<semaphore_mem>>) src(%arg10 : memref<128x64xf32, #tpu.memory_space<vmem>>) dst(%dma_wait3A_215 : memref<10000x64xf32, #tpu.memory_space<vmem_shared>>)
      %lt3A = arith.constant 38 : i32
      %lt3A_216 = arith.cmpi slt, %scan3A_170, %lt3A : i32
      %convert_element_type3A_217 = arith.extui %lt3A_216 : i1 to i32
      %cond3A_218 = arith.constant 0 : i32
      %cond3A_219 = arith.cmpi ne, %convert_element_type3A_217, %cond3A_218 : i32
      scf.if %cond3A_219 {
        %add3A_223 = arith.constant 2 : i32
        %add3A_224 = arith.addi %mul3A_172, %add3A_223 : i32
        %mul3A_225 = arith.constant 128 : i32
        %mul3A_226 = arith.muli %add3A_224, %mul3A_225 : i32
        %add3A_227 = arith.addi %mul3A_2, %mul3A_226 : i32
        %add3A_228 = arith.constant 320000 : i32
        %add3A_229 = arith.addi %add3A_228, %add3A_227 : i32
        %dma_start3A_230 = tpu.memref_slice %arg3[%add3A_229] : memref<640000xi32, #tpu.memory_space<hbm>> -> memref<128xi32, #tpu.memory_space<hbm>>
        %dma_start3A_231 = tpu.memref_slice %arg3[%add3A_229] : memref<640000xi32, #tpu.memory_space<hbm>> -> memref<128xi32, #tpu.memory_space<hbm>>
        tpu.enqueue_dma source(%dma_start3A_231 : memref<128xi32, #tpu.memory_space<hbm>>) target(%arg8 : memref<128xi32, #tpu.memory_space<vmem>>) target_semaphore(%arg14 : memref<!tpu.dma_semaphore, #tpu.memory_space<semaphore_mem>>)
        %dma_start3A_232 = arith.constant 0 : i32
        %dma_start3A_233 = tpu.memref_slice %arg2[%add3A_227, %dma_start3A_232] : memref<320000x64xf32, #tpu.memory_space<hbm>> -> memref<128x64xf32, #tpu.memory_space<hbm>>
        %dma_start3A_234 = arith.constant 0 : i32
        %dma_start3A_235 = tpu.memref_slice %arg2[%add3A_227, %dma_start3A_234] : memref<320000x64xf32, #tpu.memory_space<hbm>> -> memref<128x64xf32, #tpu.memory_space<hbm>>
        tpu.enqueue_dma source(%dma_start3A_235 : memref<128x64xf32, #tpu.memory_space<hbm>>) target(%arg10 : memref<128x64xf32, #tpu.memory_space<vmem>>) target_semaphore(%arg14 : memref<!tpu.dma_semaphore, #tpu.memory_space<semaphore_mem>>)
      } else {
      }
      %dma_start3A_220 = arith.constant 0 : i32
      %dma_start3A_221 = arith.constant 0 : i32
      %dma_start3A_222 = tpu.memref_slice %arg6[%dma_start3A_220, %dma_start3A_221] : memref<10000x64xf32, #tpu.memory_space<vmem_shared>> -> memref<10000x64xf32, #tpu.memory_space<vmem_shared>>
      tpu.enqueue_indirect_dma source(%arg11 : memref<128x64xf32, #tpu.memory_space<vmem>>) target(%dma_start3A_222 : memref<10000x64xf32, #tpu.memory_space<vmem_shared>>) offsets(%arg9 : memref<128xi32, #tpu.memory_space<vmem>>) semaphore(%arg17 : memref<!tpu.dma_semaphore, #tpu.memory_space<semaphore_mem>>) {add = true}
      "tpu.region"() ({
        %run_scoped3A = tpu.sem_alloc : memref<!tpu.dma_semaphore, #tpu.memory_space<semaphore_mem>>
        %dma_start3A_223 = arith.constant 0 : i32
        %dma_start3A_224 = arith.constant 0 : i32
        %dma_start3A_225 = tpu.memref_slice %arg18[%dma_start3A_223, %dma_start3A_224] : memref<10000x16xf32, #tpu.memory_space<vmem_shared>> -> memref<10000x16xf32, #tpu.memory_space<vmem_shared>>
        tpu.enqueue_indirect_dma source(%arg20 : memref<128x16xf32, #tpu.memory_space<vmem>>) target(%dma_start3A_225 : memref<10000x16xf32, #tpu.memory_space<vmem_shared>>) offsets(%arg9 : memref<128xi32, #tpu.memory_space<vmem>>) semaphore(%run_scoped3A : memref<!tpu.dma_semaphore, #tpu.memory_space<semaphore_mem>>) {add = true}
        %dma_wait3A_226 = arith.constant 0 : i32
        %dma_wait3A_227 = arith.constant 0 : i32
        %dma_wait3A_228 = tpu.memref_slice %arg18[%dma_wait3A_226, %dma_wait3A_227] : memref<10000x16xf32, #tpu.memory_space<vmem_shared>> -> memref<10000x16xf32, #tpu.memory_space<vmem_shared>>
        tpu.wait_indirect_dma semaphore(%run_scoped3A : memref<!tpu.dma_semaphore, #tpu.memory_space<semaphore_mem>>) src(%arg20 : memref<128x16xf32, #tpu.memory_space<vmem>>) dst(%dma_wait3A_228 : memref<10000x16xf32, #tpu.memory_space<vmem_shared>>)
        tpu.yield
      }) : () -> ()
    }
    %scan3A_162 = arith.constant 39 : i32
    %dma_wait3A = arith.constant 0 : i32
    %dma_wait3A_163 = arith.constant 0 : i32
    %dma_wait3A_164 = tpu.memref_slice %arg6[%dma_wait3A, %dma_wait3A_163] : memref<10000x64xf32, #tpu.memory_space<vmem_shared>> -> memref<10000x64xf32, #tpu.memory_space<vmem_shared>>
    tpu.wait_indirect_dma semaphore(%arg17 : memref<!tpu.dma_semaphore, #tpu.memory_space<semaphore_mem>>) src(%arg11 : memref<128x64xf32, #tpu.memory_space<vmem>>) dst(%dma_wait3A_164 : memref<10000x64xf32, #tpu.memory_space<vmem_shared>>)
    %add3A_165 = arith.constant 9984 : i32
    %add3A_166 = arith.addi %mul3A_2, %add3A_165 : i32
    %add3A_167 = arith.constant 320000 : i32
    %add3A_168 = arith.addi %add3A_167, %add3A_166 : i32
    "tpu.region"() ({
      %run_scoped3A = tpu.sem_alloc : memref<!tpu.dma_semaphore, #tpu.memory_space<semaphore_mem>>
      %dma_start3A_170 = tpu.memref_slice %arg3[%add3A_168] : memref<640000xi32, #tpu.memory_space<hbm>> -> memref<16xi32, #tpu.memory_space<hbm>>
      %dma_start3A_171 = tpu.memref_slice %arg3[%add3A_168] : memref<640000xi32, #tpu.memory_space<hbm>> -> memref<16xi32, #tpu.memory_space<hbm>>
      tpu.enqueue_dma source(%dma_start3A_171 : memref<16xi32, #tpu.memory_space<hbm>>) target(%arg12 : memref<16xi32, #tpu.memory_space<vmem>>) target_semaphore(%run_scoped3A : memref<!tpu.dma_semaphore, #tpu.memory_space<semaphore_mem>>)
      %dma_wait3A_172 = tpu.memref_slice %arg3[%add3A_168] : memref<640000xi32, #tpu.memory_space<hbm>> -> memref<16xi32, #tpu.memory_space<hbm>>
      %dma_wait3A_173 = tpu.memref_slice %arg3[%add3A_168] : memref<640000xi32, #tpu.memory_space<hbm>> -> memref<16xi32, #tpu.memory_space<hbm>>
      tpu.wait_dma2 semaphore(%run_scoped3A : memref<!tpu.dma_semaphore, #tpu.memory_space<semaphore_mem>>) src(%dma_wait3A_173 : memref<16xi32, #tpu.memory_space<hbm>>) dst(%arg12 : memref<16xi32, #tpu.memory_space<vmem>>)
      tpu.yield
    }) : () -> ()
    "tpu.region"() ({
      %run_scoped3A = tpu.sem_alloc : memref<!tpu.dma_semaphore, #tpu.memory_space<semaphore_mem>>
      %dma_start3A_170 = arith.constant 0 : i32
      %dma_start3A_171 = tpu.memref_slice %arg2[%add3A_166, %dma_start3A_170] : memref<320000x64xf32, #tpu.memory_space<hbm>> -> memref<16x64xf32, #tpu.memory_space<hbm>>
      %dma_start3A_172 = arith.constant 0 : i32
      %dma_start3A_173 = tpu.memref_slice %arg2[%add3A_166, %dma_start3A_172] : memref<320000x64xf32, #tpu.memory_space<hbm>> -> memref<16x64xf32, #tpu.memory_space<hbm>>
      tpu.enqueue_dma source(%dma_start3A_173 : memref<16x64xf32, #tpu.memory_space<hbm>>) target(%arg13 : memref<16x64xf32, #tpu.memory_space<vmem>>) target_semaphore(%run_scoped3A : memref<!tpu.dma_semaphore, #tpu.memory_space<semaphore_mem>>)
      %dma_wait3A_174 = arith.constant 0 : i32
      %dma_wait3A_175 = tpu.memref_slice %arg2[%add3A_166, %dma_wait3A_174] : memref<320000x64xf32, #tpu.memory_space<hbm>> -> memref<16x64xf32, #tpu.memory_space<hbm>>
      %dma_wait3A_176 = arith.constant 0 : i32
      %dma_wait3A_177 = tpu.memref_slice %arg2[%add3A_166, %dma_wait3A_176] : memref<320000x64xf32, #tpu.memory_space<hbm>> -> memref<16x64xf32, #tpu.memory_space<hbm>>
      tpu.wait_dma2 semaphore(%run_scoped3A : memref<!tpu.dma_semaphore, #tpu.memory_space<semaphore_mem>>) src(%dma_wait3A_177 : memref<16x64xf32, #tpu.memory_space<hbm>>) dst(%arg13 : memref<16x64xf32, #tpu.memory_space<vmem>>)
      tpu.yield
    }) : () -> ()
    "tpu.region"() ({
      %run_scoped3A = tpu.sem_alloc : memref<!tpu.dma_semaphore, #tpu.memory_space<semaphore_mem>>
      %dma_start3A_170 = arith.constant 0 : i32
      %dma_start3A_171 = arith.constant 0 : i32
      %dma_start3A_172 = tpu.memref_slice %arg6[%dma_start3A_170, %dma_start3A_171] : memref<10000x64xf32, #tpu.memory_space<vmem_shared>> -> memref<10000x64xf32, #tpu.memory_space<vmem_shared>>
      tpu.enqueue_indirect_dma source(%arg13 : memref<16x64xf32, #tpu.memory_space<vmem>>) target(%dma_start3A_172 : memref<10000x64xf32, #tpu.memory_space<vmem_shared>>) offsets(%arg12 : memref<16xi32, #tpu.memory_space<vmem>>) semaphore(%run_scoped3A : memref<!tpu.dma_semaphore, #tpu.memory_space<semaphore_mem>>) {add = true}
      %dma_wait3A_173 = arith.constant 0 : i32
      %dma_wait3A_174 = arith.constant 0 : i32
      %dma_wait3A_175 = tpu.memref_slice %arg6[%dma_wait3A_173, %dma_wait3A_174] : memref<10000x64xf32, #tpu.memory_space<vmem_shared>> -> memref<10000x64xf32, #tpu.memory_space<vmem_shared>>
      tpu.wait_indirect_dma semaphore(%run_scoped3A : memref<!tpu.dma_semaphore, #tpu.memory_space<semaphore_mem>>) src(%arg13 : memref<16x64xf32, #tpu.memory_space<vmem>>) dst(%dma_wait3A_175 : memref<10000x64xf32, #tpu.memory_space<vmem_shared>>)
      tpu.yield
    }) : () -> ()
    "tpu.region"() ({
      %run_scoped3A = tpu.sem_alloc : memref<!tpu.dma_semaphore, #tpu.memory_space<semaphore_mem>>
      %dma_start3A_170 = arith.constant 0 : i32
      %dma_start3A_171 = arith.constant 0 : i32
      %dma_start3A_172 = tpu.memref_slice %arg18[%dma_start3A_170, %dma_start3A_171] : memref<10000x16xf32, #tpu.memory_space<vmem_shared>> -> memref<10000x16xf32, #tpu.memory_space<vmem_shared>>
      tpu.enqueue_indirect_dma source(%arg21 : memref<16x16xf32, #tpu.memory_space<vmem>>) target(%dma_start3A_172 : memref<10000x16xf32, #tpu.memory_space<vmem_shared>>) offsets(%arg12 : memref<16xi32, #tpu.memory_space<vmem>>) semaphore(%run_scoped3A : memref<!tpu.dma_semaphore, #tpu.memory_space<semaphore_mem>>) {add = true}
      %dma_wait3A_173 = arith.constant 0 : i32
      %dma_wait3A_174 = arith.constant 0 : i32
      %dma_wait3A_175 = tpu.memref_slice %arg18[%dma_wait3A_173, %dma_wait3A_174] : memref<10000x16xf32, #tpu.memory_space<vmem_shared>> -> memref<10000x16xf32, #tpu.memory_space<vmem_shared>>
      tpu.wait_indirect_dma semaphore(%run_scoped3A : memref<!tpu.dma_semaphore, #tpu.memory_space<semaphore_mem>>) src(%arg21 : memref<16x16xf32, #tpu.memory_space<vmem>>) dst(%dma_wait3A_175 : memref<10000x16xf32, #tpu.memory_space<vmem_shared>>)
      tpu.yield
    }) : () -> ()
    %barrier3A_169 = arith.constant 0 : index
    tpu.barrier barrier_id(%barrier3A_169)
    "tpu.region"() ({
      %run_scoped3A = tpu.sem_alloc : memref<!tpu.dma_semaphore, #tpu.memory_space<semaphore_mem>>
      %dma_start3A_170 = arith.constant 0 : i32
      %dma_start3A_171 = tpu.memref_slice %arg6[%mul3A_4, %dma_start3A_170] : memref<10000x64xf32, #tpu.memory_space<vmem_shared>> -> memref<625x64xf32, #tpu.memory_space<vmem_shared>>
      %dma_start3A_172 = arith.constant 0 : i32
      %dma_start3A_173 = tpu.memref_slice %arg6[%mul3A_4, %dma_start3A_172] : memref<10000x64xf32, #tpu.memory_space<vmem_shared>> -> memref<625x64xf32, #tpu.memory_space<vmem_shared>>
      tpu.enqueue_dma source(%dma_start3A_173 : memref<625x64xf32, #tpu.memory_space<vmem_shared>>) target(%arg7 : memref<625x64xf32, #tpu.memory_space<vmem>>) target_semaphore(%run_scoped3A : memref<!tpu.dma_semaphore, #tpu.memory_space<semaphore_mem>>)
      %dma_wait3A_174 = arith.constant 0 : i32
      %dma_wait3A_175 = tpu.memref_slice %arg6[%mul3A_4, %dma_wait3A_174] : memref<10000x64xf32, #tpu.memory_space<vmem_shared>> -> memref<625x64xf32, #tpu.memory_space<vmem_shared>>
      %dma_wait3A_176 = arith.constant 0 : i32
      %dma_wait3A_177 = tpu.memref_slice %arg6[%mul3A_4, %dma_wait3A_176] : memref<10000x64xf32, #tpu.memory_space<vmem_shared>> -> memref<625x64xf32, #tpu.memory_space<vmem_shared>>
      tpu.wait_dma2 semaphore(%run_scoped3A : memref<!tpu.dma_semaphore, #tpu.memory_space<semaphore_mem>>) src(%dma_wait3A_177 : memref<625x64xf32, #tpu.memory_space<vmem_shared>>) dst(%arg7 : memref<625x64xf32, #tpu.memory_space<vmem>>)
      tpu.yield
    }) : () -> ()
    "tpu.region"() ({
      %run_scoped3A = tpu.sem_alloc : memref<!tpu.dma_semaphore, #tpu.memory_space<semaphore_mem>>
      %dma_start3A_170 = arith.constant 0 : i32
      %dma_start3A_171 = tpu.memref_slice %arg4[%arg0, %mul3A_4, %dma_start3A_170] : memref<2x10000x64xf32, #tpu.memory_space<hbm>> -> memref<1x625x64xf32, #tpu.memory_space<hbm>>
      %dma_start3A_172 = tpu.memref_squeeze %dma_start3A_171 : memref<1x625x64xf32, #tpu.memory_space<hbm>> -> memref<625x64xf32, #tpu.memory_space<hbm>>
      %dma_start3A_173 = arith.constant 0 : i32
      %dma_start3A_174 = tpu.memref_slice %arg4[%arg0, %mul3A_4, %dma_start3A_173] : memref<2x10000x64xf32, #tpu.memory_space<hbm>> -> memref<1x625x64xf32, #tpu.memory_space<hbm>>
      %dma_start3A_175 = tpu.memref_squeeze %dma_start3A_174 : memref<1x625x64xf32, #tpu.memory_space<hbm>> -> memref<625x64xf32, #tpu.memory_space<hbm>>
      tpu.enqueue_dma source(%arg7 : memref<625x64xf32, #tpu.memory_space<vmem>>) target(%dma_start3A_175 : memref<625x64xf32, #tpu.memory_space<hbm>>) target_semaphore(%run_scoped3A : memref<!tpu.dma_semaphore, #tpu.memory_space<semaphore_mem>>)
      %dma_wait3A_176 = arith.constant 0 : i32
      %dma_wait3A_177 = tpu.memref_slice %arg4[%arg0, %mul3A_4, %dma_wait3A_176] : memref<2x10000x64xf32, #tpu.memory_space<hbm>> -> memref<1x625x64xf32, #tpu.memory_space<hbm>>
      %dma_wait3A_178 = tpu.memref_squeeze %dma_wait3A_177 : memref<1x625x64xf32, #tpu.memory_space<hbm>> -> memref<625x64xf32, #tpu.memory_space<hbm>>
      %dma_wait3A_179 = arith.constant 0 : i32
      %dma_wait3A_180 = tpu.memref_slice %arg4[%arg0, %mul3A_4, %dma_wait3A_179] : memref<2x10000x64xf32, #tpu.memory_space<hbm>> -> memref<1x625x64xf32, #tpu.memory_space<hbm>>
      %dma_wait3A_181 = tpu.memref_squeeze %dma_wait3A_180 : memref<1x625x64xf32, #tpu.memory_space<hbm>> -> memref<625x64xf32, #tpu.memory_space<hbm>>
      tpu.wait_dma2 semaphore(%run_scoped3A : memref<!tpu.dma_semaphore, #tpu.memory_space<semaphore_mem>>) src(%arg7 : memref<625x64xf32, #tpu.memory_space<vmem>>) dst(%dma_wait3A_181 : memref<625x64xf32, #tpu.memory_space<hbm>>)
      tpu.yield
    }) : () -> ()
    "tpu.region"() ({
      %run_scoped3A = tpu.sem_alloc : memref<!tpu.dma_semaphore, #tpu.memory_space<semaphore_mem>>
      %dma_start3A_170 = arith.constant 0 : i32
      %dma_start3A_171 = tpu.memref_slice %arg18[%mul3A_4, %dma_start3A_170] : memref<10000x16xf32, #tpu.memory_space<vmem_shared>> -> memref<625x16xf32, #tpu.memory_space<vmem_shared>>
      %dma_start3A_172 = arith.constant 0 : i32
      %dma_start3A_173 = tpu.memref_slice %arg18[%mul3A_4, %dma_start3A_172] : memref<10000x16xf32, #tpu.memory_space<vmem_shared>> -> memref<625x16xf32, #tpu.memory_space<vmem_shared>>
      tpu.enqueue_dma source(%dma_start3A_173 : memref<625x16xf32, #tpu.memory_space<vmem_shared>>) target(%arg19 : memref<625x16xf32, #tpu.memory_space<vmem>>) target_semaphore(%run_scoped3A : memref<!tpu.dma_semaphore, #tpu.memory_space<semaphore_mem>>)
      %dma_wait3A_174 = arith.constant 0 : i32
      %dma_wait3A_175 = tpu.memref_slice %arg18[%mul3A_4, %dma_wait3A_174] : memref<10000x16xf32, #tpu.memory_space<vmem_shared>> -> memref<625x16xf32, #tpu.memory_space<vmem_shared>>
      %dma_wait3A_176 = arith.constant 0 : i32
      %dma_wait3A_177 = tpu.memref_slice %arg18[%mul3A_4, %dma_wait3A_176] : memref<10000x16xf32, #tpu.memory_space<vmem_shared>> -> memref<625x16xf32, #tpu.memory_space<vmem_shared>>
      tpu.wait_dma2 semaphore(%run_scoped3A : memref<!tpu.dma_semaphore, #tpu.memory_space<semaphore_mem>>) src(%dma_wait3A_177 : memref<625x16xf32, #tpu.memory_space<vmem_shared>>) dst(%arg19 : memref<625x16xf32, #tpu.memory_space<vmem>>)
      tpu.yield
    }) : () -> ()
    "tpu.region"() ({
      %run_scoped3A = tpu.sem_alloc : memref<!tpu.dma_semaphore, #tpu.memory_space<semaphore_mem>>
      %dma_start3A_170 = arith.constant 0 : i32
      %dma_start3A_171 = tpu.memref_slice %arg5[%arg0, %mul3A_4, %dma_start3A_170] : memref<2x10000x16xf32, #tpu.memory_space<hbm>> -> memref<1x625x16xf32, #tpu.memory_space<hbm>>
      %dma_start3A_172 = tpu.memref_squeeze %dma_start3A_171 : memref<1x625x16xf32, #tpu.memory_space<hbm>> -> memref<625x16xf32, #tpu.memory_space<hbm>>
      %dma_start3A_173 = arith.constant 0 : i32
      %dma_start3A_174 = tpu.memref_slice %arg5[%arg0, %mul3A_4, %dma_start3A_173] : memref<2x10000x16xf32, #tpu.memory_space<hbm>> -> memref<1x625x16xf32, #tpu.memory_space<hbm>>
      %dma_start3A_175 = tpu.memref_squeeze %dma_start3A_174 : memref<1x625x16xf32, #tpu.memory_space<hbm>> -> memref<625x16xf32, #tpu.memory_space<hbm>>
      tpu.enqueue_dma source(%arg19 : memref<625x16xf32, #tpu.memory_space<vmem>>) target(%dma_start3A_175 : memref<625x16xf32, #tpu.memory_space<hbm>>) target_semaphore(%run_scoped3A : memref<!tpu.dma_semaphore, #tpu.memory_space<semaphore_mem>>)
      %dma_wait3A_176 = arith.constant 0 : i32
      %dma_wait3A_177 = tpu.memref_slice %arg5[%arg0, %mul3A_4, %dma_wait3A_176] : memref<2x10000x16xf32, #tpu.memory_space<hbm>> -> memref<1x625x16xf32, #tpu.memory_space<hbm>>
      %dma_wait3A_178 = tpu.memref_squeeze %dma_wait3A_177 : memref<1x625x16xf32, #tpu.memory_space<hbm>> -> memref<625x16xf32, #tpu.memory_space<hbm>>
      %dma_wait3A_179 = arith.constant 0 : i32
      %dma_wait3A_180 = tpu.memref_slice %arg5[%arg0, %mul3A_4, %dma_wait3A_179] : memref<2x10000x16xf32, #tpu.memory_space<hbm>> -> memref<1x625x16xf32, #tpu.memory_space<hbm>>
      %dma_wait3A_181 = tpu.memref_squeeze %dma_wait3A_180 : memref<1x625x16xf32, #tpu.memory_space<hbm>> -> memref<625x16xf32, #tpu.memory_space<hbm>>
      tpu.wait_dma2 semaphore(%run_scoped3A : memref<!tpu.dma_semaphore, #tpu.memory_space<semaphore_mem>>) src(%arg19 : memref<625x16xf32, #tpu.memory_space<vmem>>) dst(%dma_wait3A_181 : memref<625x16xf32, #tpu.memory_space<hbm>>)
      tpu.yield
    }) : () -> ()
    return
  }
}

#map = affine_map<(d0, d1) -> (0, 0)>
#map1 = affine_map<(d0, d1) -> (0)>
module attributes {stable_mosaic.version = 14 : i64} {
  func.func @k(%arg0: i32, %arg1: i32, %arg2: memref<20000x64xf32, #tpu.memory_space<hbm>>, %arg3: memref<640000xi32, #tpu.memory_space<hbm>>, %arg4: memref<320000x64xf32, #tpu.memory_space<hbm>>, %arg5: memref<10000xi32, #tpu.memory_space<vmem>>, %arg6: memref<10000xi32, #tpu.memory_space<vmem>>, %arg7: memref<128x64xf32, #tpu.memory_space<vmem>>, %arg8: memref<128x64xf32, #tpu.memory_space<vmem>>, %arg9: memref<16x64xf32, #tpu.memory_space<vmem>>, %arg10: memref<!tpu.dma_semaphore, #tpu.memory_space<semaphore_mem>>, %arg11: memref<!tpu.dma_semaphore, #tpu.memory_space<semaphore_mem>>) attributes {dimension_semantics = [#tpu.dimension_semantics<core_parallel>, #tpu.dimension_semantics<subcore_parallel>], iteration_bounds = array<i64: 2, 16>, scalar_prefetch = 0 : i64, scratch_operands = 7 : i64, tpu.core_type = #tpu.core_type<sc_vector_subcore>, window_params = [{transform_indices = #map}, {transform_indices = #map1}, {transform_indices = #map}]} {
    %mul3A = arith.constant 2 : i32
    %mul3A_0 = arith.muli %arg1, %mul3A : i32
    %add3A = arith.addi %mul3A_0, %arg0 : i32
    %mul3A_1 = arith.constant 10000 : i32
    %mul3A_2 = arith.muli %add3A, %mul3A_1 : i32
    %add3A_3 = arith.constant 320000 : i32
    %add3A_4 = arith.addi %add3A_3, %mul3A_2 : i32
    "tpu.region"() ({
      %run_scoped3A = tpu.sem_alloc : memref<!tpu.dma_semaphore, #tpu.memory_space<semaphore_mem>>
      %dma_start3A_27 = tpu.memref_slice %arg3[%add3A_4] : memref<640000xi32, #tpu.memory_space<hbm>> -> memref<10000xi32, #tpu.memory_space<hbm>>
      %dma_start3A_28 = tpu.memref_slice %arg3[%add3A_4] : memref<640000xi32, #tpu.memory_space<hbm>> -> memref<10000xi32, #tpu.memory_space<hbm>>
      tpu.enqueue_dma source(%dma_start3A_28 : memref<10000xi32, #tpu.memory_space<hbm>>) target(%arg5 : memref<10000xi32, #tpu.memory_space<vmem>>) target_semaphore(%run_scoped3A : memref<!tpu.dma_semaphore, #tpu.memory_space<semaphore_mem>>)
      %dma_wait3A_29 = tpu.memref_slice %arg3[%add3A_4] : memref<640000xi32, #tpu.memory_space<hbm>> -> memref<10000xi32, #tpu.memory_space<hbm>>
      %dma_wait3A_30 = tpu.memref_slice %arg3[%add3A_4] : memref<640000xi32, #tpu.memory_space<hbm>> -> memref<10000xi32, #tpu.memory_space<hbm>>
      tpu.wait_dma2 semaphore(%run_scoped3A : memref<!tpu.dma_semaphore, #tpu.memory_space<semaphore_mem>>) src(%dma_wait3A_30 : memref<10000xi32, #tpu.memory_space<hbm>>) dst(%arg5 : memref<10000xi32, #tpu.memory_space<vmem>>)
      tpu.yield
    }) : () -> ()
    "tpu.region"() ({
      %run_scoped3A = tpu.sem_alloc : memref<!tpu.dma_semaphore, #tpu.memory_space<semaphore_mem>>
      %dma_start3A_27 = tpu.memref_slice %arg3[%mul3A_2] : memref<640000xi32, #tpu.memory_space<hbm>> -> memref<10000xi32, #tpu.memory_space<hbm>>
      %dma_start3A_28 = tpu.memref_slice %arg3[%mul3A_2] : memref<640000xi32, #tpu.memory_space<hbm>> -> memref<10000xi32, #tpu.memory_space<hbm>>
      tpu.enqueue_dma source(%dma_start3A_28 : memref<10000xi32, #tpu.memory_space<hbm>>) target(%arg6 : memref<10000xi32, #tpu.memory_space<vmem>>) target_semaphore(%run_scoped3A : memref<!tpu.dma_semaphore, #tpu.memory_space<semaphore_mem>>)
      %dma_wait3A_29 = tpu.memref_slice %arg3[%mul3A_2] : memref<640000xi32, #tpu.memory_space<hbm>> -> memref<10000xi32, #tpu.memory_space<hbm>>
      %dma_wait3A_30 = tpu.memref_slice %arg3[%mul3A_2] : memref<640000xi32, #tpu.memory_space<hbm>> -> memref<10000xi32, #tpu.memory_space<hbm>>
      tpu.wait_dma2 semaphore(%run_scoped3A : memref<!tpu.dma_semaphore, #tpu.memory_space<semaphore_mem>>) src(%dma_wait3A_30 : memref<10000xi32, #tpu.memory_space<hbm>>) dst(%arg6 : memref<10000xi32, #tpu.memory_space<vmem>>)
      tpu.yield
    }) : () -> ()
    %scan3A = arith.constant 0 : i32
    %scan3A_5 = arith.constant 0 : i32
    %scan3A_6 = arith.constant 625 : i32
    %scan3A_7 = arith.addi %scan3A_5, %scan3A_6 : i32
    %scan3A_8 = arith.constant 1 : i32
    scf.for %scan3A_27 = %scan3A_5 to %scan3A_7 step %scan3A_8  : i32 {
      %mul3A_28 = arith.constant 16 : i32
      %mul3A_29 = arith.muli %scan3A_27, %mul3A_28 : i32
      %get3A = arith.index_cast %mul3A_29 : i32 to index
      %get3A_30 = tpu.vector_load %arg5[%get3A] {strides = array<i32>} : memref<10000xi32, #tpu.memory_space<vmem>>, vector<16xi32>,
      %get3A_31 = vector.shape_cast %get3A_30 : vector<16xi32> to vector<16xi32>
      %mul3A_32 = arith.constant 2 : i32
      %mul3A_33 = vector.broadcast %mul3A_32 : i32 to vector<16xi32>
      %mul3A_34 = arith.muli %get3A_31, %mul3A_33 : vector<16xi32>
      %swap3A = arith.index_cast %mul3A_29 : i32 to index
      %swap3A_35 = tpu.vector_load %arg5[%swap3A] {strides = array<i32>} : memref<10000xi32, #tpu.memory_space<vmem>>, vector<16xi32>,
      %swap3A_36 = vector.shape_cast %swap3A_35 : vector<16xi32> to vector<16xi32>
      %swap3A_37 = vector.shape_cast %mul3A_34 : vector<16xi32> to vector<16xi32>
      tpu.vector_store %arg5[%swap3A], %swap3A_37 {strides = array<i32>} : memref<10000xi32, #tpu.memory_space<vmem>>, vector<16xi32>,
      %get3A_38 = arith.index_cast %mul3A_29 : i32 to index
      %get3A_39 = tpu.vector_load %arg6[%get3A_38] {strides = array<i32>} : memref<10000xi32, #tpu.memory_space<vmem>>, vector<16xi32>,
      %get3A_40 = vector.shape_cast %get3A_39 : vector<16xi32> to vector<16xi32>
      %mul3A_41 = arith.constant 2 : i32
      %mul3A_42 = vector.broadcast %mul3A_41 : i32 to vector<16xi32>
      %mul3A_43 = arith.muli %get3A_40, %mul3A_42 : vector<16xi32>
      %add3A_44 = arith.constant 1 : i32
      %add3A_45 = vector.broadcast %add3A_44 : i32 to vector<16xi32>
      %add3A_46 = arith.addi %mul3A_43, %add3A_45 : vector<16xi32>
      %swap3A_47 = arith.index_cast %mul3A_29 : i32 to index
      %swap3A_48 = tpu.vector_load %arg6[%swap3A_47] {strides = array<i32>} : memref<10000xi32, #tpu.memory_space<vmem>>, vector<16xi32>,
      %swap3A_49 = vector.shape_cast %swap3A_48 : vector<16xi32> to vector<16xi32>
      %swap3A_50 = vector.shape_cast %add3A_46 : vector<16xi32> to vector<16xi32>
      tpu.vector_store %arg6[%swap3A_47], %swap3A_50 {strides = array<i32>} : memref<10000xi32, #tpu.memory_space<vmem>>, vector<16xi32>,
    }
    %scan3A_9 = arith.constant 625 : i32
    %dma_start3A = arith.constant 0 : i32
    %dma_start3A_10 = tpu.memref_slice %arg5[%dma_start3A] : memref<10000xi32, #tpu.memory_space<vmem>> -> memref<128xi32, #tpu.memory_space<vmem>>
    %dma_start3A_11 = arith.constant 0 : i32
    %dma_start3A_12 = arith.constant 0 : i32
    %dma_start3A_13 = tpu.memref_slice %arg2[%dma_start3A_11, %dma_start3A_12] : memref<20000x64xf32, #tpu.memory_space<hbm>> -> memref<20000x64xf32, #tpu.memory_space<hbm>>
    tpu.enqueue_indirect_dma source(%dma_start3A_13 : memref<20000x64xf32, #tpu.memory_space<hbm>>) target(%arg7 : memref<128x64xf32, #tpu.memory_space<vmem>>) offsets(%dma_start3A_10 : memref<128xi32, #tpu.memory_space<vmem>>) semaphore(%arg10 : memref<!tpu.dma_semaphore, #tpu.memory_space<semaphore_mem>>)
    %scan3A_14 = arith.constant 0 : i32
    %scan3A_15 = arith.constant 0 : i32
    %scan3A_16 = arith.constant 39 : i32
    %scan3A_17 = arith.addi %scan3A_15, %scan3A_16 : i32
    %scan3A_18 = arith.constant 1 : i32
    scf.for %scan3A_27 = %scan3A_15 to %scan3A_17 step %scan3A_18  : i32 {
      %mul3A_28 = arith.constant 2 : i32
      %mul3A_29 = arith.muli %mul3A_28, %scan3A_27 : i32
      %add3A_30 = arith.constant 1 : i32
      %add3A_31 = arith.addi %mul3A_29, %add3A_30 : i32
      %mul3A_32 = arith.constant 128 : i32
      %mul3A_33 = arith.muli %mul3A_29, %mul3A_32 : i32
      %dma_wait3A_34 = tpu.memref_slice %arg5[%mul3A_33] : memref<10000xi32, #tpu.memory_space<vmem>> -> memref<128xi32, #tpu.memory_space<vmem>>
      %dma_wait3A_35 = arith.constant 0 : i32
      %dma_wait3A_36 = arith.constant 0 : i32
      %dma_wait3A_37 = tpu.memref_slice %arg2[%dma_wait3A_35, %dma_wait3A_36] : memref<20000x64xf32, #tpu.memory_space<hbm>> -> memref<20000x64xf32, #tpu.memory_space<hbm>>
      tpu.wait_indirect_dma semaphore(%arg10 : memref<!tpu.dma_semaphore, #tpu.memory_space<semaphore_mem>>) src(%dma_wait3A_37 : memref<20000x64xf32, #tpu.memory_space<hbm>>) dst(%arg7 : memref<128x64xf32, #tpu.memory_space<vmem>>)
      %mul3A_38 = arith.constant 128 : i32
      %mul3A_39 = arith.muli %mul3A_29, %mul3A_38 : i32
      %dma_start3A_40 = tpu.memref_slice %arg6[%mul3A_39] : memref<10000xi32, #tpu.memory_space<vmem>> -> memref<128xi32, #tpu.memory_space<vmem>>
      %dma_start3A_41 = arith.constant 0 : i32
      %dma_start3A_42 = arith.constant 0 : i32
      %dma_start3A_43 = tpu.memref_slice %arg2[%dma_start3A_41, %dma_start3A_42] : memref<20000x64xf32, #tpu.memory_space<hbm>> -> memref<20000x64xf32, #tpu.memory_space<hbm>>
      tpu.enqueue_indirect_dma source(%dma_start3A_43 : memref<20000x64xf32, #tpu.memory_space<hbm>>) target(%arg7 : memref<128x64xf32, #tpu.memory_space<vmem>>) offsets(%dma_start3A_40 : memref<128xi32, #tpu.memory_space<vmem>>) semaphore(%arg10 : memref<!tpu.dma_semaphore, #tpu.memory_space<semaphore_mem>>) {add = true}
      %gt3A = arith.constant 0 : i32
      %gt3A_44 = arith.cmpi sgt, %scan3A_27, %gt3A : i32
      %convert_element_type3A = arith.extui %gt3A_44 : i1 to i32
      %cond3A = arith.constant 0 : i32
      %cond3A_45 = arith.cmpi ne, %convert_element_type3A, %cond3A : i32
      scf.if %cond3A_45 {
        %sub3A = arith.constant 2 : i32
        %sub3A_101 = arith.subi %add3A_31, %sub3A : i32
        %mul3A_102 = arith.constant 128 : i32
        %mul3A_103 = arith.muli %sub3A_101, %mul3A_102 : i32
        %add3A_104 = arith.addi %mul3A_2, %mul3A_103 : i32
        %dma_wait3A_105 = arith.constant 0 : i32
        %dma_wait3A_106 = tpu.memref_slice %arg4[%add3A_104, %dma_wait3A_105] : memref<320000x64xf32, #tpu.memory_space<hbm>> -> memref<128x64xf32, #tpu.memory_space<hbm>>
        %dma_wait3A_107 = arith.constant 0 : i32
        %dma_wait3A_108 = tpu.memref_slice %arg4[%add3A_104, %dma_wait3A_107] : memref<320000x64xf32, #tpu.memory_space<hbm>> -> memref<128x64xf32, #tpu.memory_space<hbm>>
        tpu.wait_dma2 semaphore(%arg11 : memref<!tpu.dma_semaphore, #tpu.memory_space<semaphore_mem>>) src(%arg8 : memref<128x64xf32, #tpu.memory_space<vmem>>) dst(%dma_wait3A_108 : memref<128x64xf32, #tpu.memory_space<hbm>>)
      } else {
      }
      %mul3A_46 = arith.constant 128 : i32
      %mul3A_47 = arith.muli %add3A_31, %mul3A_46 : i32
      %dma_start3A_48 = tpu.memref_slice %arg5[%mul3A_47] : memref<10000xi32, #tpu.memory_space<vmem>> -> memref<128xi32, #tpu.memory_space<vmem>>
      %dma_start3A_49 = arith.constant 0 : i32
      %dma_start3A_50 = arith.constant 0 : i32
      %dma_start3A_51 = tpu.memref_slice %arg2[%dma_start3A_49, %dma_start3A_50] : memref<20000x64xf32, #tpu.memory_space<hbm>> -> memref<20000x64xf32, #tpu.memory_space<hbm>>
      tpu.enqueue_indirect_dma source(%dma_start3A_51 : memref<20000x64xf32, #tpu.memory_space<hbm>>) target(%arg8 : memref<128x64xf32, #tpu.memory_space<vmem>>) offsets(%dma_start3A_48 : memref<128xi32, #tpu.memory_space<vmem>>) semaphore(%arg11 : memref<!tpu.dma_semaphore, #tpu.memory_space<semaphore_mem>>)
      %mul3A_52 = arith.constant 128 : i32
      %mul3A_53 = arith.muli %mul3A_29, %mul3A_52 : i32
      %dma_wait3A_54 = tpu.memref_slice %arg6[%mul3A_53] : memref<10000xi32, #tpu.memory_space<vmem>> -> memref<128xi32, #tpu.memory_space<vmem>>
      %dma_wait3A_55 = arith.constant 0 : i32
      %dma_wait3A_56 = arith.constant 0 : i32
      %dma_wait3A_57 = tpu.memref_slice %arg2[%dma_wait3A_55, %dma_wait3A_56] : memref<20000x64xf32, #tpu.memory_space<hbm>> -> memref<20000x64xf32, #tpu.memory_space<hbm>>
      tpu.wait_indirect_dma semaphore(%arg10 : memref<!tpu.dma_semaphore, #tpu.memory_space<semaphore_mem>>) src(%dma_wait3A_57 : memref<20000x64xf32, #tpu.memory_space<hbm>>) dst(%arg7 : memref<128x64xf32, #tpu.memory_space<vmem>>)
      %mul3A_58 = arith.constant 128 : i32
      %mul3A_59 = arith.muli %mul3A_29, %mul3A_58 : i32
      %add3A_60 = arith.addi %mul3A_2, %mul3A_59 : i32
      %dma_start3A_61 = arith.constant 0 : i32
      %dma_start3A_62 = tpu.memref_slice %arg4[%add3A_60, %dma_start3A_61] : memref<320000x64xf32, #tpu.memory_space<hbm>> -> memref<128x64xf32, #tpu.memory_space<hbm>>
      %dma_start3A_63 = arith.constant 0 : i32
      %dma_start3A_64 = tpu.memref_slice %arg4[%add3A_60, %dma_start3A_63] : memref<320000x64xf32, #tpu.memory_space<hbm>> -> memref<128x64xf32, #tpu.memory_space<hbm>>
      tpu.enqueue_dma source(%arg7 : memref<128x64xf32, #tpu.memory_space<vmem>>) target(%dma_start3A_64 : memref<128x64xf32, #tpu.memory_space<hbm>>) target_semaphore(%arg10 : memref<!tpu.dma_semaphore, #tpu.memory_space<semaphore_mem>>)
      %mul3A_65 = arith.constant 128 : i32
      %mul3A_66 = arith.muli %add3A_31, %mul3A_65 : i32
      %dma_wait3A_67 = tpu.memref_slice %arg5[%mul3A_66] : memref<10000xi32, #tpu.memory_space<vmem>> -> memref<128xi32, #tpu.memory_space<vmem>>
      %dma_wait3A_68 = arith.constant 0 : i32
      %dma_wait3A_69 = arith.constant 0 : i32
      %dma_wait3A_70 = tpu.memref_slice %arg2[%dma_wait3A_68, %dma_wait3A_69] : memref<20000x64xf32, #tpu.memory_space<hbm>> -> memref<20000x64xf32, #tpu.memory_space<hbm>>
      tpu.wait_indirect_dma semaphore(%arg11 : memref<!tpu.dma_semaphore, #tpu.memory_space<semaphore_mem>>) src(%dma_wait3A_70 : memref<20000x64xf32, #tpu.memory_space<hbm>>) dst(%arg8 : memref<128x64xf32, #tpu.memory_space<vmem>>)
      %mul3A_71 = arith.constant 128 : i32
      %mul3A_72 = arith.muli %add3A_31, %mul3A_71 : i32
      %dma_start3A_73 = tpu.memref_slice %arg6[%mul3A_72] : memref<10000xi32, #tpu.memory_space<vmem>> -> memref<128xi32, #tpu.memory_space<vmem>>
      %dma_start3A_74 = arith.constant 0 : i32
      %dma_start3A_75 = arith.constant 0 : i32
      %dma_start3A_76 = tpu.memref_slice %arg2[%dma_start3A_74, %dma_start3A_75] : memref<20000x64xf32, #tpu.memory_space<hbm>> -> memref<20000x64xf32, #tpu.memory_space<hbm>>
      tpu.enqueue_indirect_dma source(%dma_start3A_76 : memref<20000x64xf32, #tpu.memory_space<hbm>>) target(%arg8 : memref<128x64xf32, #tpu.memory_space<vmem>>) offsets(%dma_start3A_73 : memref<128xi32, #tpu.memory_space<vmem>>) semaphore(%arg11 : memref<!tpu.dma_semaphore, #tpu.memory_space<semaphore_mem>>) {add = true}
      %mul3A_77 = arith.constant 128 : i32
      %mul3A_78 = arith.muli %mul3A_29, %mul3A_77 : i32
      %add3A_79 = arith.addi %mul3A_2, %mul3A_78 : i32
      %dma_wait3A_80 = arith.constant 0 : i32
      %dma_wait3A_81 = tpu.memref_slice %arg4[%add3A_79, %dma_wait3A_80] : memref<320000x64xf32, #tpu.memory_space<hbm>> -> memref<128x64xf32, #tpu.memory_space<hbm>>
      %dma_wait3A_82 = arith.constant 0 : i32
      %dma_wait3A_83 = tpu.memref_slice %arg4[%add3A_79, %dma_wait3A_82] : memref<320000x64xf32, #tpu.memory_space<hbm>> -> memref<128x64xf32, #tpu.memory_space<hbm>>
      tpu.wait_dma2 semaphore(%arg10 : memref<!tpu.dma_semaphore, #tpu.memory_space<semaphore_mem>>) src(%arg7 : memref<128x64xf32, #tpu.memory_space<vmem>>) dst(%dma_wait3A_83 : memref<128x64xf32, #tpu.memory_space<hbm>>)
      %lt3A = arith.constant 38 : i32
      %lt3A_84 = arith.cmpi slt, %scan3A_27, %lt3A : i32
      %convert_element_type3A_85 = arith.extui %lt3A_84 : i1 to i32
      %cond3A_86 = arith.constant 0 : i32
      %cond3A_87 = arith.cmpi ne, %convert_element_type3A_85, %cond3A_86 : i32
      scf.if %cond3A_87 {
        %add3A_101 = arith.constant 2 : i32
        %add3A_102 = arith.addi %mul3A_29, %add3A_101 : i32
        %mul3A_103 = arith.constant 128 : i32
        %mul3A_104 = arith.muli %add3A_102, %mul3A_103 : i32
        %dma_start3A_105 = tpu.memref_slice %arg5[%mul3A_104] : memref<10000xi32, #tpu.memory_space<vmem>> -> memref<128xi32, #tpu.memory_space<vmem>>
        %dma_start3A_106 = arith.constant 0 : i32
        %dma_start3A_107 = arith.constant 0 : i32
        %dma_start3A_108 = tpu.memref_slice %arg2[%dma_start3A_106, %dma_start3A_107] : memref<20000x64xf32, #tpu.memory_space<hbm>> -> memref<20000x64xf32, #tpu.memory_space<hbm>>
        tpu.enqueue_indirect_dma source(%dma_start3A_108 : memref<20000x64xf32, #tpu.memory_space<hbm>>) target(%arg7 : memref<128x64xf32, #tpu.memory_space<vmem>>) offsets(%dma_start3A_105 : memref<128xi32, #tpu.memory_space<vmem>>) semaphore(%arg10 : memref<!tpu.dma_semaphore, #tpu.memory_space<semaphore_mem>>)
      } else {
      }
      %mul3A_88 = arith.constant 128 : i32
      %mul3A_89 = arith.muli %add3A_31, %mul3A_88 : i32
      %dma_wait3A_90 = tpu.memref_slice %arg6[%mul3A_89] : memref<10000xi32, #tpu.memory_space<vmem>> -> memref<128xi32, #tpu.memory_space<vmem>>
      %dma_wait3A_91 = arith.constant 0 : i32
      %dma_wait3A_92 = arith.constant 0 : i32
      %dma_wait3A_93 = tpu.memref_slice %arg2[%dma_wait3A_91, %dma_wait3A_92] : memref<20000x64xf32, #tpu.memory_space<hbm>> -> memref<20000x64xf32, #tpu.memory_space<hbm>>
      tpu.wait_indirect_dma semaphore(%arg11 : memref<!tpu.dma_semaphore, #tpu.memory_space<semaphore_mem>>) src(%dma_wait3A_93 : memref<20000x64xf32, #tpu.memory_space<hbm>>) dst(%arg8 : memref<128x64xf32, #tpu.memory_space<vmem>>)
      %mul3A_94 = arith.constant 128 : i32
      %mul3A_95 = arith.muli %add3A_31, %mul3A_94 : i32
      %add3A_96 = arith.addi %mul3A_2, %mul3A_95 : i32
      %dma_start3A_97 = arith.constant 0 : i32
      %dma_start3A_98 = tpu.memref_slice %arg4[%add3A_96, %dma_start3A_97] : memref<320000x64xf32, #tpu.memory_space<hbm>> -> memref<128x64xf32, #tpu.memory_space<hbm>>
      %dma_start3A_99 = arith.constant 0 : i32
      %dma_start3A_100 = tpu.memref_slice %arg4[%add3A_96, %dma_start3A_99] : memref<320000x64xf32, #tpu.memory_space<hbm>> -> memref<128x64xf32, #tpu.memory_space<hbm>>
      tpu.enqueue_dma source(%arg8 : memref<128x64xf32, #tpu.memory_space<vmem>>) target(%dma_start3A_100 : memref<128x64xf32, #tpu.memory_space<hbm>>) target_semaphore(%arg11 : memref<!tpu.dma_semaphore, #tpu.memory_space<semaphore_mem>>)
    }
    %scan3A_19 = arith.constant 39 : i32
    %add3A_20 = arith.constant 9856 : i32
    %add3A_21 = arith.addi %mul3A_2, %add3A_20 : i32
    %dma_wait3A = arith.constant 0 : i32
    %dma_wait3A_22 = tpu.memref_slice %arg4[%add3A_21, %dma_wait3A] : memref<320000x64xf32, #tpu.memory_space<hbm>> -> memref<128x64xf32, #tpu.memory_space<hbm>>
    %dma_wait3A_23 = arith.constant 0 : i32
    %dma_wait3A_24 = tpu.memref_slice %arg4[%add3A_21, %dma_wait3A_23] : memref<320000x64xf32, #tpu.memory_space<hbm>> -> memref<128x64xf32, #tpu.memory_space<hbm>>
    tpu.wait_dma2 semaphore(%arg11 : memref<!tpu.dma_semaphore, #tpu.memory_space<semaphore_mem>>) src(%arg8 : memref<128x64xf32, #tpu.memory_space<vmem>>) dst(%dma_wait3A_24 : memref<128x64xf32, #tpu.memory_space<hbm>>)
    "tpu.region"() ({
      %run_scoped3A = tpu.sem_alloc : memref<!tpu.dma_semaphore, #tpu.memory_space<semaphore_mem>>
      %dma_start3A_27 = arith.constant 9984 : i32
      %dma_start3A_28 = tpu.memref_slice %arg5[%dma_start3A_27] : memref<10000xi32, #tpu.memory_space<vmem>> -> memref<16xi32, #tpu.memory_space<vmem>>
      %dma_start3A_29 = arith.constant 0 : i32
      %dma_start3A_30 = arith.constant 0 : i32
      %dma_start3A_31 = tpu.memref_slice %arg2[%dma_start3A_29, %dma_start3A_30] : memref<20000x64xf32, #tpu.memory_space<hbm>> -> memref<20000x64xf32, #tpu.memory_space<hbm>>
      tpu.enqueue_indirect_dma source(%dma_start3A_31 : memref<20000x64xf32, #tpu.memory_space<hbm>>) target(%arg9 : memref<16x64xf32, #tpu.memory_space<vmem>>) offsets(%dma_start3A_28 : memref<16xi32, #tpu.memory_space<vmem>>) semaphore(%run_scoped3A : memref<!tpu.dma_semaphore, #tpu.memory_space<semaphore_mem>>)
      %dma_wait3A_32 = arith.constant 9984 : i32
      %dma_wait3A_33 = tpu.memref_slice %arg5[%dma_wait3A_32] : memref<10000xi32, #tpu.memory_space<vmem>> -> memref<16xi32, #tpu.memory_space<vmem>>
      %dma_wait3A_34 = arith.constant 0 : i32
      %dma_wait3A_35 = arith.constant 0 : i32
      %dma_wait3A_36 = tpu.memref_slice %arg2[%dma_wait3A_34, %dma_wait3A_35] : memref<20000x64xf32, #tpu.memory_space<hbm>> -> memref<20000x64xf32, #tpu.memory_space<hbm>>
      tpu.wait_indirect_dma semaphore(%run_scoped3A : memref<!tpu.dma_semaphore, #tpu.memory_space<semaphore_mem>>) src(%dma_wait3A_36 : memref<20000x64xf32, #tpu.memory_space<hbm>>) dst(%arg9 : memref<16x64xf32, #tpu.memory_space<vmem>>)
      tpu.yield
    }) : () -> ()
    "tpu.region"() ({
      %run_scoped3A = tpu.sem_alloc : memref<!tpu.dma_semaphore, #tpu.memory_space<semaphore_mem>>
      %dma_start3A_27 = arith.constant 9984 : i32
      %dma_start3A_28 = tpu.memref_slice %arg6[%dma_start3A_27] : memref<10000xi32, #tpu.memory_space<vmem>> -> memref<16xi32, #tpu.memory_space<vmem>>
      %dma_start3A_29 = arith.constant 0 : i32
      %dma_start3A_30 = arith.constant 0 : i32
      %dma_start3A_31 = tpu.memref_slice %arg2[%dma_start3A_29, %dma_start3A_30] : memref<20000x64xf32, #tpu.memory_space<hbm>> -> memref<20000x64xf32, #tpu.memory_space<hbm>>
      tpu.enqueue_indirect_dma source(%dma_start3A_31 : memref<20000x64xf32, #tpu.memory_space<hbm>>) target(%arg9 : memref<16x64xf32, #tpu.memory_space<vmem>>) offsets(%dma_start3A_28 : memref<16xi32, #tpu.memory_space<vmem>>) semaphore(%run_scoped3A : memref<!tpu.dma_semaphore, #tpu.memory_space<semaphore_mem>>) {add = true}
      %dma_wait3A_32 = arith.constant 9984 : i32
      %dma_wait3A_33 = tpu.memref_slice %arg6[%dma_wait3A_32] : memref<10000xi32, #tpu.memory_space<vmem>> -> memref<16xi32, #tpu.memory_space<vmem>>
      %dma_wait3A_34 = arith.constant 0 : i32
      %dma_wait3A_35 = arith.constant 0 : i32
      %dma_wait3A_36 = tpu.memref_slice %arg2[%dma_wait3A_34, %dma_wait3A_35] : memref<20000x64xf32, #tpu.memory_space<hbm>> -> memref<20000x64xf32, #tpu.memory_space<hbm>>
      tpu.wait_indirect_dma semaphore(%run_scoped3A : memref<!tpu.dma_semaphore, #tpu.memory_space<semaphore_mem>>) src(%dma_wait3A_36 : memref<20000x64xf32, #tpu.memory_space<hbm>>) dst(%arg9 : memref<16x64xf32, #tpu.memory_space<vmem>>)
      tpu.yield
    }) : () -> ()
    %add3A_25 = arith.constant 9984 : i32
    %add3A_26 = arith.addi %mul3A_2, %add3A_25 : i32
    "tpu.region"() ({
      %run_scoped3A = tpu.sem_alloc : memref<!tpu.dma_semaphore, #tpu.memory_space<semaphore_mem>>
      %dma_start3A_27 = arith.constant 0 : i32
      %dma_start3A_28 = tpu.memref_slice %arg4[%add3A_26, %dma_start3A_27] : memref<320000x64xf32, #tpu.memory_space<hbm>> -> memref<16x64xf32, #tpu.memory_space<hbm>>
      %dma_start3A_29 = arith.constant 0 : i32
      %dma_start3A_30 = tpu.memref_slice %arg4[%add3A_26, %dma_start3A_29] : memref<320000x64xf32, #tpu.memory_space<hbm>> -> memref<16x64xf32, #tpu.memory_space<hbm>>
      tpu.enqueue_dma source(%arg9 : memref<16x64xf32, #tpu.memory_space<vmem>>) target(%dma_start3A_30 : memref<16x64xf32, #tpu.memory_space<hbm>>) target_semaphore(%run_scoped3A : memref<!tpu.dma_semaphore, #tpu.memory_space<semaphore_mem>>)
      %dma_wait3A_31 = arith.constant 0 : i32
      %dma_wait3A_32 = tpu.memref_slice %arg4[%add3A_26, %dma_wait3A_31] : memref<320000x64xf32, #tpu.memory_space<hbm>> -> memref<16x64xf32, #tpu.memory_space<hbm>>
      %dma_wait3A_33 = arith.constant 0 : i32
      %dma_wait3A_34 = tpu.memref_slice %arg4[%add3A_26, %dma_wait3A_33] : memref<320000x64xf32, #tpu.memory_space<hbm>> -> memref<16x64xf32, #tpu.memory_space<hbm>>
      tpu.wait_dma2 semaphore(%run_scoped3A : memref<!tpu.dma_semaphore, #tpu.memory_space<semaphore_mem>>) src(%arg9 : memref<16x64xf32, #tpu.memory_space<vmem>>) dst(%dma_wait3A_34 : memref<16x64xf32, #tpu.memory_space<hbm>>)
      tpu.yield
    }) : () -> ()
    return
  }
}

module attributes {stable_mosaic.version = 14 : i64} {
  func.func @body(%arg0: i32, %arg1: memref<16000x128xf32, #tpu.memory_space<vmem>>, %arg2: memref<1x64xf32, #tpu.memory_space<vmem>>, %arg3: memref<8x128xf32, #tpu.memory_space<vmem>>) attributes {dimension_semantics = [#tpu.dimension_semantics<arbitrary>], iteration_bounds = array<i64: 10>, scalar_prefetch = 0 : i64, scratch_operands = 0 : i64, tpu.core_type = #tpu.core_type<tc>, window_params = [{transform_indices = @transform_0, window_bounds = array<i64: 16000, 128>}, {pipeline_mode = #tpu.pipeline_mode<synchronous>, transform_indices = @transform_1, window_bounds = array<i64: 1, 64>}, {pipeline_mode = #tpu.pipeline_mode<synchronous>, transform_indices = @transform_2, window_bounds = array<i64: 8, 128>}]} {
    %get3A = arith.constant 0 : index
    %get3A_0 = arith.constant 0 : index
    %get3A_1 = vector.load %arg2[%get3A, %get3A_0] : memref<1x64xf32, #tpu.memory_space<vmem>>, vector<1x64xf32>
    %get3A_2 = arith.constant 0 : index
    %get3A_3 = arith.constant 0 : index
    %get3A_4 = vector.load %arg2[%get3A_2, %get3A_3] : memref<1x64xf32, #tpu.memory_space<vmem>>, vector<1x64xf32>
    %concatenate3A = tpu.concatenate %get3A_1, %get3A_4 in 1 : vector<1x64xf32>, vector<1x64xf32> -> vector<1x128xf32>
    %get3A_5 = arith.constant 0 : index
    %get3A_6 = arith.constant 0 : index
    %get3A_7 = vector.load %arg1[%get3A_5, %get3A_6] : memref<16000x128xf32, #tpu.memory_space<vmem>>, vector<16000x128xf32>
    %add3A = vector.broadcast %concatenate3A : vector<1x128xf32> to vector<16000x128xf32>
    %add3A_8 = arith.addf %get3A_7, %add3A : vector<16000x128xf32>
    %max3A = arith.constant 0.000000e+00 : f32
    %max3A_9 = vector.broadcast %max3A : f32 to vector<16000x128xf32>
    %max3A_10 = arith.maximumf %add3A_8, %max3A_9 : vector<16000x128xf32>
    %eq3A = arith.constant 0 : i32
    %eq3A_11 = arith.cmpi eq, %arg0, %eq3A : i32
    %convert_element_type3A = arith.extui %eq3A_11 : i1 to i32
    %cond3A = arith.constant 0 : i32
    %cond3A_12 = arith.cmpi ne, %convert_element_type3A, %cond3A : i32
    scf.if %cond3A_12 {
      %broadcast_in_dim3A_30 = arith.constant 0.000000e+00 : f32
      %broadcast_in_dim3A_31 = vector.broadcast %broadcast_in_dim3A_30 : f32 to vector<8x128xf32>
      %swap3A_32 = arith.constant 0 : index
      %swap3A_33 = arith.constant 0 : index
      %swap3A_34 = vector.load %arg3[%swap3A_32, %swap3A_33] : memref<8x128xf32, #tpu.memory_space<vmem>>, vector<8x128xf32>
      tpu.vector_store %arg3[%swap3A_32, %swap3A_33], %broadcast_in_dim3A_31 {strides = array<i32>} : memref<8x128xf32, #tpu.memory_space<vmem>>, vector<8x128xf32>,
    } else {
    }
    %get3A_13 = arith.constant 0 : index
    %get3A_14 = arith.constant 0 : index
    %get3A_15 = vector.load %arg3[%get3A_13, %get3A_14] : memref<8x128xf32, #tpu.memory_space<vmem>>, vector<1x128xf32>
    %reduce_sum3A = arith.constant dense<0.000000e+00> : vector<128xf32>
    %reduce_sum3A_16 = vector.multi_reduction <add>, %max3A_10, %reduce_sum3A [0] : vector<16000x128xf32> to vector<128xf32>
    %broadcast_in_dim3A = vector.shape_cast %reduce_sum3A_16 : vector<128xf32> to vector<1x128xf32>
    %add3A_17 = arith.addf %get3A_15, %broadcast_in_dim3A : vector<1x128xf32>
    %swap3A = arith.constant 0 : index
    %swap3A_18 = arith.constant 0 : index
    %swap3A_19 = vector.load %arg3[%swap3A, %swap3A_18] : memref<8x128xf32, #tpu.memory_space<vmem>>, vector<1x128xf32>
    tpu.vector_store %arg3[%swap3A, %swap3A_18], %add3A_17 {strides = array<i32>} : memref<8x128xf32, #tpu.memory_space<vmem>>, vector<1x128xf32>,
    %get3A_20 = arith.constant 1 : index
    %get3A_21 = arith.constant 0 : index
    %get3A_22 = vector.load %arg3[%get3A_20, %get3A_21] : memref<8x128xf32, #tpu.memory_space<vmem>>, vector<1x128xf32>
    %mul3A = arith.mulf %max3A_10, %max3A_10 : vector<16000x128xf32>
    %reduce_sum3A_23 = arith.constant dense<0.000000e+00> : vector<128xf32>
    %reduce_sum3A_24 = vector.multi_reduction <add>, %mul3A, %reduce_sum3A_23 [0] : vector<16000x128xf32> to vector<128xf32>
    %broadcast_in_dim3A_25 = vector.shape_cast %reduce_sum3A_24 : vector<128xf32> to vector<1x128xf32>
    %add3A_26 = arith.addf %get3A_22, %broadcast_in_dim3A_25 : vector<1x128xf32>
    %swap3A_27 = arith.constant 1 : index
    %swap3A_28 = arith.constant 0 : index
    %swap3A_29 = vector.load %arg3[%swap3A_27, %swap3A_28] : memref<8x128xf32, #tpu.memory_space<vmem>>, vector<1x128xf32>
    tpu.vector_store %arg3[%swap3A_27, %swap3A_28], %add3A_26 {strides = array<i32>} : memref<8x128xf32, #tpu.memory_space<vmem>>, vector<1x128xf32>,
    return
  }
  func.func @transform_0(%arg0: i32) -> (i32, i32) {
    %c0_i32 = arith.constant 0 : i32
    %c0_i32_0 = arith.constant 0 : i32
    return %arg0, %c0_i32 : i32, i32
  }
  func.func @transform_1(%arg0: i32) -> (i32, i32) {
    %c0_i32 = arith.constant 0 : i32
    %c0_i32_0 = arith.constant 0 : i32
    %c0_i32_1 = arith.constant 0 : i32
    return %c0_i32, %c0_i32_0 : i32, i32
  }
  func.func @transform_2(%arg0: i32) -> (i32, i32) {
    %c0_i32 = arith.constant 0 : i32
    %c0_i32_0 = arith.constant 0 : i32
    %c0_i32_1 = arith.constant 0 : i32
    return %c0_i32, %c0_i32_0 : i32, i32
  }
}

module attributes {stable_mosaic.version = 14 : i64} {
  func.func @body(%arg0: i32, %arg1: memref<2000x128xf32, #tpu.memory_space<vmem>>, %arg2: memref<256x64xf32, #tpu.memory_space<vmem>>, %arg3: memref<2000x128xf32, #tpu.memory_space<vmem>>) attributes {dimension_semantics = [#tpu.dimension_semantics<arbitrary>], iteration_bounds = array<i64: 5>, scalar_prefetch = 0 : i64, scratch_operands = 0 : i64, tpu.core_type = #tpu.core_type<tc>, window_params = [{transform_indices = @transform_0, window_bounds = array<i64: 2000, 128>}, {pipeline_mode = #tpu.pipeline_mode<synchronous>, transform_indices = @transform_1, window_bounds = array<i64: 256, 64>}, {transform_indices = @transform_2, window_bounds = array<i64: 2000, 128>}]} {
    %get3A = arith.constant 0 : index
    %get3A_0 = arith.constant 0 : index
    %get3A_1 = vector.load %arg2[%get3A, %get3A_0] : memref<256x64xf32, #tpu.memory_space<vmem>>, vector<256x64xf32>
    %slice3A = vector.extract_strided_slice %get3A_1 {offsets = [128, 0], sizes = [128, 64], strides = [1, 1]} : vector<256x64xf32> to vector<128x64xf32>
    %slice3A_2 = vector.extract_strided_slice %get3A_1 {offsets = [0, 0], sizes = [128, 64], strides = [1, 1]} : vector<256x64xf32> to vector<128x64xf32>
    %sub3A = arith.subf %slice3A_2, %slice3A : vector<128x64xf32>
    %concatenate3A = tpu.concatenate %sub3A, %slice3A in 1 : vector<128x64xf32>, vector<128x64xf32> -> vector<128x128xf32>
    %get3A_3 = arith.constant 0 : index
    %get3A_4 = arith.constant 0 : index
    %get3A_5 = vector.load %arg1[%get3A_3, %get3A_4] : memref<2000x128xf32, #tpu.memory_space<vmem>>, vector<2000x128xf32>
    %dot_general3A = arith.constant dense<0.000000e+00> : vector<2000x128xf32>
    %dot_general3A_6 = tpu.matmul %get3A_5, %concatenate3A, %dot_general3A {dimension_numbers = #tpu.dot_dimension_numbers<[1], [0], [0], [1], [0, 0, 1, 1], [], []>, transpose_lhs_hint = false} : vector<2000x128xf32>, vector<128x128xf32>, vector<2000x128xf32> -> vector<2000x128xf32>
    %swap3A = arith.constant 0 : index
    %swap3A_7 = arith.constant 0 : index
    %swap3A_8 = vector.load %arg3[%swap3A, %swap3A_7] : memref<2000x128xf32, #tpu.memory_space<vmem>>, vector<2000x128xf32>
    tpu.vector_store %arg3[%swap3A, %swap3A_7], %dot_general3A_6 {strides = array<i32>} : memref<2000x128xf32, #tpu.memory_space<vmem>>, vector<2000x128xf32>,
    return
  }
  func.func @transform_0(%arg0: i32) -> (i32, i32) {
    %c0_i32 = arith.constant 0 : i32
    %c0_i32_0 = arith.constant 0 : i32
    return %arg0, %c0_i32 : i32, i32
  }
  func.func @transform_1(%arg0: i32) -> (i32, i32) {
    %c0_i32 = arith.constant 0 : i32
    %c0_i32_0 = arith.constant 0 : i32
    %c0_i32_1 = arith.constant 0 : i32
    return %c0_i32, %c0_i32_0 : i32, i32
  }
  func.func @transform_2(%arg0: i32) -> (i32, i32) {
    %c0_i32 = arith.constant 0 : i32
    %c0_i32_0 = arith.constant 0 : i32
    return %arg0, %c0_i32 : i32, i32
  }
}

module attributes {stable_mosaic.version = 14 : i64} {
  func.func @body(%arg0: i32, %arg1: memref<8000x128xf32, #tpu.memory_space<vmem>>, %arg2: memref<1x64xf32, #tpu.memory_space<vmem>>, %arg3: memref<64x64xf32, #tpu.memory_space<vmem>>, %arg4: memref<64x1xf32, #tpu.memory_space<vmem>>, %arg5: memref<1x64xf32, #tpu.memory_space<vmem>>, %arg6: memref<1x64xf32, #tpu.memory_space<vmem>>, %arg7: memref<8000x128xf32, #tpu.memory_space<vmem>>, %arg8: memref<8x128xf32, #tpu.memory_space<vmem>>) attributes {dimension_semantics = [#tpu.dimension_semantics<arbitrary>], iteration_bounds = array<i64: 20>, scalar_prefetch = 0 : i64, scratch_operands = 0 : i64, tpu.core_type = #tpu.core_type<tc>, window_params = [{transform_indices = @transform_0, window_bounds = array<i64: 8000, 128>}, {pipeline_mode = #tpu.pipeline_mode<synchronous>, transform_indices = @transform_1, window_bounds = array<i64: 1, 64>}, {pipeline_mode = #tpu.pipeline_mode<synchronous>, transform_indices = @transform_2, window_bounds = array<i64: 64, 64>}, {pipeline_mode = #tpu.pipeline_mode<synchronous>, transform_indices = @transform_3, window_bounds = array<i64: 64, 1>}, {pipeline_mode = #tpu.pipeline_mode<synchronous>, transform_indices = @transform_4, window_bounds = array<i64: 1, 64>}, {pipeline_mode = #tpu.pipeline_mode<synchronous>, transform_indices = @transform_5, window_bounds = array<i64: 1, 64>}, {transform_indices = @transform_6, window_bounds = array<i64: 8000, 128>}, {pipeline_mode = #tpu.pipeline_mode<synchronous>, transform_indices = @transform_7, window_bounds = array<i64: 8, 128>}]} {
    %get3A = arith.constant 0 : index
    %get3A_0 = arith.constant 0 : index
    %get3A_1 = vector.load %arg4[%get3A, %get3A_0] : memref<64x1xf32, #tpu.memory_space<vmem>>, vector<64x1xf32>
    %get3A_2 = arith.constant 0 : index
    %get3A_3 = arith.constant 0 : index
    %get3A_4 = vector.load %arg3[%get3A_2, %get3A_3] : memref<64x64xf32, #tpu.memory_space<vmem>>, vector<64x64xf32>
    %mul3A = vector.broadcast %get3A_1 : vector<64x1xf32> to vector<64x64xf32>
    %mul3A_5 = arith.mulf %mul3A, %get3A_4 : vector<64x64xf32>
    %get3A_6 = arith.constant 0 : index
    %get3A_7 = arith.constant 0 : index
    %get3A_8 = vector.load %arg5[%get3A_6, %get3A_7] : memref<1x64xf32, #tpu.memory_space<vmem>>, vector<1x64xf32>
    %get3A_9 = arith.constant 0 : index
    %get3A_10 = arith.constant 0 : index
    %get3A_11 = vector.load %arg3[%get3A_9, %get3A_10] : memref<64x64xf32, #tpu.memory_space<vmem>>, vector<64x64xf32>
    %dot_general3A = arith.constant dense<0.000000e+00> : vector<1x64xf32>
    %dot_general3A_12 = tpu.matmul %get3A_8, %get3A_11, %dot_general3A {dimension_numbers = #tpu.dot_dimension_numbers<[1], [0], [0], [1], [0, 0, 1, 1], [], []>, transpose_lhs_hint = false} : vector<1x64xf32>, vector<64x64xf32>, vector<1x64xf32> -> vector<1x64xf32>
    %get3A_13 = arith.constant 0 : index
    %get3A_14 = arith.constant 0 : index
    %get3A_15 = vector.load %arg6[%get3A_13, %get3A_14] : memref<1x64xf32, #tpu.memory_space<vmem>>, vector<1x64xf32>
    %add3A = arith.addf %dot_general3A_12, %get3A_15 : vector<1x64xf32>
    %get3A_16 = arith.constant 0 : index
    %get3A_17 = arith.constant 0 : index
    %get3A_18 = vector.load %arg2[%get3A_16, %get3A_17] : memref<1x64xf32, #tpu.memory_space<vmem>>, vector<1x64xf32>
    %get3A_19 = arith.constant 0 : index
    %get3A_20 = arith.constant 0 : index
    %get3A_21 = vector.load %arg2[%get3A_19, %get3A_20] : memref<1x64xf32, #tpu.memory_space<vmem>>, vector<1x64xf32>
    %concatenate3A = tpu.concatenate %get3A_18, %get3A_21 in 1 : vector<1x64xf32>, vector<1x64xf32> -> vector<1x128xf32>
    %get3A_22 = arith.constant 0 : index
    %get3A_23 = arith.constant 0 : index
    %get3A_24 = vector.load %arg1[%get3A_22, %get3A_23] : memref<8000x128xf32, #tpu.memory_space<vmem>>, vector<8000x128xf32>
    %add3A_25 = vector.broadcast %concatenate3A : vector<1x128xf32> to vector<8000x128xf32>
    %add3A_26 = arith.addf %get3A_24, %add3A_25 : vector<8000x128xf32>
    %max3A = arith.constant 0.000000e+00 : f32
    %max3A_27 = vector.broadcast %max3A : f32 to vector<8000x128xf32>
    %max3A_28 = arith.maximumf %add3A_26, %max3A_27 : vector<8000x128xf32>
    %broadcast_in_dim3A = arith.constant 0.000000e+00 : f32
    %broadcast_in_dim3A_29 = vector.broadcast %broadcast_in_dim3A : f32 to vector<64x64xf32>
    %concatenate3A_30 = tpu.concatenate %mul3A_5, %broadcast_in_dim3A_29 in 1 : vector<64x64xf32>, vector<64x64xf32> -> vector<64x128xf32>
    %concatenate3A_31 = tpu.concatenate %broadcast_in_dim3A_29, %mul3A_5 in 1 : vector<64x64xf32>, vector<64x64xf32> -> vector<64x128xf32>
    %concatenate3A_32 = tpu.concatenate %concatenate3A_30, %concatenate3A_31 in 0 : vector<64x128xf32>, vector<64x128xf32> -> vector<128x128xf32>
    %dot_general3A_33 = arith.constant dense<0.000000e+00> : vector<8000x128xf32>
    %dot_general3A_34 = tpu.matmul %max3A_28, %concatenate3A_32, %dot_general3A_33 {dimension_numbers = #tpu.dot_dimension_numbers<[1], [0], [0], [1], [0, 0, 1, 1], [], []>, transpose_lhs_hint = false} : vector<8000x128xf32>, vector<128x128xf32>, vector<8000x128xf32> -> vector<8000x128xf32>
    %concatenate3A_35 = tpu.concatenate %add3A, %add3A in 1 : vector<1x64xf32>, vector<1x64xf32> -> vector<1x128xf32>
    %add3A_36 = vector.broadcast %concatenate3A_35 : vector<1x128xf32> to vector<8000x128xf32>
    %add3A_37 = arith.addf %dot_general3A_34, %add3A_36 : vector<8000x128xf32>
    %max3A_38 = arith.constant 0.000000e+00 : f32
    %max3A_39 = vector.broadcast %max3A_38 : f32 to vector<8000x128xf32>
    %max3A_40 = arith.maximumf %add3A_37, %max3A_39 : vector<8000x128xf32>
    %swap3A = arith.constant 0 : index
    %swap3A_41 = arith.constant 0 : index
    %swap3A_42 = vector.load %arg7[%swap3A, %swap3A_41] : memref<8000x128xf32, #tpu.memory_space<vmem>>, vector<8000x128xf32>
    tpu.vector_store %arg7[%swap3A, %swap3A_41], %max3A_40 {strides = array<i32>} : memref<8000x128xf32, #tpu.memory_space<vmem>>, vector<8000x128xf32>,
    %eq3A = arith.constant 0 : i32
    %eq3A_43 = arith.cmpi eq, %arg0, %eq3A : i32
    %convert_element_type3A = arith.extui %eq3A_43 : i1 to i32
    %cond3A = arith.constant 0 : i32
    %cond3A_44 = arith.cmpi ne, %convert_element_type3A, %cond3A : i32
    scf.if %cond3A_44 {
      %broadcast_in_dim3A_65 = arith.constant 0.000000e+00 : f32
      %broadcast_in_dim3A_66 = vector.broadcast %broadcast_in_dim3A_65 : f32 to vector<8x128xf32>
      %swap3A_67 = arith.constant 0 : index
      %swap3A_68 = arith.constant 0 : index
      %swap3A_69 = vector.load %arg8[%swap3A_67, %swap3A_68] : memref<8x128xf32, #tpu.memory_space<vmem>>, vector<8x128xf32>
      tpu.vector_store %arg8[%swap3A_67, %swap3A_68], %broadcast_in_dim3A_66 {strides = array<i32>} : memref<8x128xf32, #tpu.memory_space<vmem>>, vector<8x128xf32>,
    } else {
    }
    %get3A_45 = arith.constant 0 : index
    %get3A_46 = arith.constant 0 : index
    %get3A_47 = vector.load %arg8[%get3A_45, %get3A_46] : memref<8x128xf32, #tpu.memory_space<vmem>>, vector<1x128xf32>
    %reduce_sum3A = arith.constant dense<0.000000e+00> : vector<128xf32>
    %reduce_sum3A_48 = vector.multi_reduction <add>, %max3A_40, %reduce_sum3A [0] : vector<8000x128xf32> to vector<128xf32>
    %broadcast_in_dim3A_49 = vector.shape_cast %reduce_sum3A_48 : vector<128xf32> to vector<1x128xf32>
    %add3A_50 = arith.addf %get3A_47, %broadcast_in_dim3A_49 : vector<1x128xf32>
    %swap3A_51 = arith.constant 0 : index
    %swap3A_52 = arith.constant 0 : index
    %swap3A_53 = vector.load %arg8[%swap3A_51, %swap3A_52] : memref<8x128xf32, #tpu.memory_space<vmem>>, vector<1x128xf32>
    tpu.vector_store %arg8[%swap3A_51, %swap3A_52], %add3A_50 {strides = array<i32>} : memref<8x128xf32, #tpu.memory_space<vmem>>, vector<1x128xf32>,
    %get3A_54 = arith.constant 1 : index
    %get3A_55 = arith.constant 0 : index
    %get3A_56 = vector.load %arg8[%get3A_54, %get3A_55] : memref<8x128xf32, #tpu.memory_space<vmem>>, vector<1x128xf32>
    %mul3A_57 = arith.mulf %max3A_40, %max3A_40 : vector<8000x128xf32>
    %reduce_sum3A_58 = arith.constant dense<0.000000e+00> : vector<128xf32>
    %reduce_sum3A_59 = vector.multi_reduction <add>, %mul3A_57, %reduce_sum3A_58 [0] : vector<8000x128xf32> to vector<128xf32>
    %broadcast_in_dim3A_60 = vector.shape_cast %reduce_sum3A_59 : vector<128xf32> to vector<1x128xf32>
    %add3A_61 = arith.addf %get3A_56, %broadcast_in_dim3A_60 : vector<1x128xf32>
    %swap3A_62 = arith.constant 1 : index
    %swap3A_63 = arith.constant 0 : index
    %swap3A_64 = vector.load %arg8[%swap3A_62, %swap3A_63] : memref<8x128xf32, #tpu.memory_space<vmem>>, vector<1x128xf32>
    tpu.vector_store %arg8[%swap3A_62, %swap3A_63], %add3A_61 {strides = array<i32>} : memref<8x128xf32, #tpu.memory_space<vmem>>, vector<1x128xf32>,
    return
  }
  func.func @transform_0(%arg0: i32) -> (i32, i32) {
    %c0_i32 = arith.constant 0 : i32
    %c0_i32_0 = arith.constant 0 : i32
    return %arg0, %c0_i32 : i32, i32
  }
  func.func @transform_1(%arg0: i32) -> (i32, i32) {
    %c0_i32 = arith.constant 0 : i32
    %c0_i32_0 = arith.constant 0 : i32
    %c0_i32_1 = arith.constant 0 : i32
    return %c0_i32, %c0_i32_0 : i32, i32
  }
  func.func @transform_2(%arg0: i32) -> (i32, i32) {
    %c0_i32 = arith.constant 0 : i32
    %c0_i32_0 = arith.constant 0 : i32
    %c0_i32_1 = arith.constant 0 : i32
    return %c0_i32, %c0_i32_0 : i32, i32
  }
  func.func @transform_3(%arg0: i32) -> (i32, i32) {
    %c0_i32 = arith.constant 0 : i32
    %c0_i32_0 = arith.constant 0 : i32
    %c0_i32_1 = arith.constant 0 : i32
    return %c0_i32, %c0_i32_0 : i32, i32
  }
  func.func @transform_4(%arg0: i32) -> (i32, i32) {
    %c0_i32 = arith.constant 0 : i32
    %c0_i32_0 = arith.constant 0 : i32
    %c0_i32_1 = arith.constant 0 : i32
    return %c0_i32, %c0_i32_0 : i32, i32
  }
  func.func @transform_5(%arg0: i32) -> (i32, i32) {
    %c0_i32 = arith.constant 0 : i32
    %c0_i32_0 = arith.constant 0 : i32
    %c0_i32_1 = arith.constant 0 : i32
    return %c0_i32, %c0_i32_0 : i32, i32
  }
  func.func @transform_6(%arg0: i32) -> (i32, i32) {
    %c0_i32 = arith.constant 0 : i32
    %c0_i32_0 = arith.constant 0 : i32
    return %arg0, %c0_i32 : i32, i32
  }
  func.func @transform_7(%arg0: i32) -> (i32, i32) {
    %c0_i32 = arith.constant 0 : i32
    %c0_i32_0 = arith.constant 0 : i32
    %c0_i32_1 = arith.constant 0 : i32
    return %c0_i32, %c0_i32_0 : i32, i32
  }
}

module attributes {stable_mosaic.version = 14 : i64} {
  func.func @body(%arg0: i32, %arg1: memref<2x2000x64xf32, #tpu.memory_space<vmem>>, %arg2: memref<128x64xf32, #tpu.memory_space<vmem>>, %arg3: memref<64x1xf32, #tpu.memory_space<vmem>>, %arg4: memref<1x64xf32, #tpu.memory_space<vmem>>, %arg5: memref<2x2000x16xf32, #tpu.memory_space<vmem>>, %arg6: memref<2000x128xf32, #tpu.memory_space<vmem>>) attributes {dimension_semantics = [#tpu.dimension_semantics<arbitrary>], iteration_bounds = array<i64: 5>, scalar_prefetch = 0 : i64, scratch_operands = 0 : i64, tpu.core_type = #tpu.core_type<tc>, window_params = [{transform_indices = @transform_0, window_bounds = array<i64: 2, 2000, 64>}, {pipeline_mode = #tpu.pipeline_mode<synchronous>, transform_indices = @transform_1, window_bounds = array<i64: 128, 64>}, {pipeline_mode = #tpu.pipeline_mode<synchronous>, transform_indices = @transform_2, window_bounds = array<i64: 64, 1>}, {pipeline_mode = #tpu.pipeline_mode<synchronous>, transform_indices = @transform_3, window_bounds = array<i64: 1, 64>}, {transform_indices = @transform_4, window_bounds = array<i64: 2, 2000, 16>}, {transform_indices = @transform_5, window_bounds = array<i64: 2000, 128>}]} {
    %get3A = arith.constant 0 : index
    %get3A_0 = arith.constant 0 : index
    %get3A_1 = arith.constant 0 : index
    %get3A_2 = vector.load %arg1[%get3A, %get3A_0, %get3A_1] : memref<2x2000x64xf32, #tpu.memory_space<vmem>>, vector<1x2000x64xf32>
    %get3A_3 = vector.shape_cast %get3A_2 : vector<1x2000x64xf32> to vector<2000x64xf32>
    %get3A_4 = arith.constant 1 : index
    %get3A_5 = arith.constant 0 : index
    %get3A_6 = arith.constant 0 : index
    %get3A_7 = vector.load %arg1[%get3A_4, %get3A_5, %get3A_6] : memref<2x2000x64xf32, #tpu.memory_space<vmem>>, vector<1x2000x64xf32>
    %get3A_8 = vector.shape_cast %get3A_7 : vector<1x2000x64xf32> to vector<2000x64xf32>
    %add3A = arith.addf %get3A_3, %get3A_8 : vector<2000x64xf32>
    %get3A_9 = arith.constant 0 : index
    %get3A_10 = arith.constant 0 : index
    %get3A_11 = arith.constant 0 : index
    %get3A_12 = vector.load %arg5[%get3A_9, %get3A_10, %get3A_11] : memref<2x2000x16xf32, #tpu.memory_space<vmem>>, vector<1x2000x1xf32>
    %get3A_13 = vector.shape_cast %get3A_12 : vector<1x2000x1xf32> to vector<2000x1xf32>
    %get3A_14 = arith.constant 1 : index
    %get3A_15 = arith.constant 0 : index
    %get3A_16 = arith.constant 0 : index
    %get3A_17 = vector.load %arg5[%get3A_14, %get3A_15, %get3A_16] : memref<2x2000x16xf32, #tpu.memory_space<vmem>>, vector<1x2000x1xf32>
    %get3A_18 = vector.shape_cast %get3A_17 : vector<1x2000x1xf32> to vector<2000x1xf32>
    %add3A_19 = arith.addf %get3A_13, %get3A_18 : vector<2000x1xf32>
    %get3A_20 = arith.constant 0 : index
    %get3A_21 = arith.constant 0 : index
    %get3A_22 = vector.load %arg2[%get3A_20, %get3A_21] : memref<128x64xf32, #tpu.memory_space<vmem>>, vector<128x64xf32>
    %slice3A = vector.extract_strided_slice %get3A_22 {offsets = [64, 0], sizes = [64, 64], strides = [1, 1]} : vector<128x64xf32> to vector<64x64xf32>
    %slice3A_23 = vector.extract_strided_slice %get3A_22 {offsets = [0, 0], sizes = [64, 64], strides = [1, 1]} : vector<128x64xf32> to vector<64x64xf32>
    %sub3A = arith.subf %slice3A_23, %slice3A : vector<64x64xf32>
    %concatenate3A = tpu.concatenate %sub3A, %slice3A in 1 : vector<64x64xf32>, vector<64x64xf32> -> vector<64x128xf32>
    %get3A_24 = arith.constant 0 : index
    %get3A_25 = arith.constant 0 : index
    %get3A_26 = vector.load %arg4[%get3A_24, %get3A_25] : memref<1x64xf32, #tpu.memory_space<vmem>>, vector<1x64xf32>
    %dot_general3A = arith.constant dense<0.000000e+00> : vector<1x128xf32>
    %dot_general3A_27 = tpu.matmul %get3A_26, %concatenate3A, %dot_general3A {dimension_numbers = #tpu.dot_dimension_numbers<[1], [0], [0], [1], [0, 0, 1, 1], [], []>, transpose_lhs_hint = false} : vector<1x64xf32>, vector<64x128xf32>, vector<1x128xf32> -> vector<1x128xf32>
    %get3A_28 = arith.constant 0 : index
    %get3A_29 = arith.constant 0 : index
    %get3A_30 = vector.load %arg3[%get3A_28, %get3A_29] : memref<64x1xf32, #tpu.memory_space<vmem>>, vector<64x1xf32>
    %mul3A = vector.broadcast %get3A_30 : vector<64x1xf32> to vector<64x128xf32>
    %mul3A_31 = arith.mulf %mul3A, %concatenate3A : vector<64x128xf32>
    %dot_general3A_32 = arith.constant dense<0.000000e+00> : vector<2000x128xf32>
    %dot_general3A_33 = tpu.matmul %add3A, %mul3A_31, %dot_general3A_32 {dimension_numbers = #tpu.dot_dimension_numbers<[1], [0], [0], [1], [0, 0, 1, 1], [], []>, transpose_lhs_hint = false} : vector<2000x64xf32>, vector<64x128xf32>, vector<2000x128xf32> -> vector<2000x128xf32>
    %mul3A_34 = vector.broadcast %add3A_19 : vector<2000x1xf32> to vector<2000x128xf32>
    %mul3A_35 = vector.broadcast %dot_general3A_27 : vector<1x128xf32> to vector<2000x128xf32>
    %mul3A_36 = arith.mulf %mul3A_34, %mul3A_35 : vector<2000x128xf32>
    %add3A_37 = arith.addf %dot_general3A_33, %mul3A_36 : vector<2000x128xf32>
    %swap3A = arith.constant 0 : index
    %swap3A_38 = arith.constant 0 : index
    %swap3A_39 = vector.load %arg6[%swap3A, %swap3A_38] : memref<2000x128xf32, #tpu.memory_space<vmem>>, vector<2000x128xf32>
    tpu.vector_store %arg6[%swap3A, %swap3A_38], %add3A_37 {strides = array<i32>} : memref<2000x128xf32, #tpu.memory_space<vmem>>, vector<2000x128xf32>,
    return
  }
  func.func @transform_0(%arg0: i32) -> (i32, i32, i32) {
    %c0_i32 = arith.constant 0 : i32
    %c0_i32_0 = arith.constant 0 : i32
    %c0_i32_1 = arith.constant 0 : i32
    return %c0_i32, %arg0, %c0_i32_0 : i32, i32, i32
  }
  func.func @transform_1(%arg0: i32) -> (i32, i32) {
    %c0_i32 = arith.constant 0 : i32
    %c0_i32_0 = arith.constant 0 : i32
    %c0_i32_1 = arith.constant 0 : i32
    return %c0_i32, %c0_i32_0 : i32, i32
  }
  func.func @transform_2(%arg0: i32) -> (i32, i32) {
    %c0_i32 = arith.constant 0 : i32
    %c0_i32_0 = arith.constant 0 : i32
    %c0_i32_1 = arith.constant 0 : i32
    return %c0_i32, %c0_i32_0 : i32, i32
  }
  func.func @transform_3(%arg0: i32) -> (i32, i32) {
    %c0_i32 = arith.constant 0 : i32
    %c0_i32_0 = arith.constant 0 : i32
    %c0_i32_1 = arith.constant 0 : i32
    return %c0_i32, %c0_i32_0 : i32, i32
  }
  func.func @transform_4(%arg0: i32) -> (i32, i32, i32) {
    %c0_i32 = arith.constant 0 : i32
    %c0_i32_0 = arith.constant 0 : i32
    %c0_i32_1 = arith.constant 0 : i32
    return %c0_i32, %arg0, %c0_i32_0 : i32, i32, i32
  }
  func.func @transform_5(%arg0: i32) -> (i32, i32) {
    %c0_i32 = arith.constant 0 : i32
    %c0_i32_0 = arith.constant 0 : i32
    return %arg0, %c0_i32 : i32, i32
  }
}

module attributes {stable_mosaic.version = 14 : i64} {
  func.func @body(%arg0: i32, %arg1: memref<2x2000x64xf32, #tpu.memory_space<vmem>>, %arg2: memref<2x2000x64xf32, #tpu.memory_space<vmem>>, %arg3: memref<2x2000x16xf32, #tpu.memory_space<vmem>>, %arg4: memref<128x256xf32, #tpu.memory_space<vmem>>, %arg5: memref<1x256xf32, #tpu.memory_space<vmem>>, %arg6: memref<64x1xf32, #tpu.memory_space<vmem>>, %arg7: memref<64x1xf32, #tpu.memory_space<vmem>>, %arg8: memref<1x64xf32, #tpu.memory_space<vmem>>, %arg9: memref<1x64xf32, #tpu.memory_space<vmem>>, %arg10: memref<2000x256xf32, #tpu.memory_space<vmem>>, %arg11: memref<8x256xf32, #tpu.memory_space<vmem>>) attributes {dimension_semantics = [#tpu.dimension_semantics<arbitrary>], iteration_bounds = array<i64: 5>, scalar_prefetch = 0 : i64, scratch_operands = 0 : i64, tpu.core_type = #tpu.core_type<tc>, window_params = [{transform_indices = @transform_0, window_bounds = array<i64: 2, 2000, 64>}, {transform_indices = @transform_1, window_bounds = array<i64: 2, 2000, 64>}, {transform_indices = @transform_2, window_bounds = array<i64: 2, 2000, 16>}, {pipeline_mode = #tpu.pipeline_mode<synchronous>, transform_indices = @transform_3, window_bounds = array<i64: 128, 256>}, {pipeline_mode = #tpu.pipeline_mode<synchronous>, transform_indices = @transform_4, window_bounds = array<i64: 1, 256>}, {pipeline_mode = #tpu.pipeline_mode<synchronous>, transform_indices = @transform_5, window_bounds = array<i64: 64, 1>}, {pipeline_mode = #tpu.pipeline_mode<synchronous>, transform_indices = @transform_6, window_bounds = array<i64: 64, 1>}, {pipeline_mode = #tpu.pipeline_mode<synchronous>, transform_indices = @transform_7, window_bounds = array<i64: 1, 64>}, {pipeline_mode = #tpu.pipeline_mode<synchronous>, transform_indices = @transform_8, window_bounds = array<i64: 1, 64>}, {transform_indices = @transform_9, window_bounds = array<i64: 2000, 256>}, {pipeline_mode = #tpu.pipeline_mode<synchronous>, transform_indices = @transform_10, window_bounds = array<i64: 8, 256>}]} {
    %get3A = arith.constant 0 : index
    %get3A_0 = arith.constant 0 : index
    %get3A_1 = arith.constant 0 : index
    %get3A_2 = vector.load %arg1[%get3A, %get3A_0, %get3A_1] : memref<2x2000x64xf32, #tpu.memory_space<vmem>>, vector<1x2000x64xf32>
    %get3A_3 = vector.shape_cast %get3A_2 : vector<1x2000x64xf32> to vector<2000x64xf32>
    %get3A_4 = arith.constant 1 : index
    %get3A_5 = arith.constant 0 : index
    %get3A_6 = arith.constant 0 : index
    %get3A_7 = vector.load %arg1[%get3A_4, %get3A_5, %get3A_6] : memref<2x2000x64xf32, #tpu.memory_space<vmem>>, vector<1x2000x64xf32>
    %get3A_8 = vector.shape_cast %get3A_7 : vector<1x2000x64xf32> to vector<2000x64xf32>
    %add3A = arith.addf %get3A_3, %get3A_8 : vector<2000x64xf32>
    %get3A_9 = arith.constant 0 : index
    %get3A_10 = arith.constant 0 : index
    %get3A_11 = arith.constant 0 : index
    %get3A_12 = vector.load %arg2[%get3A_9, %get3A_10, %get3A_11] : memref<2x2000x64xf32, #tpu.memory_space<vmem>>, vector<1x2000x64xf32>
    %get3A_13 = vector.shape_cast %get3A_12 : vector<1x2000x64xf32> to vector<2000x64xf32>
    %get3A_14 = arith.constant 1 : index
    %get3A_15 = arith.constant 0 : index
    %get3A_16 = arith.constant 0 : index
    %get3A_17 = vector.load %arg2[%get3A_14, %get3A_15, %get3A_16] : memref<2x2000x64xf32, #tpu.memory_space<vmem>>, vector<1x2000x64xf32>
    %get3A_18 = vector.shape_cast %get3A_17 : vector<1x2000x64xf32> to vector<2000x64xf32>
    %add3A_19 = arith.addf %get3A_13, %get3A_18 : vector<2000x64xf32>
    %get3A_20 = arith.constant 0 : index
    %get3A_21 = arith.constant 0 : index
    %get3A_22 = arith.constant 0 : index
    %get3A_23 = vector.load %arg3[%get3A_20, %get3A_21, %get3A_22] : memref<2x2000x16xf32, #tpu.memory_space<vmem>>, vector<1x2000x1xf32>
    %get3A_24 = vector.shape_cast %get3A_23 : vector<1x2000x1xf32> to vector<2000x1xf32>
    %get3A_25 = arith.constant 1 : index
    %get3A_26 = arith.constant 0 : index
    %get3A_27 = arith.constant 0 : index
    %get3A_28 = vector.load %arg3[%get3A_25, %get3A_26, %get3A_27] : memref<2x2000x16xf32, #tpu.memory_space<vmem>>, vector<1x2000x1xf32>
    %get3A_29 = vector.shape_cast %get3A_28 : vector<1x2000x1xf32> to vector<2000x1xf32>
    %add3A_30 = arith.addf %get3A_24, %get3A_29 : vector<2000x1xf32>
    %get3A_31 = arith.constant 0 : index
    %get3A_32 = arith.constant 0 : index
    %get3A_33 = vector.load %arg4[%get3A_31, %get3A_32] : memref<128x256xf32, #tpu.memory_space<vmem>>, vector<128x256xf32>
    %slice3A = vector.extract_strided_slice %get3A_33 {offsets = [0, 0], sizes = [64, 256], strides = [1, 1]} : vector<128x256xf32> to vector<64x256xf32>
    %get3A_34 = arith.constant 0 : index
    %get3A_35 = arith.constant 0 : index
    %get3A_36 = vector.load %arg4[%get3A_34, %get3A_35] : memref<128x256xf32, #tpu.memory_space<vmem>>, vector<128x256xf32>
    %slice3A_37 = vector.extract_strided_slice %get3A_36 {offsets = [64, 0], sizes = [64, 256], strides = [1, 1]} : vector<128x256xf32> to vector<64x256xf32>
    %get3A_38 = arith.constant 0 : index
    %get3A_39 = arith.constant 0 : index
    %get3A_40 = vector.load %arg8[%get3A_38, %get3A_39] : memref<1x64xf32, #tpu.memory_space<vmem>>, vector<1x64xf32>
    %dot_general3A = arith.constant dense<0.000000e+00> : vector<1x256xf32>
    %dot_general3A_41 = tpu.matmul %get3A_40, %slice3A, %dot_general3A {dimension_numbers = #tpu.dot_dimension_numbers<[1], [0], [0], [1], [0, 0, 1, 1], [], []>, transpose_lhs_hint = false} : vector<1x64xf32>, vector<64x256xf32>, vector<1x256xf32> -> vector<1x256xf32>
    %get3A_42 = arith.constant 0 : index
    %get3A_43 = arith.constant 0 : index
    %get3A_44 = vector.load %arg9[%get3A_42, %get3A_43] : memref<1x64xf32, #tpu.memory_space<vmem>>, vector<1x64xf32>
    %dot_general3A_45 = arith.constant dense<0.000000e+00> : vector<1x256xf32>
    %dot_general3A_46 = tpu.matmul %get3A_44, %slice3A_37, %dot_general3A_45 {dimension_numbers = #tpu.dot_dimension_numbers<[1], [0], [0], [1], [0, 0, 1, 1], [], []>, transpose_lhs_hint = false} : vector<1x64xf32>, vector<64x256xf32>, vector<1x256xf32> -> vector<1x256xf32>
    %add3A_47 = arith.addf %dot_general3A_41, %dot_general3A_46 : vector<1x256xf32>
    %get3A_48 = arith.constant 0 : index
    %get3A_49 = arith.constant 0 : index
    %get3A_50 = vector.load %arg6[%get3A_48, %get3A_49] : memref<64x1xf32, #tpu.memory_space<vmem>>, vector<64x1xf32>
    %mul3A = vector.broadcast %get3A_50 : vector<64x1xf32> to vector<64x256xf32>
    %mul3A_51 = arith.mulf %mul3A, %slice3A : vector<64x256xf32>
    %dot_general3A_52 = arith.constant dense<0.000000e+00> : vector<2000x256xf32>
    %dot_general3A_53 = tpu.matmul %add3A, %mul3A_51, %dot_general3A_52 {dimension_numbers = #tpu.dot_dimension_numbers<[1], [0], [0], [1], [0, 0, 1, 1], [], []>, transpose_lhs_hint = false} : vector<2000x64xf32>, vector<64x256xf32>, vector<2000x256xf32> -> vector<2000x256xf32>
    %get3A_54 = arith.constant 0 : index
    %get3A_55 = arith.constant 0 : index
    %get3A_56 = vector.load %arg7[%get3A_54, %get3A_55] : memref<64x1xf32, #tpu.memory_space<vmem>>, vector<64x1xf32>
    %mul3A_57 = vector.broadcast %get3A_56 : vector<64x1xf32> to vector<64x256xf32>
    %mul3A_58 = arith.mulf %mul3A_57, %slice3A_37 : vector<64x256xf32>
    %dot_general3A_59 = arith.constant dense<0.000000e+00> : vector<2000x256xf32>
    %dot_general3A_60 = tpu.matmul %add3A_19, %mul3A_58, %dot_general3A_59 {dimension_numbers = #tpu.dot_dimension_numbers<[1], [0], [0], [1], [0, 0, 1, 1], [], []>, transpose_lhs_hint = false} : vector<2000x64xf32>, vector<64x256xf32>, vector<2000x256xf32> -> vector<2000x256xf32>
    %add3A_61 = arith.addf %dot_general3A_53, %dot_general3A_60 : vector<2000x256xf32>
    %mul3A_62 = vector.broadcast %add3A_30 : vector<2000x1xf32> to vector<2000x256xf32>
    %mul3A_63 = vector.broadcast %add3A_47 : vector<1x256xf32> to vector<2000x256xf32>
    %mul3A_64 = arith.mulf %mul3A_62, %mul3A_63 : vector<2000x256xf32>
    %add3A_65 = arith.addf %add3A_61, %mul3A_64 : vector<2000x256xf32>
    %get3A_66 = arith.constant 0 : index
    %get3A_67 = arith.constant 0 : index
    %get3A_68 = vector.load %arg5[%get3A_66, %get3A_67] : memref<1x256xf32, #tpu.memory_space<vmem>>, vector<1x256xf32>
    %add3A_69 = vector.broadcast %get3A_68 : vector<1x256xf32> to vector<2000x256xf32>
    %add3A_70 = arith.addf %add3A_65, %add3A_69 : vector<2000x256xf32>
    %max3A = arith.constant 0.000000e+00 : f32
    %max3A_71 = vector.broadcast %max3A : f32 to vector<2000x256xf32>
    %max3A_72 = arith.maximumf %add3A_70, %max3A_71 : vector<2000x256xf32>
    %swap3A = arith.constant 0 : index
    %swap3A_73 = arith.constant 0 : index
    %swap3A_74 = vector.load %arg10[%swap3A, %swap3A_73] : memref<2000x256xf32, #tpu.memory_space<vmem>>, vector<2000x256xf32>
    tpu.vector_store %arg10[%swap3A, %swap3A_73], %max3A_72 {strides = array<i32>} : memref<2000x256xf32, #tpu.memory_space<vmem>>, vector<2000x256xf32>,
    %eq3A = arith.constant 0 : i32
    %eq3A_75 = arith.cmpi eq, %arg0, %eq3A : i32
    %convert_element_type3A = arith.extui %eq3A_75 : i1 to i32
    %cond3A = arith.constant 0 : i32
    %cond3A_76 = arith.cmpi ne, %convert_element_type3A, %cond3A : i32
    scf.if %cond3A_76 {
      %broadcast_in_dim3A_96 = arith.constant 0.000000e+00 : f32
      %broadcast_in_dim3A_97 = vector.broadcast %broadcast_in_dim3A_96 : f32 to vector<8x256xf32>
      %swap3A_98 = arith.constant 0 : index
      %swap3A_99 = arith.constant 0 : index
      %swap3A_100 = vector.load %arg11[%swap3A_98, %swap3A_99] : memref<8x256xf32, #tpu.memory_space<vmem>>, vector<8x256xf32>
      tpu.vector_store %arg11[%swap3A_98, %swap3A_99], %broadcast_in_dim3A_97 {strides = array<i32>} : memref<8x256xf32, #tpu.memory_space<vmem>>, vector<8x256xf32>,
    } else {
    }
    %get3A_77 = arith.constant 0 : index
    %get3A_78 = arith.constant 0 : index
    %get3A_79 = vector.load %arg11[%get3A_77, %get3A_78] : memref<8x256xf32, #tpu.memory_space<vmem>>, vector<1x256xf32>
    %reduce_sum3A = arith.constant dense<0.000000e+00> : vector<256xf32>
    %reduce_sum3A_80 = vector.multi_reduction <add>, %max3A_72, %reduce_sum3A [0] : vector<2000x256xf32> to vector<256xf32>
    %broadcast_in_dim3A = vector.shape_cast %reduce_sum3A_80 : vector<256xf32> to vector<1x256xf32>
    %add3A_81 = arith.addf %get3A_79, %broadcast_in_dim3A : vector<1x256xf32>
    %swap3A_82 = arith.constant 0 : index
    %swap3A_83 = arith.constant 0 : index
    %swap3A_84 = vector.load %arg11[%swap3A_82, %swap3A_83] : memref<8x256xf32, #tpu.memory_space<vmem>>, vector<1x256xf32>
    tpu.vector_store %arg11[%swap3A_82, %swap3A_83], %add3A_81 {strides = array<i32>} : memref<8x256xf32, #tpu.memory_space<vmem>>, vector<1x256xf32>,
    %get3A_85 = arith.constant 1 : index
    %get3A_86 = arith.constant 0 : index
    %get3A_87 = vector.load %arg11[%get3A_85, %get3A_86] : memref<8x256xf32, #tpu.memory_space<vmem>>, vector<1x256xf32>
    %mul3A_88 = arith.mulf %max3A_72, %max3A_72 : vector<2000x256xf32>
    %reduce_sum3A_89 = arith.constant dense<0.000000e+00> : vector<256xf32>
    %reduce_sum3A_90 = vector.multi_reduction <add>, %mul3A_88, %reduce_sum3A_89 [0] : vector<2000x256xf32> to vector<256xf32>
    %broadcast_in_dim3A_91 = vector.shape_cast %reduce_sum3A_90 : vector<256xf32> to vector<1x256xf32>
    %add3A_92 = arith.addf %get3A_87, %broadcast_in_dim3A_91 : vector<1x256xf32>
    %swap3A_93 = arith.constant 1 : index
    %swap3A_94 = arith.constant 0 : index
    %swap3A_95 = vector.load %arg11[%swap3A_93, %swap3A_94] : memref<8x256xf32, #tpu.memory_space<vmem>>, vector<1x256xf32>
    tpu.vector_store %arg11[%swap3A_93, %swap3A_94], %add3A_92 {strides = array<i32>} : memref<8x256xf32, #tpu.memory_space<vmem>>, vector<1x256xf32>,
    return
  }
  func.func @transform_0(%arg0: i32) -> (i32, i32, i32) {
    %c0_i32 = arith.constant 0 : i32
    %c0_i32_0 = arith.constant 0 : i32
    %c0_i32_1 = arith.constant 0 : i32
    return %c0_i32, %arg0, %c0_i32_0 : i32, i32, i32
  }
  func.func @transform_1(%arg0: i32) -> (i32, i32, i32) {
    %c0_i32 = arith.constant 0 : i32
    %c0_i32_0 = arith.constant 0 : i32
    %c0_i32_1 = arith.constant 0 : i32
    return %c0_i32, %arg0, %c0_i32_0 : i32, i32, i32
  }
  func.func @transform_2(%arg0: i32) -> (i32, i32, i32) {
    %c0_i32 = arith.constant 0 : i32
    %c0_i32_0 = arith.constant 0 : i32
    %c0_i32_1 = arith.constant 0 : i32
    return %c0_i32, %arg0, %c0_i32_0 : i32, i32, i32
  }
  func.func @transform_3(%arg0: i32) -> (i32, i32) {
    %c0_i32 = arith.constant 0 : i32
    %c0_i32_0 = arith.constant 0 : i32
    %c0_i32_1 = arith.constant 0 : i32
    return %c0_i32, %c0_i32_0 : i32, i32
  }
  func.func @transform_4(%arg0: i32) -> (i32, i32) {
    %c0_i32 = arith.constant 0 : i32
    %c0_i32_0 = arith.constant 0 : i32
    %c0_i32_1 = arith.constant 0 : i32
    return %c0_i32, %c0_i32_0 : i32, i32
  }
  func.func @transform_5(%arg0: i32) -> (i32, i32) {
    %c0_i32 = arith.constant 0 : i32
    %c0_i32_0 = arith.constant 0 : i32
    %c0_i32_1 = arith.constant 0 : i32
    return %c0_i32, %c0_i32_0 : i32, i32
  }
  func.func @transform_6(%arg0: i32) -> (i32, i32) {
    %c0_i32 = arith.constant 0 : i32
    %c0_i32_0 = arith.constant 0 : i32
    %c0_i32_1 = arith.constant 0 : i32
    return %c0_i32, %c0_i32_0 : i32, i32
  }
  func.func @transform_7(%arg0: i32) -> (i32, i32) {
    %c0_i32 = arith.constant 0 : i32
    %c0_i32_0 = arith.constant 0 : i32
    %c0_i32_1 = arith.constant 0 : i32
    return %c0_i32, %c0_i32_0 : i32, i32
  }
  func.func @transform_8(%arg0: i32) -> (i32, i32) {
    %c0_i32 = arith.constant 0 : i32
    %c0_i32_0 = arith.constant 0 : i32
    %c0_i32_1 = arith.constant 0 : i32
    return %c0_i32, %c0_i32_0 : i32, i32
  }
  func.func @transform_9(%arg0: i32) -> (i32, i32) {
    %c0_i32 = arith.constant 0 : i32
    %c0_i32_0 = arith.constant 0 : i32
    return %arg0, %c0_i32 : i32, i32
  }
  func.func @transform_10(%arg0: i32) -> (i32, i32) {
    %c0_i32 = arith.constant 0 : i32
    %c0_i32_0 = arith.constant 0 : i32
    %c0_i32_1 = arith.constant 0 : i32
    return %c0_i32, %c0_i32_0 : i32, i32
  }
}

module attributes {stable_mosaic.version = 14 : i64} {
  func.func @body(%arg0: i32, %arg1: memref<2000x256xf32, #tpu.memory_space<vmem>>, %arg2: memref<256x64xf32, #tpu.memory_space<vmem>>, %arg3: memref<1x64xf32, #tpu.memory_space<vmem>>, %arg4: memref<256x1xf32, #tpu.memory_space<vmem>>, %arg5: memref<1x256xf32, #tpu.memory_space<vmem>>, %arg6: memref<2000x64xf32, #tpu.memory_space<vmem>>, %arg7: memref<8x64xf32, #tpu.memory_space<vmem>>) attributes {dimension_semantics = [#tpu.dimension_semantics<arbitrary>], iteration_bounds = array<i64: 5>, scalar_prefetch = 0 : i64, scratch_operands = 0 : i64, tpu.core_type = #tpu.core_type<tc>, window_params = [{transform_indices = @transform_0, window_bounds = array<i64: 2000, 256>}, {pipeline_mode = #tpu.pipeline_mode<synchronous>, transform_indices = @transform_1, window_bounds = array<i64: 256, 64>}, {pipeline_mode = #tpu.pipeline_mode<synchronous>, transform_indices = @transform_2, window_bounds = array<i64: 1, 64>}, {pipeline_mode = #tpu.pipeline_mode<synchronous>, transform_indices = @transform_3, window_bounds = array<i64: 256, 1>}, {pipeline_mode = #tpu.pipeline_mode<synchronous>, transform_indices = @transform_4, window_bounds = array<i64: 1, 256>}, {transform_indices = @transform_5, window_bounds = array<i64: 2000, 64>}, {pipeline_mode = #tpu.pipeline_mode<synchronous>, transform_indices = @transform_6, window_bounds = array<i64: 8, 64>}]} {
    %get3A = arith.constant 0 : index
    %get3A_0 = arith.constant 0 : index
    %get3A_1 = vector.load %arg2[%get3A, %get3A_0] : memref<256x64xf32, #tpu.memory_space<vmem>>, vector<256x64xf32>
    %get3A_2 = arith.constant 0 : index
    %get3A_3 = arith.constant 0 : index
    %get3A_4 = vector.load %arg5[%get3A_2, %get3A_3] : memref<1x256xf32, #tpu.memory_space<vmem>>, vector<1x256xf32>
    %dot_general3A = arith.constant dense<0.000000e+00> : vector<1x64xf32>
    %dot_general3A_5 = tpu.matmul %get3A_4, %get3A_1, %dot_general3A {dimension_numbers = #tpu.dot_dimension_numbers<[1], [0], [0], [1], [0, 0, 1, 1], [], []>, transpose_lhs_hint = false} : vector<1x256xf32>, vector<256x64xf32>, vector<1x64xf32> -> vector<1x64xf32>
    %get3A_6 = arith.constant 0 : index
    %get3A_7 = arith.constant 0 : index
    %get3A_8 = vector.load %arg3[%get3A_6, %get3A_7] : memref<1x64xf32, #tpu.memory_space<vmem>>, vector<1x64xf32>
    %add3A = arith.addf %dot_general3A_5, %get3A_8 : vector<1x64xf32>
    %get3A_9 = arith.constant 0 : index
    %get3A_10 = arith.constant 0 : index
    %get3A_11 = vector.load %arg1[%get3A_9, %get3A_10] : memref<2000x256xf32, #tpu.memory_space<vmem>>, vector<2000x256xf32>
    %get3A_12 = arith.constant 0 : index
    %get3A_13 = arith.constant 0 : index
    %get3A_14 = vector.load %arg4[%get3A_12, %get3A_13] : memref<256x1xf32, #tpu.memory_space<vmem>>, vector<256x1xf32>
    %mul3A = vector.broadcast %get3A_14 : vector<256x1xf32> to vector<256x64xf32>
    %mul3A_15 = arith.mulf %mul3A, %get3A_1 : vector<256x64xf32>
    %dot_general3A_16 = arith.constant dense<0.000000e+00> : vector<2000x64xf32>
    %dot_general3A_17 = tpu.matmul %get3A_11, %mul3A_15, %dot_general3A_16 {dimension_numbers = #tpu.dot_dimension_numbers<[1], [0], [0], [1], [0, 0, 1, 1], [], []>, transpose_lhs_hint = false} : vector<2000x256xf32>, vector<256x64xf32>, vector<2000x64xf32> -> vector<2000x64xf32>
    %add3A_18 = vector.broadcast %add3A : vector<1x64xf32> to vector<2000x64xf32>
    %add3A_19 = arith.addf %dot_general3A_17, %add3A_18 : vector<2000x64xf32>
    %max3A = arith.constant 0.000000e+00 : f32
    %max3A_20 = vector.broadcast %max3A : f32 to vector<2000x64xf32>
    %max3A_21 = arith.maximumf %add3A_19, %max3A_20 : vector<2000x64xf32>
    %swap3A = arith.constant 0 : index
    %swap3A_22 = arith.constant 0 : index
    %swap3A_23 = vector.load %arg6[%swap3A, %swap3A_22] : memref<2000x64xf32, #tpu.memory_space<vmem>>, vector<2000x64xf32>
    tpu.vector_store %arg6[%swap3A, %swap3A_22], %max3A_21 {strides = array<i32>} : memref<2000x64xf32, #tpu.memory_space<vmem>>, vector<2000x64xf32>,
    %eq3A = arith.constant 0 : i32
    %eq3A_24 = arith.cmpi eq, %arg0, %eq3A : i32
    %convert_element_type3A = arith.extui %eq3A_24 : i1 to i32
    %cond3A = arith.constant 0 : i32
    %cond3A_25 = arith.cmpi ne, %convert_element_type3A, %cond3A : i32
    scf.if %cond3A_25 {
      %broadcast_in_dim3A_45 = arith.constant 0.000000e+00 : f32
      %broadcast_in_dim3A_46 = vector.broadcast %broadcast_in_dim3A_45 : f32 to vector<8x64xf32>
      %swap3A_47 = arith.constant 0 : index
      %swap3A_48 = arith.constant 0 : index
      %swap3A_49 = vector.load %arg7[%swap3A_47, %swap3A_48] : memref<8x64xf32, #tpu.memory_space<vmem>>, vector<8x64xf32>
      tpu.vector_store %arg7[%swap3A_47, %swap3A_48], %broadcast_in_dim3A_46 {strides = array<i32>} : memref<8x64xf32, #tpu.memory_space<vmem>>, vector<8x64xf32>,
    } else {
    }
    %get3A_26 = arith.constant 0 : index
    %get3A_27 = arith.constant 0 : index
    %get3A_28 = vector.load %arg7[%get3A_26, %get3A_27] : memref<8x64xf32, #tpu.memory_space<vmem>>, vector<1x64xf32>
    %reduce_sum3A = arith.constant dense<0.000000e+00> : vector<64xf32>
    %reduce_sum3A_29 = vector.multi_reduction <add>, %max3A_21, %reduce_sum3A [0] : vector<2000x64xf32> to vector<64xf32>
    %broadcast_in_dim3A = vector.shape_cast %reduce_sum3A_29 : vector<64xf32> to vector<1x64xf32>
    %add3A_30 = arith.addf %get3A_28, %broadcast_in_dim3A : vector<1x64xf32>
    %swap3A_31 = arith.constant 0 : index
    %swap3A_32 = arith.constant 0 : index
    %swap3A_33 = vector.load %arg7[%swap3A_31, %swap3A_32] : memref<8x64xf32, #tpu.memory_space<vmem>>, vector<1x64xf32>
    tpu.vector_store %arg7[%swap3A_31, %swap3A_32], %add3A_30 {strides = array<i32>} : memref<8x64xf32, #tpu.memory_space<vmem>>, vector<1x64xf32>,
    %get3A_34 = arith.constant 1 : index
    %get3A_35 = arith.constant 0 : index
    %get3A_36 = vector.load %arg7[%get3A_34, %get3A_35] : memref<8x64xf32, #tpu.memory_space<vmem>>, vector<1x64xf32>
    %mul3A_37 = arith.mulf %max3A_21, %max3A_21 : vector<2000x64xf32>
    %reduce_sum3A_38 = arith.constant dense<0.000000e+00> : vector<64xf32>
    %reduce_sum3A_39 = vector.multi_reduction <add>, %mul3A_37, %reduce_sum3A_38 [0] : vector<2000x64xf32> to vector<64xf32>
    %broadcast_in_dim3A_40 = vector.shape_cast %reduce_sum3A_39 : vector<64xf32> to vector<1x64xf32>
    %add3A_41 = arith.addf %get3A_36, %broadcast_in_dim3A_40 : vector<1x64xf32>
    %swap3A_42 = arith.constant 1 : index
    %swap3A_43 = arith.constant 0 : index
    %swap3A_44 = vector.load %arg7[%swap3A_42, %swap3A_43] : memref<8x64xf32, #tpu.memory_space<vmem>>, vector<1x64xf32>
    tpu.vector_store %arg7[%swap3A_42, %swap3A_43], %add3A_41 {strides = array<i32>} : memref<8x64xf32, #tpu.memory_space<vmem>>, vector<1x64xf32>,
    return
  }
  func.func @transform_0(%arg0: i32) -> (i32, i32) {
    %c0_i32 = arith.constant 0 : i32
    %c0_i32_0 = arith.constant 0 : i32
    return %arg0, %c0_i32 : i32, i32
  }
  func.func @transform_1(%arg0: i32) -> (i32, i32) {
    %c0_i32 = arith.constant 0 : i32
    %c0_i32_0 = arith.constant 0 : i32
    %c0_i32_1 = arith.constant 0 : i32
    return %c0_i32, %c0_i32_0 : i32, i32
  }
  func.func @transform_2(%arg0: i32) -> (i32, i32) {
    %c0_i32 = arith.constant 0 : i32
    %c0_i32_0 = arith.constant 0 : i32
    %c0_i32_1 = arith.constant 0 : i32
    return %c0_i32, %c0_i32_0 : i32, i32
  }
  func.func @transform_3(%arg0: i32) -> (i32, i32) {
    %c0_i32 = arith.constant 0 : i32
    %c0_i32_0 = arith.constant 0 : i32
    %c0_i32_1 = arith.constant 0 : i32
    return %c0_i32, %c0_i32_0 : i32, i32
  }
  func.func @transform_4(%arg0: i32) -> (i32, i32) {
    %c0_i32 = arith.constant 0 : i32
    %c0_i32_0 = arith.constant 0 : i32
    %c0_i32_1 = arith.constant 0 : i32
    return %c0_i32, %c0_i32_0 : i32, i32
  }
  func.func @transform_5(%arg0: i32) -> (i32, i32) {
    %c0_i32 = arith.constant 0 : i32
    %c0_i32_0 = arith.constant 0 : i32
    return %arg0, %c0_i32 : i32, i32
  }
  func.func @transform_6(%arg0: i32) -> (i32, i32) {
    %c0_i32 = arith.constant 0 : i32
    %c0_i32_0 = arith.constant 0 : i32
    %c0_i32_1 = arith.constant 0 : i32
    return %c0_i32, %c0_i32_0 : i32, i32
  }
}

module attributes {stable_mosaic.version = 14 : i64} {
  func.func @body(%arg0: i32, %arg1: memref<2000x64xf32, #tpu.memory_space<vmem>>, %arg2: memref<64x32xf32, #tpu.memory_space<vmem>>, %arg3: memref<1x32xf32, #tpu.memory_space<vmem>>, %arg4: memref<64x1xf32, #tpu.memory_space<vmem>>, %arg5: memref<1x64xf32, #tpu.memory_space<vmem>>, %arg6: memref<2000x32xf32, #tpu.memory_space<vmem>>, %arg7: memref<8x32xf32, #tpu.memory_space<vmem>>) attributes {dimension_semantics = [#tpu.dimension_semantics<arbitrary>], iteration_bounds = array<i64: 5>, scalar_prefetch = 0 : i64, scratch_operands = 0 : i64, tpu.core_type = #tpu.core_type<tc>, window_params = [{transform_indices = @transform_0, window_bounds = array<i64: 2000, 64>}, {pipeline_mode = #tpu.pipeline_mode<synchronous>, transform_indices = @transform_1, window_bounds = array<i64: 64, 32>}, {pipeline_mode = #tpu.pipeline_mode<synchronous>, transform_indices = @transform_2, window_bounds = array<i64: 1, 32>}, {pipeline_mode = #tpu.pipeline_mode<synchronous>, transform_indices = @transform_3, window_bounds = array<i64: 64, 1>}, {pipeline_mode = #tpu.pipeline_mode<synchronous>, transform_indices = @transform_4, window_bounds = array<i64: 1, 64>}, {transform_indices = @transform_5, window_bounds = array<i64: 2000, 32>}, {pipeline_mode = #tpu.pipeline_mode<synchronous>, transform_indices = @transform_6, window_bounds = array<i64: 8, 32>}]} {
    %get3A = arith.constant 0 : index
    %get3A_0 = arith.constant 0 : index
    %get3A_1 = vector.load %arg2[%get3A, %get3A_0] : memref<64x32xf32, #tpu.memory_space<vmem>>, vector<64x32xf32>
    %get3A_2 = arith.constant 0 : index
    %get3A_3 = arith.constant 0 : index
    %get3A_4 = vector.load %arg5[%get3A_2, %get3A_3] : memref<1x64xf32, #tpu.memory_space<vmem>>, vector<1x64xf32>
    %dot_general3A = arith.constant dense<0.000000e+00> : vector<1x32xf32>
    %dot_general3A_5 = tpu.matmul %get3A_4, %get3A_1, %dot_general3A {dimension_numbers = #tpu.dot_dimension_numbers<[1], [0], [0], [1], [0, 0, 1, 1], [], []>, transpose_lhs_hint = false} : vector<1x64xf32>, vector<64x32xf32>, vector<1x32xf32> -> vector<1x32xf32>
    %get3A_6 = arith.constant 0 : index
    %get3A_7 = arith.constant 0 : index
    %get3A_8 = vector.load %arg3[%get3A_6, %get3A_7] : memref<1x32xf32, #tpu.memory_space<vmem>>, vector<1x32xf32>
    %add3A = arith.addf %dot_general3A_5, %get3A_8 : vector<1x32xf32>
    %get3A_9 = arith.constant 0 : index
    %get3A_10 = arith.constant 0 : index
    %get3A_11 = vector.load %arg1[%get3A_9, %get3A_10] : memref<2000x64xf32, #tpu.memory_space<vmem>>, vector<2000x64xf32>
    %get3A_12 = arith.constant 0 : index
    %get3A_13 = arith.constant 0 : index
    %get3A_14 = vector.load %arg4[%get3A_12, %get3A_13] : memref<64x1xf32, #tpu.memory_space<vmem>>, vector<64x1xf32>
    %mul3A = vector.broadcast %get3A_14 : vector<64x1xf32> to vector<64x32xf32>
    %mul3A_15 = arith.mulf %mul3A, %get3A_1 : vector<64x32xf32>
    %dot_general3A_16 = arith.constant dense<0.000000e+00> : vector<2000x32xf32>
    %dot_general3A_17 = tpu.matmul %get3A_11, %mul3A_15, %dot_general3A_16 {dimension_numbers = #tpu.dot_dimension_numbers<[1], [0], [0], [1], [0, 0, 1, 1], [], []>, transpose_lhs_hint = false} : vector<2000x64xf32>, vector<64x32xf32>, vector<2000x32xf32> -> vector<2000x32xf32>
    %add3A_18 = vector.broadcast %add3A : vector<1x32xf32> to vector<2000x32xf32>
    %add3A_19 = arith.addf %dot_general3A_17, %add3A_18 : vector<2000x32xf32>
    %max3A = arith.constant 0.000000e+00 : f32
    %max3A_20 = vector.broadcast %max3A : f32 to vector<2000x32xf32>
    %max3A_21 = arith.maximumf %add3A_19, %max3A_20 : vector<2000x32xf32>
    %swap3A = arith.constant 0 : index
    %swap3A_22 = arith.constant 0 : index
    %swap3A_23 = vector.load %arg6[%swap3A, %swap3A_22] : memref<2000x32xf32, #tpu.memory_space<vmem>>, vector<2000x32xf32>
    tpu.vector_store %arg6[%swap3A, %swap3A_22], %max3A_21 {strides = array<i32>} : memref<2000x32xf32, #tpu.memory_space<vmem>>, vector<2000x32xf32>,
    %eq3A = arith.constant 0 : i32
    %eq3A_24 = arith.cmpi eq, %arg0, %eq3A : i32
    %convert_element_type3A = arith.extui %eq3A_24 : i1 to i32
    %cond3A = arith.constant 0 : i32
    %cond3A_25 = arith.cmpi ne, %convert_element_type3A, %cond3A : i32
    scf.if %cond3A_25 {
      %broadcast_in_dim3A_45 = arith.constant 0.000000e+00 : f32
      %broadcast_in_dim3A_46 = vector.broadcast %broadcast_in_dim3A_45 : f32 to vector<8x32xf32>
      %swap3A_47 = arith.constant 0 : index
      %swap3A_48 = arith.constant 0 : index
      %swap3A_49 = vector.load %arg7[%swap3A_47, %swap3A_48] : memref<8x32xf32, #tpu.memory_space<vmem>>, vector<8x32xf32>
      tpu.vector_store %arg7[%swap3A_47, %swap3A_48], %broadcast_in_dim3A_46 {strides = array<i32>} : memref<8x32xf32, #tpu.memory_space<vmem>>, vector<8x32xf32>,
    } else {
    }
    %get3A_26 = arith.constant 0 : index
    %get3A_27 = arith.constant 0 : index
    %get3A_28 = vector.load %arg7[%get3A_26, %get3A_27] : memref<8x32xf32, #tpu.memory_space<vmem>>, vector<1x32xf32>
    %reduce_sum3A = arith.constant dense<0.000000e+00> : vector<32xf32>
    %reduce_sum3A_29 = vector.multi_reduction <add>, %max3A_21, %reduce_sum3A [0] : vector<2000x32xf32> to vector<32xf32>
    %broadcast_in_dim3A = vector.shape_cast %reduce_sum3A_29 : vector<32xf32> to vector<1x32xf32>
    %add3A_30 = arith.addf %get3A_28, %broadcast_in_dim3A : vector<1x32xf32>
    %swap3A_31 = arith.constant 0 : index
    %swap3A_32 = arith.constant 0 : index
    %swap3A_33 = vector.load %arg7[%swap3A_31, %swap3A_32] : memref<8x32xf32, #tpu.memory_space<vmem>>, vector<1x32xf32>
    tpu.vector_store %arg7[%swap3A_31, %swap3A_32], %add3A_30 {strides = array<i32>} : memref<8x32xf32, #tpu.memory_space<vmem>>, vector<1x32xf32>,
    %get3A_34 = arith.constant 1 : index
    %get3A_35 = arith.constant 0 : index
    %get3A_36 = vector.load %arg7[%get3A_34, %get3A_35] : memref<8x32xf32, #tpu.memory_space<vmem>>, vector<1x32xf32>
    %mul3A_37 = arith.mulf %max3A_21, %max3A_21 : vector<2000x32xf32>
    %reduce_sum3A_38 = arith.constant dense<0.000000e+00> : vector<32xf32>
    %reduce_sum3A_39 = vector.multi_reduction <add>, %mul3A_37, %reduce_sum3A_38 [0] : vector<2000x32xf32> to vector<32xf32>
    %broadcast_in_dim3A_40 = vector.shape_cast %reduce_sum3A_39 : vector<32xf32> to vector<1x32xf32>
    %add3A_41 = arith.addf %get3A_36, %broadcast_in_dim3A_40 : vector<1x32xf32>
    %swap3A_42 = arith.constant 1 : index
    %swap3A_43 = arith.constant 0 : index
    %swap3A_44 = vector.load %arg7[%swap3A_42, %swap3A_43] : memref<8x32xf32, #tpu.memory_space<vmem>>, vector<1x32xf32>
    tpu.vector_store %arg7[%swap3A_42, %swap3A_43], %add3A_41 {strides = array<i32>} : memref<8x32xf32, #tpu.memory_space<vmem>>, vector<1x32xf32>,
    return
  }
  func.func @transform_0(%arg0: i32) -> (i32, i32) {
    %c0_i32 = arith.constant 0 : i32
    %c0_i32_0 = arith.constant 0 : i32
    return %arg0, %c0_i32 : i32, i32
  }
  func.func @transform_1(%arg0: i32) -> (i32, i32) {
    %c0_i32 = arith.constant 0 : i32
    %c0_i32_0 = arith.constant 0 : i32
    %c0_i32_1 = arith.constant 0 : i32
    return %c0_i32, %c0_i32_0 : i32, i32
  }
  func.func @transform_2(%arg0: i32) -> (i32, i32) {
    %c0_i32 = arith.constant 0 : i32
    %c0_i32_0 = arith.constant 0 : i32
    %c0_i32_1 = arith.constant 0 : i32
    return %c0_i32, %c0_i32_0 : i32, i32
  }
  func.func @transform_3(%arg0: i32) -> (i32, i32) {
    %c0_i32 = arith.constant 0 : i32
    %c0_i32_0 = arith.constant 0 : i32
    %c0_i32_1 = arith.constant 0 : i32
    return %c0_i32, %c0_i32_0 : i32, i32
  }
  func.func @transform_4(%arg0: i32) -> (i32, i32) {
    %c0_i32 = arith.constant 0 : i32
    %c0_i32_0 = arith.constant 0 : i32
    %c0_i32_1 = arith.constant 0 : i32
    return %c0_i32, %c0_i32_0 : i32, i32
  }
  func.func @transform_5(%arg0: i32) -> (i32, i32) {
    %c0_i32 = arith.constant 0 : i32
    %c0_i32_0 = arith.constant 0 : i32
    return %arg0, %c0_i32 : i32, i32
  }
  func.func @transform_6(%arg0: i32) -> (i32, i32) {
    %c0_i32 = arith.constant 0 : i32
    %c0_i32_0 = arith.constant 0 : i32
    %c0_i32_1 = arith.constant 0 : i32
    return %c0_i32, %c0_i32_0 : i32, i32
  }
}

module attributes {stable_mosaic.version = 14 : i64} {
  func.func @body(%arg0: i32, %arg1: memref<2000x32xf32, #tpu.memory_space<vmem>>, %arg2: memref<32x10xf32, #tpu.memory_space<vmem>>, %arg3: memref<1x10xf32, #tpu.memory_space<vmem>>, %arg4: memref<32x1xf32, #tpu.memory_space<vmem>>, %arg5: memref<1x32xf32, #tpu.memory_space<vmem>>, %arg6: memref<2000x10xf32, #tpu.memory_space<vmem>>) attributes {dimension_semantics = [#tpu.dimension_semantics<arbitrary>], iteration_bounds = array<i64: 5>, scalar_prefetch = 0 : i64, scratch_operands = 0 : i64, tpu.core_type = #tpu.core_type<tc>, window_params = [{transform_indices = @transform_0, window_bounds = array<i64: 2000, 32>}, {pipeline_mode = #tpu.pipeline_mode<synchronous>, transform_indices = @transform_1, window_bounds = array<i64: 32, 10>}, {pipeline_mode = #tpu.pipeline_mode<synchronous>, transform_indices = @transform_2, window_bounds = array<i64: 1, 10>}, {pipeline_mode = #tpu.pipeline_mode<synchronous>, transform_indices = @transform_3, window_bounds = array<i64: 32, 1>}, {pipeline_mode = #tpu.pipeline_mode<synchronous>, transform_indices = @transform_4, window_bounds = array<i64: 1, 32>}, {transform_indices = @transform_5, window_bounds = array<i64: 2000, 10>}]} {
    %get3A = arith.constant 0 : index
    %get3A_0 = arith.constant 0 : index
    %get3A_1 = vector.load %arg2[%get3A, %get3A_0] : memref<32x10xf32, #tpu.memory_space<vmem>>, vector<32x10xf32>
    %get3A_2 = arith.constant 0 : index
    %get3A_3 = arith.constant 0 : index
    %get3A_4 = vector.load %arg5[%get3A_2, %get3A_3] : memref<1x32xf32, #tpu.memory_space<vmem>>, vector<1x32xf32>
    %dot_general3A = arith.constant dense<0.000000e+00> : vector<1x10xf32>
    %dot_general3A_5 = tpu.matmul %get3A_4, %get3A_1, %dot_general3A {dimension_numbers = #tpu.dot_dimension_numbers<[1], [0], [0], [1], [0, 0, 1, 1], [], []>, transpose_lhs_hint = false} : vector<1x32xf32>, vector<32x10xf32>, vector<1x10xf32> -> vector<1x10xf32>
    %get3A_6 = arith.constant 0 : index
    %get3A_7 = arith.constant 0 : index
    %get3A_8 = vector.load %arg3[%get3A_6, %get3A_7] : memref<1x10xf32, #tpu.memory_space<vmem>>, vector<1x10xf32>
    %add3A = arith.addf %dot_general3A_5, %get3A_8 : vector<1x10xf32>
    %get3A_9 = arith.constant 0 : index
    %get3A_10 = arith.constant 0 : index
    %get3A_11 = vector.load %arg1[%get3A_9, %get3A_10] : memref<2000x32xf32, #tpu.memory_space<vmem>>, vector<2000x32xf32>
    %get3A_12 = arith.constant 0 : index
    %get3A_13 = arith.constant 0 : index
    %get3A_14 = vector.load %arg4[%get3A_12, %get3A_13] : memref<32x1xf32, #tpu.memory_space<vmem>>, vector<32x1xf32>
    %mul3A = vector.broadcast %get3A_14 : vector<32x1xf32> to vector<32x10xf32>
    %mul3A_15 = arith.mulf %mul3A, %get3A_1 : vector<32x10xf32>
    %dot_general3A_16 = arith.constant dense<0.000000e+00> : vector<2000x10xf32>
    %dot_general3A_17 = tpu.matmul %get3A_11, %mul3A_15, %dot_general3A_16 {dimension_numbers = #tpu.dot_dimension_numbers<[1], [0], [0], [1], [0, 0, 1, 1], [], []>, transpose_lhs_hint = false} : vector<2000x32xf32>, vector<32x10xf32>, vector<2000x10xf32> -> vector<2000x10xf32>
    %add3A_18 = vector.broadcast %add3A : vector<1x10xf32> to vector<2000x10xf32>
    %add3A_19 = arith.addf %dot_general3A_17, %add3A_18 : vector<2000x10xf32>
    %reduce_max3A = arith.constant dense<0xFF800000> : vector<2000xf32>
    %reduce_max3A_20 = vector.multi_reduction <maximumf>, %add3A_19, %reduce_max3A [1] : vector<2000x10xf32> to vector<2000xf32>
    %broadcast_in_dim3A = vector.shape_cast %reduce_max3A_20 : vector<2000xf32> to vector<2000x1xf32>
    %sub3A = vector.broadcast %broadcast_in_dim3A : vector<2000x1xf32> to vector<2000x10xf32>
    %sub3A_21 = arith.subf %add3A_19, %sub3A : vector<2000x10xf32>
    %exp3A = math.exp %sub3A_21 : vector<2000x10xf32>
    %reduce_sum3A = arith.constant dense<0.000000e+00> : vector<2000xf32>
    %reduce_sum3A_22 = vector.multi_reduction <add>, %exp3A, %reduce_sum3A [1] : vector<2000x10xf32> to vector<2000xf32>
    %broadcast_in_dim3A_23 = vector.shape_cast %reduce_sum3A_22 : vector<2000xf32> to vector<2000x1xf32>
    %log3A = math.log %broadcast_in_dim3A_23 : vector<2000x1xf32>
    %add3A_24 = arith.addf %log3A, %broadcast_in_dim3A : vector<2000x1xf32>
    %sub3A_25 = vector.broadcast %add3A_24 : vector<2000x1xf32> to vector<2000x10xf32>
    %sub3A_26 = arith.subf %add3A_19, %sub3A_25 : vector<2000x10xf32>
    %swap3A = arith.constant 0 : index
    %swap3A_27 = arith.constant 0 : index
    %swap3A_28 = vector.load %arg6[%swap3A, %swap3A_27] : memref<2000x10xf32, #tpu.memory_space<vmem>>, vector<2000x10xf32>
    tpu.vector_store %arg6[%swap3A, %swap3A_27], %sub3A_26 {strides = array<i32>} : memref<2000x10xf32, #tpu.memory_space<vmem>>, vector<2000x10xf32>,
    return
  }
  func.func @transform_0(%arg0: i32) -> (i32, i32) {
    %c0_i32 = arith.constant 0 : i32
    %c0_i32_0 = arith.constant 0 : i32
    return %arg0, %c0_i32 : i32, i32
  }
  func.func @transform_1(%arg0: i32) -> (i32, i32) {
    %c0_i32 = arith.constant 0 : i32
    %c0_i32_0 = arith.constant 0 : i32
    %c0_i32_1 = arith.constant 0 : i32
    return %c0_i32, %c0_i32_0 : i32, i32
  }
  func.func @transform_2(%arg0: i32) -> (i32, i32) {
    %c0_i32 = arith.constant 0 : i32
    %c0_i32_0 = arith.constant 0 : i32
    %c0_i32_1 = arith.constant 0 : i32
    return %c0_i32, %c0_i32_0 : i32, i32
  }
  func.func @transform_3(%arg0: i32) -> (i32, i32) {
    %c0_i32 = arith.constant 0 : i32
    %c0_i32_0 = arith.constant 0 : i32
    %c0_i32_1 = arith.constant 0 : i32
    return %c0_i32, %c0_i32_0 : i32, i32
  }
  func.func @transform_4(%arg0: i32) -> (i32, i32) {
    %c0_i32 = arith.constant 0 : i32
    %c0_i32_0 = arith.constant 0 : i32
    %c0_i32_1 = arith.constant 0 : i32
    return %c0_i32, %c0_i32_0 : i32, i32
  }
  func.func @transform_5(%arg0: i32) -> (i32, i32) {
    %c0_i32 = arith.constant 0 : i32
    %c0_i32_0 = arith.constant 0 : i32
    return %arg0, %c0_i32 : i32, i32
  }
}

</mosaic_0001>

<sc_bundles>
// kernel: kernel.16.cloned.1.call-start
scs
__scs_entry_jumppad:
0x0: {  	(pc) =	sbr.rel $0x88, $3  }
0x1: {  	(tag) =	ssettag $0x0;
	lr =	simm.s32 $0x1  }
0x2: {  	[smem:$0x3F81] =	sst lr;
	_ =	strace $0xD0000000  }
0x3: {  	_ = 	snop  }
0x4: {  	_ = 	snop  }
0x5: {  	_ = 	snop  }
0x6: {  	_ = 	snop  }
0x7: {  	_ = 	snop  }
__scs_overlays_trampoline_lowered:
0x8: {  	[smem:$0x3F90] =	sst s0  }
0x9: {  	[smem:$0x3F91] =	sst s1  }
0xa: {  	[smem:$0x3F92] =	sst s2  }
0xb: {  	[smem:$0x3F93] =	sst s3  }
0xc: {  	[smem:$0x3F94] =	sst s4  }
0xd: {  	[smem:$0x3F95] =	sst s5  }
0xe: {  	[smem:$0x3F96] =	sst s6  }
0xf: {  	[smem:$0x3F97] =	sst s7  }
0x10: {  	[smem:$0x3F98] =	sst s8  }
0x11: {  	[smem:$0x3F99] =	sst s9;
	s0 =	simm.s32 @!p0 $0x0  }
0x12: {  	s1 =	sld [smem:$0x3F7F];
	s0 =	simm.s32 @p0 $0x1  }
0x13: {  	[smem:$0x3F9A] =	sst s0;
	s0 =	simm.s32 @!p1 $0x0  }
0x14: {  	s2 =	sld [smem:$0x3F7E];
	s0 =	simm.s32 @p1 $0x1  }
0x15: {  	[smem:$0x3F9B] =	sst s0;
	s0 =	simm.s32 @!p2 $0x0  }
0x16: {  	s3 =	sld [smem:$0x3FDB];
	s0 =	simm.s32 @p2 $0x1  }
0x17: {  	s4 =	simm.s32 $0x1BF5;
	[smem:$0x3F9D] =	sst s0  }
0x18: {  	s0 =	sld [smem:$0x3F80];
	_ =	swait.ge [sflag:s4], $0x0  }
0x19: {  	s7 =	sld [smem:$0x3F81]  }
0x1a: {  	s8 =	sadd.s32 $0xFFFFE003, lr  }
0x1b: {  	s9 =	sadd.s32 $0xFFFFFEF7, lr;
	s5 =	simm.s32 $0xFFFFFFFF;
	p2 =	slt.u32 s8, $0xFFFFF086  }
0x1c: {  	p1 =	slt.u32 s9, $0xF7A;
	s5 =	simm.s32 @!p2 $0x0  }
0x1d: {  	s5 =	simm.s32 @p1 $0x1;
	p0 =	seq.s32 s7, s2  }
0x1e: {  	s7 =	smul.u32 @!p0 $0xF7A, s2;
	p2 =	seq.s32 @!p0 s5, $0x0  }
0x1f: {  	s9 =	smul.u32 $0xF7A, s1;
	s8 =	simm.s32 @!p0 $0x1BF5;
	p2 =	por !p2, p0  }
0x20: {  	[sflag:s8] =	ssyncset.s32 @!p0 $0xFFFFF086;
	s6 =	sadd.s32 @!p0 s3, s7;
	s7 =	simm.s32 @!p0 $0x108  }
0x21: {  	s3 =	sadd.s32 s3, s9;
	s6 =	sadd.s32 @!p0 $0x88, s6;
	s7 =	simm.s32 @p2 $0x1082  }
0x22: {  	[simem:s7], [sflag:s8] =	dma.local @!p0 [hbm:s6], $0xF7A  }
0x23: {  	s9 =	sor.u32 $0xD0000000, s2;
	s6 =	simm.s32 $0x108;
	_ =	swait.ge @!p0 [sflag:s8], $0x0  }
0x24: {  	s3 =	sadd.s32 $0x88, s3;
	s6 =	simm.s32 @!p1 $0x1082;
	[sflag:s4] =	ssyncset.s32 $0xFFFFF086  }
0x25: {  	[simem:s6], [sflag:s4] =	dma.local [hbm:s3], $0xF7A  }
0x26: {  	[smem:$0x3F81] =	sst s1;
	(tag) =	ssettag s2;
	_ =	strace s9  }
0x27: {  	s1 =	sld [smem:$0x3F91]  }
0x28: {  	s2 =	sld [smem:$0x3F92]  }
0x29: {  	s4 =	sld [smem:$0x3F94]  }
0x2a: {  	p0 =	seq.s32 s5, $0x0;
	s5 =	sld [smem:$0x3F95]  }
0x2b: {  	s6 =	sld [smem:$0x3F96]  }
0x2c: {  	s7 =	sld [smem:$0x3F97]  }
0x2d: {  	s3 =	simm.s32 $0x108;
	s8 =	sld [smem:$0x3F98]  }
0x2e: {  	s3 =	simm.s32 @!p0 $0x1082;
	s9 =	sld [smem:$0x3F99]  }
0x2f: {  	lr =	sadd.s32 s0, s3;
	s0 =	sld [smem:$0x3F90]  }
0x30: {  	s3 =	sld [smem:$0x3F93]  }
0x31: {  	[smem:$0x3F9C] =	sst s10  }
0x32: {  	s10 =	sld [smem:$0x3F9A];
	_ =	sdelay $0x3  }
0x33: {  	p0 =	seq.s32 s10, $0x1;
	s10 =	sld [smem:$0x3F9C];
	_ =	sdelay $0x3  }
0x34: {  	[smem:$0x3F9C] =	sst s10  }
0x35: {  	s10 =	sld [smem:$0x3F9B];
	_ =	sdelay $0x3  }
0x36: {  	p1 =	seq.s32 s10, $0x1;
	s10 =	sld [smem:$0x3F9C];
	_ =	sdelay $0x3  }
0x37: {  	[smem:$0x3F9C] =	sst s10  }
0x38: {  	s10 =	sld [smem:$0x3F9D]  }
0x39: {  	_ = 	snop;
	(pc) =	sbr.ind lr, $3  }
0x3a: {  	_ = 	snop  }
0x3b: {  	_ = 	snop  }
0x3c: {  	p2 =	seq.s32 s10, $0x1;
	s10 =	sld [smem:$0x3F9C]  }
0x3d: {  	_ =	shalt  }
0x3e: {  	_ =	shalt  }
0x3f: {  	_ =	shalt  }
0x40: {  	_ =	shalt  }
0x41: {  	_ =	shalt  }
0x42: {  	_ =	shalt  }
0x43: {  	_ =	shalt  }
0x44: {  	_ =	shalt  }
0x45: {  	_ =	shalt  }
0x46: {  	_ =	shalt  }
0x47: {  	_ =	shalt  }
0x48: {  	_ =	shalt  }
0x49: {  	_ =	shalt  }
0x4a: {  	_ =	shalt  }
0x4b: {  	_ =	shalt  }
0x4c: {  	_ =	shalt  }
0x4d: {  	_ =	shalt  }
0x4e: {  	_ =	shalt  }
0x4f: {  	_ =	shalt  }
0x50: {  	_ =	shalt  }
0x51: {  	_ =	shalt  }
0x52: {  	_ =	shalt  }
0x53: {  	_ =	shalt  }
0x54: {  	_ =	shalt  }
0x55: {  	_ =	shalt  }
0x56: {  	_ =	shalt  }
0x57: {  	_ =	shalt  }
0x58: {  	_ =	shalt  }
0x59: {  	_ =	shalt  }
0x5a: {  	_ =	shalt  }
0x5b: {  	_ =	shalt  }
0x5c: {  	_ =	shalt  }
0x5d: {  	_ =	shalt  }
0x5e: {  	_ =	shalt  }
0x5f: {  	_ =	shalt  }
0x60: {  	_ =	shalt  }
0x61: {  	_ =	shalt  }
0x62: {  	_ =	shalt  }
0x63: {  	_ =	shalt  }
0x64: {  	_ =	shalt  }
0x65: {  	_ =	shalt  }
0x66: {  	_ =	shalt  }
0x67: {  	_ =	shalt  }
0x68: {  	_ =	shalt  }
0x69: {  	_ =	shalt  }
0x6a: {  	_ =	shalt  }
0x6b: {  	_ =	shalt  }
0x6c: {  	_ =	shalt  }
0x6d: {  	_ =	shalt  }
0x6e: {  	_ =	shalt  }
0x6f: {  	_ =	shalt  }
0x70: {  	_ =	shalt  }
0x71: {  	_ =	shalt  }
0x72: {  	_ =	shalt  }
0x73: {  	_ =	shalt  }
0x74: {  	_ =	shalt  }
0x75: {  	_ =	shalt  }
0x76: {  	_ =	shalt  }
0x77: {  	_ =	shalt  }
0x78: {  	_ =	shalt  }
0x79: {  	_ =	shalt  }
0x7a: {  	_ =	shalt  }
0x7b: {  	_ =	shalt  }
0x7c: {  	_ =	shalt  }
0x7d: {  	_ =	shalt  }
0x7e: {  	_ =	shalt  }
0x7f: {  	_ =	shalt  }
0x80: {  	_ =	shalt  }
0x81: {  	_ =	shalt  }
0x82: {  	_ =	shalt  }
0x83: {  	_ =	shalt  }
0x84: {  	_ =	shalt  }
0x85: {  	_ =	shalt  }
0x86: {  	_ =	shalt  }
0x87: {  	_ =	shalt  }
.Lfunc_end0:
.L_simem_size_0:
called_computation_lowered:
.L_overlay_start_0:
0x88: {  	s2 =	sld [smem:$0x3FD9]  }
0x89: {  	s3 =	sld [smem:$0x3FFE];
	_ =	sdelay $0x1  }
0x8a: {  	s1 =	srdreg.scid  }
0x8b: {  	s0 =	sand.u32 $0x1, s1  }
0x8c: {  	s16 =	sshll.u32 s0, $0xA;
	s2 =	sadd.s32 s3, s2  }
0x8d: {  	s2 =	sadd.s32 s2, s16  }
0x8e: {  	[smem:$0x3FA8] =	sst s2  }
0x8f: {  	_ = 	snop  }
0x90: {  	(tm) =	ssettm $0x1  }
0x91: {  	s17 =	sld [smem:$0x3FFB];
	_ =	sdelay $0x3  }
0x92: {  	_ =	strace s17  }
0x93: {  	s2 =	sld [smem:$0x3FFC];
	_ =	sdelay $0x3  }
0x94: {  	_ =	strace s2  }
0x95: {  	s2 =	sld [smem:$0x3FFD];
	_ =	sdelay $0x3  }
0x96: {  	_ =	strace s2  }
0x97: {  	_ =	strace $0x8FFFFFFF  }
0x98: {  	s18 =	sld [smem:$0x3FDB];
	_ =	sdelay $0x1  }
0x99: {  	s19 =	simm.s32 $_scs_section_size  }
0x9a: {  	s4 =	simm.s32 $_size__tile_overlayer_lowered;
	s5 =	simm.s32 $_tile_overlayer_lowered  }
0x9b: {  	s22 =	simm.s32 $0x1BFF;
	s21 =	sshll.u32 s5, $0x1;
	s2 =	sadd.s32 s19, s18  }
0x9c: {  	s6 =	simm.s32 $0x0;
	s20 =	sshll.u32 s4, $0x1;
	s4 =	sadd.s32 s21, s2  }
0x9d: {  	[timem:s6], [sflag:s22] =	dma.local [hbm:s4], s20  }
0x9e: {  	_ =	swait.ge [sflag:s22], s20  }
0x9f: {  	s3 =	ssub.s32 $0x0, s20;
	[sflag:s22] =	ssyncset.done $0x0  }
0xa0: {  	[sflag:s22] =	ssyncadd.s32 s3;
	_ =	sdelay $0x1  }
0xa1: {  	s23 =	simm.s32 $0x1B8B  }
0xa2: {  	_ =	swait.ge [sflag:s23], $0x1  }
0xa3: {  	[sflag:s23] =	ssyncset.done $0x0  }
0xa4: {  	s25 =	simm.s32 $0x1B8E;
	s24 =	sld [smem:$0x3FFE];
	[sflag:s23] =	ssyncadd.s32 $0xFFFFFFFF  }
0xa5: {  	s26 =	simm.s32 $execute0_lowered;
	[smem:$0x3FD2] =	sst s25  }
0xa6: {  	s4 =	sshll.u32 s26, $0x1;
	_ =	strace $0x80000046;
	[dreg:$0x1] =	wrdreg $0xFFFFFFFF  }
0xa7: {  	s28 =	simm.s32 $_size_execute0_lowered;
	s2 =	sadd.s32 s2, s4;
	[dreg:$0x0] =	wrdreg $0x0  }
0xa8: {  	s4 =	sshll.u32 s28, $0x1;
	[dreg:$0x2] =	wrdreg s2  }
0xa9: {  	[dreg:$0x3] =	wrdreg s4  }
0xaa: {  	[dreg:$0x4] =	wrdreg $0xC0  }
0xab: {  	_ =	task [dreg:s6], $0x5FFFF  }
0xac: {  	[dreg:$0x1] =	wrdreg $0xFFFFFFFF  }
0xad: {  	[dreg:$0x0] =	wrdreg $0x60  }
0xae: {  	[dreg:$0x2] =	wrdreg s24  }
0xaf: {  	[dreg:$0x3] =	wrdreg $0x9  }
0xb0: {  	_ =	task.clear_ibuf [dreg:s6], $0x4FFFF;
	_ =	strace $0x90000046  }
0xb1: {  	s29 =	simm.s32 $0x9;
	_ =	strace $0x80000048  }
0xb2: {  	_ =	swait.ge [sflag:s29], $0x1  }
0xb3: {  	[sflag:s29] =	ssyncadd.s32 $0xFFFFFFFF  }
0xb4: {  	_ =	strace $0x90000048  }
0xb5: {  	_ =	sfence  }
0xb6: {  	s30 =	sld [smem:$0x0];
	_ =	sdelay $0x2  }
0xb7: {  	s31 =	sshll.u32 s1, $0xD;
	s1 =	sshrl.u32 s1, $0x2  }
0xb8: {  	s3 =	sand.u32 $0x4000, s31;
	s1 =	sadd.s32 s1, s30  }
0xb9: {  	s0 =	sor.u32 s3, s0;
	s1 =	sshll.u32 s1, $0x11  }
0xba: {  	s0 =	sor.u32 s1, s0  }
0xbb: {  	s0 =	sadd.s32 $0x8F2B, s0  }
0xbc: {  	[sflag:s0] =	ssyncadd.remote.s32 $0x1  }
0xbd: {  	_ =	sfence.sel $0xFFFF  }
0xbe: {  	[dreg:$0x0] =	wrdreg $0xFFFFFFFF;
	(pc) =	sbr.abs _section_cstart, $3  }
0xbf: {  	[dreg:$0x1] =	wrdreg $0xFFFFFFFF  }
0xc0: {  	_ =	task.clear_ibuf [dreg:s6], $0x2FFFF;
	_ =	strace $0x9FFFFFFF  }
0xc1: {  	(tm) =	ssettm $0x7FFFFFFF  }
tec
execute0_lowered:
.L_overlay_start_1:
0x0: {  	(tag) =	ssettag $0x1  }
0x1: {  	s0 =	srdreg.scid;
	s12 =	stileid.u32  }
0x2: {  	s4 =	rddreg [dreg:$0x0];
	s2 =	simm.s32 $0x0;
	s14 =	simm.s32 $0x3  }
0x3: {  	s15 =	simm.s32 $0x2710;
	s16 =	simm.s32 $0x80;
	s17 =	simm.s32 $0x4E20  }
0x4: {  	s18 =	simm.s32 $0x1;
	s19 =	simm.s32 $0x6E20;
	s20 =	simm.s32 $0x2  }
0x5: {  	s28 =	simm.s32 $0x2700;
	s29 =	simm.s32 $0x8E20;
	s9 =	smul.u32 $0x4E20, s12  }
0x6: {  	s0 =	sand.u32 $0x1, s0;
	s1 =	sshll.u32 s12, $0x1;
	s12 =	smul.u32 $0x27100, s12  }
0x7: {  	s30 =	simm.s32 $0x4E10;
	s31 =	simm.s32 $0x0;
	s10 =	smul.u32 $0x2710, s0  }
0x8: {  	s1 =	sor.u32 s0, s1;
	s6 =	ssub.s32 $0x2, s0;
	s0 =	smul.u32 $0x13880, s0  }
0x9: {  	[smem:$0x7FF] =	sst s2;
	s3 =	sadd.s32 $0x1C200, s4;
	s5 =	smul.u32 $0x2710, s1  }
0xa: {  	s11 =	sadd.s32 $0x43400, s4;
	_ =	strace $0x80000047;
	s7 =	smul.u32 $0x9C400, s1  }
0xb: {  	s24 =	sshrl.u32 s6, $0x1;
	s1 =	smul.u32 $0x13880, s1;
	s12 =	sadd.s32 s12, s11  }
0xc: {  	s8 =	ssub.s32 s6, s24;
	s26 =	sadd.s32 s10, s9;
	s0 =	sadd.s32 s0, s12  }
0xd: {  	s5 =	sshrl.u32 s5, $0x3;
	s25 =	sshrl.u32 s7, $0x3;
	s7 =	smax.u32 s8, $0x1  }
0xe: {  	s8 =	sadd.s32 s11, s1;
	s1 =	sshll.u32 s26, $0x3;
	s13 =	sadd.s32 $0x800, s0  }
0xf: {  	s26 =	simm.s32 $0x10;
	s5 =	sadd.s32 s5, s4;
	s6 =	sadd.s32 s11, s25  }
0x10: {  	s9 =	sadd.s32 $0x400, s8;
	s10 =	sadd.s32 $0x13000, s8;
	s1 =	sadd.s32 s11, s1  }
0x11: {  	s11 =	sadd.s32 $0x13400, s8;
	s25 =	simm.s32 $0x4D90;
	s4 =	sadd.s32 $0x12440, s5  }
0x12: {  	s5 =	sadd.s32 $0x8800, s5;
	s6 =	sadd.s32 $0x13800, s6;
	s22 =	sadd.s32 $0xC00, s1  }
.LBB2_1:
0x13: {  	[tilespmem:s2], [sflag:$0x3] =	stream.linear.gather [hbm4b:s4+s2], $0x2710, $0x38;
	[tilespmem:$0x9220] =	vst v63  }
0x14: {  	_ =	swait.ge [sflag:s14], $0x2710  }
0x15: {  	[sflag:s14] =	ssyncset.done $0x0  }
0x16: {  	[sflag:s14] =	ssyncadd.s32 $0xFFFFD8F0  }
0x17: {  	[tilespmem:s15], [sflag:$0x3] =	stream.linear.gather [hbm4b:s5+s2], $0x2710, $0x38;
	[tilespmem:$0x9220] =	vst v63  }
0x18: {  	_ =	swait.ge [sflag:s14], $0x2710  }
0x19: {  	[sflag:s14] =	ssyncset.done $0x0  }
0x1a: {  	s0 =	simm.s32 $0x0;
	[sflag:s14] =	ssyncadd.s32 $0xFFFFD8F0  }
0x1b: {  	s1 =	simm.s32 $0x40;
	v0 =	vld [tilespmem:s0+$0x0]  }
.LBB2_2:
0x1c: {  	p0 =	sne.s32 s1, $0x9C00;
	v1 =	vld [tilespmem:s0+$0x2710];
	_ =	sdelay $0x2  }
.Ltmp0:
0x1d: {  	(pc) =	sbr.rel @p0 .LBB2_2-.Ltmp0, $4  }
0x1e: {  	_ = 	snop  }
0x1f: {  	v0 =	vshll.u32 v0, $0x1;
	v1 =	vshll.u32 v1, $0x1  }
0x20: {  	s12 =	sshra.s32 s1, $0x2;
	[tilespmem:s0+$0x0] =	vst v0;
	v1 =	vor.u32 $0x1, v1  }
0x21: {  	s1 =	sadd.s32 $0x40, s1;
	v0 =	vld [tilespmem:s12+$0x0];
	[tilespmem:s0+$0x2710] =	vst v1;
	s0 =	smov.u32 s12  }
0x22: {  	v1 =	vld [tilespmem:s0+$0x2710];
	_ =	sdelay $0x4  }
0x23: {  	v0 =	vshll.u32 v0, $0x1;
	v1 =	vshll.u32 v1, $0x1  }
0x24: {  	[tilespmem:s0+$0x0] =	vst v0;
	v63 =	vor.u32 $0x1, v1  }
0x25: {  	s23 =	simm.s32 $0x0;
	[tilespmem:s0+$0x2710] =	vst v63  }
0x26: {  	[tilespmem:s17], [sflag:$0x1] =	stream.indirect.gather [hbm4b:s3+s16], $0x40, s23, s16, $0xb8;
	[tilespmem:$0x9220] =	vst v63  }
0x27: {  	_ =	swait.ge [sflag:s18], $0x2000  }
0x28: {  	[sflag:s18] =	ssyncset.done $0x0  }
0x29: {  	[sflag:s18] =	ssyncadd.s32 $0xFFFFE000  }
0x2a: {  	[tilespmem:s17], [sflag:$0x1] =	stream.indirect.gather.add.f32 [hbm:s3], $0x40, s15, s16, $0xb8;
	[tilespmem:$0x9220] =	vst v63  }
0x2b: {  	_ = 	snop  }
0x2c: {  	[tilespmem:s19], [sflag:$0x2] =	stream.indirect.gather [hbm4b:s3+s16], $0x40, s16, s16, $0xb8;
	[tilespmem:$0x9220] =	vst v63  }
0x2d: {  	_ =	swait.ge [sflag:s18], $0x2000  }
0x2e: {  	[sflag:s18] =	ssyncset.done $0x0  }
0x2f: {  	[sflag:s18] =	ssyncadd.s32 $0xFFFFE000  }
0x30: {  	[hbm4b:s8+s23] =	stream.linear.scatter [tilespmem:s17], [sflag:$0x1], $0x2000, $0x38;
	[tilespmem:$0x9220] =	vst v63  }
0x31: {  	_ =	swait.ge [sflag:s20], $0x2000  }
0x32: {  	[sflag:s20] =	ssyncset.done $0x0  }
0x33: {  	s1 =	simm.s32 $0x2790;
	[sflag:s20] =	ssyncadd.s32 $0xFFFFE000  }
0x34: {  	[tilespmem:s19], [sflag:$0x2] =	stream.indirect.gather.add.f32 [hbm:s3], $0x40, s1, s16, $0xb8;
	[tilespmem:$0x9220] =	vst v63  }
0x35: {  	_ =	swait.ge [sflag:s18], $0x2000  }
0x36: {  	[sflag:s18] =	ssyncset.done $0x0  }
0x37: {  	s24 =	simm.s32 $0x100;
	[sflag:s18] =	ssyncadd.s32 $0xFFFFE000  }
0x38: {  	[tilespmem:s17], [sflag:$0x1] =	stream.indirect.gather [hbm4b:s3+s16], $0x40, s24, s16, $0xb8;
	[tilespmem:$0x9220] =	vst v63  }
0x39: {  	_ =	swait.ge [sflag:s20], $0x2000  }
0x3a: {  	[sflag:s20] =	ssyncset.done $0x0  }
0x3b: {  	[sflag:s20] =	ssyncadd.s32 $0xFFFFE000  }
0x3c: {  	[hbm4b:s9+s23] =	stream.linear.scatter [tilespmem:s19], [sflag:$0x2], $0x2000, $0x38;
	[tilespmem:$0x9220] =	vst v63  }
0x3d: {  	_ =	swait.ge [sflag:s18], $0x2000  }
0x3e: {  	[sflag:s18] =	ssyncset.done $0x0  }
0x3f: {  	s12 =	simm.s32 $0x2810;
	[sflag:s18] =	ssyncadd.s32 $0xFFFFE000  }
0x40: {  	[tilespmem:s17], [sflag:$0x1] =	stream.indirect.gather.add.f32 [hbm:s3], $0x40, s12, s16, $0xb8;
	[tilespmem:$0x9220] =	vst v63  }
0x41: {  	_ =	swait.ge [sflag:s20], $0x2000  }
0x42: {  	[sflag:s20] =	ssyncset.done $0x0  }
0x43: {  	s21 =	simm.s32 $0x180;
	[sflag:s20] =	ssyncadd.s32 $0xFFFFE000  }
0x44: {  	[tilespmem:s19], [sflag:$0x2] =	stream.indirect.gather [hbm4b:s3+s16], $0x40, s21, s16, $0xb8;
	[tilespmem:$0x9220] =	vst v63  }
0x45: {  	_ =	swait.ge [sflag:s18], $0x2000  }
0x46: {  	[sflag:s18] =	ssyncset.done $0x0  }
0x47: {  	[sflag:s18] =	ssyncadd.s32 $0xFFFFE000  }
0x48: {  	[hbm4b:s13+s2] =	stream.linear.scatter [tilespmem:s17], [sflag:$0x1], $0x2000, $0x38;
	[tilespmem:$0x9220] =	vst v63  }
0x49: {  	_ =	swait.ge [sflag:s20], $0x2000  }
0x4a: {  	[sflag:s20] =	ssyncset.done $0x0  }
0x4b: {  	s23 =	simm.s32 $0x2890;
	[sflag:s20] =	ssyncadd.s32 $0xFFFFE000  }
0x4c: {  	[tilespmem:s19], [sflag:$0x2] =	stream.indirect.gather.add.f32 [hbm:s3], $0x40, s23, s16, $0xb8;
	[tilespmem:$0x9220] =	vst v63  }
0x4d: {  	_ =	swait.ge [sflag:s18], $0x2000  }
0x4e: {  	[sflag:s18] =	ssyncset.done $0x0  }
0x4f: {  	s24 =	simm.s32 $0x200;
	[sflag:s18] =	ssyncadd.s32 $0xFFFFE000  }
0x50: {  	[tilespmem:s17], [sflag:$0x1] =	stream.indirect.gather [hbm4b:s3+s16], $0x40, s24, s16, $0xb8;
	[tilespmem:$0x9220] =	vst v63  }
0x51: {  	_ =	swait.ge [sflag:s20], $0x2000  }
0x52: {  	s0 =	sadd.s32 $0x800, s22;
	s1 =	simm.s32 $0x400;
	[sflag:s20] =	ssyncset.done $0x0  }
0x53: {  	s12 =	smov.u32 s22;
	s21 =	sadd.s32 $0x800, s13;
	[sflag:s20] =	ssyncadd.s32 $0xFFFFE000  }
.LBB2_4:
0x54: {  	[hbm4b:s12+s2] =	stream.linear.scatter [tilespmem:s19], [sflag:$0x2], $0x2000, $0x38;
	[tilespmem:$0x9220] =	vst v63  }
0x55: {  	s23 =	smov.u32 s1;
	s12 =	smov.u32 s0  }
0x56: {  	p0 =	sne.s32 s1, $0x9000;
	s1 =	sadd.s32 $0x400, s1;
	_ =	swait.ge [sflag:s18], $0x2000  }
0x57: {  	s23 =	sshra.s32 s23, $0x2;
	[sflag:s18] =	ssyncset.done $0x0  }
0x58: {  	s24 =	sadd.s32 $0x2810, s23;
	[sflag:s18] =	ssyncadd.s32 $0xFFFFE000  }
0x59: {  	[tilespmem:s17], [sflag:$0x1] =	stream.indirect.gather.add.f32 [hbm:s3], $0x40, s24, s16, $0xb8;
	[tilespmem:$0x9220] =	vst v63  }
0x5a: {  	_ =	swait.ge [sflag:s20], $0x2000  }
0x5b: {  	[sflag:s20] =	ssyncset.done $0x0  }
0x5c: {  	s24 =	sadd.s32 $0x180, s23;
	[sflag:s20] =	ssyncadd.s32 $0xFFFFE000  }
0x5d: {  	[tilespmem:s19], [sflag:$0x2] =	stream.indirect.gather [hbm4b:s3+s16], $0x40, s24, s16, $0xb8;
	[tilespmem:$0x9220] =	vst v63  }
0x5e: {  	_ =	swait.ge [sflag:s18], $0x2000  }
0x5f: {  	[sflag:s18] =	ssyncset.done $0x0  }
0x60: {  	[sflag:s18] =	ssyncadd.s32 $0xFFFFE000  }
0x61: {  	[hbm4b:s21+s2] =	stream.linear.scatter [tilespmem:s17], [sflag:$0x1], $0x2000, $0x38;
	[tilespmem:$0x9220] =	vst v63  }
0x62: {  	_ =	swait.ge [sflag:s20], $0x2000  }
0x63: {  	[sflag:s20] =	ssyncset.done $0x0  }
0x64: {  	s24 =	sadd.s32 $0x2890, s23;
	[sflag:s20] =	ssyncadd.s32 $0xFFFFE000  }
0x65: {  	[tilespmem:s19], [sflag:$0x2] =	stream.indirect.gather.add.f32 [hbm:s3], $0x40, s24, s16, $0xb8;
	[tilespmem:$0x9220] =	vst v63  }
0x66: {  	_ =	swait.ge [sflag:s18], $0x2000  }
0x67: {  	[sflag:s18] =	ssyncset.done $0x0  }
.Ltmp1:
0x68: {  	s23 =	sadd.s32 $0x200, s23;
	[sflag:s18] =	ssyncadd.s32 $0xFFFFE000;
	(pc) =	sbr.rel @p0 .LBB2_4-.Ltmp1, $4  }
0x69: {  	[tilespmem:s17], [sflag:$0x1] =	stream.indirect.gather [hbm4b:s3+s16], $0x40, s23, s16, $0xb8;
	[tilespmem:$0x9220] =	vst v63  }
0x6a: {  	_ =	swait.ge [sflag:s20], $0x2000  }
0x6b: {  	[sflag:s20] =	ssyncset.done $0x0  }
0x6c: {  	s0 =	sadd.s32 $0x800, s0;
	s21 =	sadd.s32 $0x800, s21;
	[sflag:s20] =	ssyncadd.s32 $0xFFFFE000  }
0x6d: {  	[hbm4b:s12+s2] =	stream.linear.scatter [tilespmem:s19], [sflag:$0x2], $0x2000, $0x38;
	[tilespmem:$0x9220] =	vst v63  }
0x6e: {  	_ =	swait.ge [sflag:s18], $0x2000  }
0x6f: {  	[sflag:s18] =	ssyncset.done $0x0  }
0x70: {  	s0 =	simm.s32 $0x4D10;
	[sflag:s18] =	ssyncadd.s32 $0xFFFFE000  }
0x71: {  	[tilespmem:s17], [sflag:$0x1] =	stream.indirect.gather.add.f32 [hbm:s3], $0x40, s0, s16, $0xb8;
	[tilespmem:$0x9220] =	vst v63  }
0x72: {  	_ =	swait.ge [sflag:s20], $0x2000  }
0x73: {  	[sflag:s20] =	ssyncset.done $0x0  }
0x74: {  	s24 =	simm.s32 $0x2680;
	[sflag:s20] =	ssyncadd.s32 $0xFFFFE000  }
0x75: {  	[tilespmem:s19], [sflag:$0x2] =	stream.indirect.gather [hbm4b:s3+s16], $0x40, s24, s16, $0xb8;
	[tilespmem:$0x9220] =	vst v63  }
0x76: {  	_ =	swait.ge [sflag:s18], $0x2000  }
0x77: {  	[sflag:s18] =	ssyncset.done $0x0  }
0x78: {  	[sflag:s18] =	ssyncadd.s32 $0xFFFFE000  }
0x79: {  	[hbm4b:s10+s2] =	stream.linear.scatter [tilespmem:s17], [sflag:$0x1], $0x2000, $0x38;
	[tilespmem:$0x9220] =	vst v63  }
0x7a: {  	_ =	swait.ge [sflag:s20], $0x2000  }
0x7b: {  	[sflag:s20] =	ssyncset.done $0x0  }
0x7c: {  	[sflag:s20] =	ssyncadd.s32 $0xFFFFE000  }
0x7d: {  	[tilespmem:s19], [sflag:$0x2] =	stream.indirect.gather.add.f32 [hbm:s3], $0x40, s25, s16, $0xb8;
	[tilespmem:$0x9220] =	vst v63  }
0x7e: {  	_ =	swait.ge [sflag:s18], $0x2000  }
0x7f: {  	[sflag:s18] =	ssyncset.done $0x0  }
0x80: {  	[sflag:s18] =	ssyncadd.s32 $0xFFFFE000  }
0x81: {  	_ =	swait.ge [sflag:s20], $0x2000  }
0x82: {  	[sflag:s20] =	ssyncset.done $0x0  }
0x83: {  	[sflag:s20] =	ssyncadd.s32 $0xFFFFE000  }
0x84: {  	[hbm4b:s11+s2] =	stream.linear.scatter [tilespmem:s19], [sflag:$0x2], $0x2000, $0x38;
	[tilespmem:$0x9220] =	vst v63  }
0x85: {  	_ =	swait.ge [sflag:s20], $0x2000  }
0x86: {  	[sflag:s20] =	ssyncset.done $0x0  }
0x87: {  	[sflag:s20] =	ssyncadd.s32 $0xFFFFE000  }
0x88: {  	[tilespmem:s29], [sflag:$0x3] =	stream.indirect.gather [hbm4b:s3+s26], $0x40, s28, s26, $0xb8;
	[tilespmem:$0x9220] =	vst v63  }
0x89: {  	_ =	swait.ge [sflag:s14], $0x400  }
0x8a: {  	[sflag:s14] =	ssyncset.done $0x0  }
0x8b: {  	[sflag:s14] =	ssyncadd.s32 $0xFFFFFC00  }
0x8c: {  	[tilespmem:s29], [sflag:$0x3] =	stream.indirect.gather.add.f32 [hbm:s3], $0x40, s30, s26, $0xb8;
	[tilespmem:$0x9220] =	vst v63  }
0x8d: {  	s31 =	sadd.s32 $0x1, s31;
	_ =	swait.ge [sflag:s14], $0x400  }
0x8e: {  	p0 =	sne.s32 s31, s7;
	[sflag:s14] =	ssyncset.done $0x0  }
.Ltmp2:
0x8f: {  	[sflag:s14] =	ssyncadd.s32 $0xFFFFFC00;
	(pc) =	sbr.rel @p0 .LBB2_1-.Ltmp2, $4  }
0x90: {  	[hbm4b:s6+s2] =	stream.linear.scatter [tilespmem:s29], [sflag:$0x3], $0x400, $0x38;
	[tilespmem:$0x9220] =	vst v63  }
0x91: {  	_ =	swait.ge [sflag:s14], $0x400  }
0x92: {  	[sflag:s14] =	ssyncset.done $0x0  }
0x93: {  	[sflag:s14] =	ssyncadd.s32 $0xFFFFFC00  }
0x94: {  	_ =	sfence.sel $0x180000  }
0x95: {  	[bflag:$0x0] =	sbarrier.arrive $0xFFFF  }
0x96: {  	_ =	strace $0x90000047  }
0x97: {  	s0 =	stileid.u32;
	[bflag:$0x2] =	sbarrier.arrive $0xFFFF  }
0x98: {  	p0 =	sne.s32 s0, $0x0;
	s0 =	rddreg [dreg:$0x1]  }
0x99: {  	s0 =	sadd.s32 @!p0 $0x100000, s0  }
0x9a: {  	[sflag:s0] =	ssyncadd.tile.s32 @!p0 $0x1;
	_ =	shalt  }
.Lfunc_end2:
_tile_overlayer_lowered:
.L_overlay_start_2:
0x9b: {  	(tag) =	ssettag $0x2  }
0x9c: {  	s0 =	rddreg [dreg:$0x0];
	s2 =	stileid.u32  }
0x9d: {  	s1 =	rddreg [dreg:$0x1];
	p0 =	sne.s32 s2, $0x0  }
0x9e: {  	s3 =	rddreg [dreg:$0x2];
	[bflag:$0x3] =	sbarrier.arrive $0xFFFF;
	s2 =	simm.s32 @!p0 $0x1C03  }
0x9f: {  	[timem:s3], [sflag:s2] =	dma.local @!p0 [hbm:s0], s1  }
0xa0: {  	s0 =	simm.s32 @!p0 $0x3  }
0xa1: {  	_ =	swait.ge @!p0 [sflag:s0], s1  }
0xa2: {  	s1 =	ssub.s32 @!p0 $0x0, s1;
	[sflag:s0] =	ssyncset.done @!p0 $0x0  }
0xa3: {  	[sflag:s0] =	ssyncadd.s32 @!p0 s1  }
0xa4: {  	[bflag:$0x3] =	sbarrier.arrive $0xFFFF  }
0xa5: {  	_ =	shalt  }

// kernel: kernel.19.cloned.1.call-start
scs
__scs_entry_jumppad:
0x0: {  	(pc) =	sbr.rel $0x88, $3  }
0x1: {  	(tag) =	ssettag $0x0;
	lr =	simm.s32 $0x1  }
0x2: {  	[smem:$0x3F81] =	sst lr;
	_ =	strace $0xD0000000  }
0x3: {  	_ = 	snop  }
0x4: {  	_ = 	snop  }
0x5: {  	_ = 	snop  }
0x6: {  	_ = 	snop  }
0x7: {  	_ = 	snop  }
__scs_overlays_trampoline_lowered:
0x8: {  	[smem:$0x3F90] =	sst s0  }
0x9: {  	[smem:$0x3F91] =	sst s1  }
0xa: {  	[smem:$0x3F92] =	sst s2  }
0xb: {  	[smem:$0x3F93] =	sst s3  }
0xc: {  	[smem:$0x3F94] =	sst s4  }
0xd: {  	[smem:$0x3F95] =	sst s5  }
0xe: {  	[smem:$0x3F96] =	sst s6  }
0xf: {  	[smem:$0x3F97] =	sst s7  }
0x10: {  	[smem:$0x3F98] =	sst s8  }
0x11: {  	[smem:$0x3F99] =	sst s9;
	s0 =	simm.s32 @!p0 $0x0  }
0x12: {  	s1 =	sld [smem:$0x3F7F];
	s0 =	simm.s32 @p0 $0x1  }
0x13: {  	[smem:$0x3F9A] =	sst s0;
	s0 =	simm.s32 @!p1 $0x0  }
0x14: {  	s2 =	sld [smem:$0x3F7E];
	s0 =	simm.s32 @p1 $0x1  }
0x15: {  	[smem:$0x3F9B] =	sst s0;
	s0 =	simm.s32 @!p2 $0x0  }
0x16: {  	s3 =	sld [smem:$0x3FDB];
	s0 =	simm.s32 @p2 $0x1  }
0x17: {  	s4 =	simm.s32 $0x1BF5;
	[smem:$0x3F9D] =	sst s0  }
0x18: {  	s0 =	sld [smem:$0x3F80];
	_ =	swait.ge [sflag:s4], $0x0  }
0x19: {  	s7 =	sld [smem:$0x3F81]  }
0x1a: {  	s8 =	sadd.s32 $0xFFFFE003, lr  }
0x1b: {  	s9 =	sadd.s32 $0xFFFFFEF7, lr;
	s5 =	simm.s32 $0xFFFFFFFF;
	p2 =	slt.u32 s8, $0xFFFFF086  }
0x1c: {  	p1 =	slt.u32 s9, $0xF7A;
	s5 =	simm.s32 @!p2 $0x0  }
0x1d: {  	s5 =	simm.s32 @p1 $0x1;
	p0 =	seq.s32 s7, s2  }
0x1e: {  	s7 =	smul.u32 @!p0 $0xF7A, s2;
	p2 =	seq.s32 @!p0 s5, $0x0  }
0x1f: {  	s9 =	smul.u32 $0xF7A, s1;
	s8 =	simm.s32 @!p0 $0x1BF5;
	p2 =	por !p2, p0  }
0x20: {  	[sflag:s8] =	ssyncset.s32 @!p0 $0xFFFFF086;
	s6 =	sadd.s32 @!p0 s3, s7;
	s7 =	simm.s32 @!p0 $0x108  }
0x21: {  	s3 =	sadd.s32 s3, s9;
	s6 =	sadd.s32 @!p0 $0x88, s6;
	s7 =	simm.s32 @p2 $0x1082  }
0x22: {  	[simem:s7], [sflag:s8] =	dma.local @!p0 [hbm:s6], $0xF7A  }
0x23: {  	s9 =	sor.u32 $0xD0000000, s2;
	s6 =	simm.s32 $0x108;
	_ =	swait.ge @!p0 [sflag:s8], $0x0  }
0x24: {  	s3 =	sadd.s32 $0x88, s3;
	s6 =	simm.s32 @!p1 $0x1082;
	[sflag:s4] =	ssyncset.s32 $0xFFFFF086  }
0x25: {  	[simem:s6], [sflag:s4] =	dma.local [hbm:s3], $0xF7A  }
0x26: {  	[smem:$0x3F81] =	sst s1;
	(tag) =	ssettag s2;
	_ =	strace s9  }
0x27: {  	s1 =	sld [smem:$0x3F91]  }
0x28: {  	s2 =	sld [smem:$0x3F92]  }
0x29: {  	s4 =	sld [smem:$0x3F94]  }
0x2a: {  	p0 =	seq.s32 s5, $0x0;
	s5 =	sld [smem:$0x3F95]  }
0x2b: {  	s6 =	sld [smem:$0x3F96]  }
0x2c: {  	s7 =	sld [smem:$0x3F97]  }
0x2d: {  	s3 =	simm.s32 $0x108;
	s8 =	sld [smem:$0x3F98]  }
0x2e: {  	s3 =	simm.s32 @!p0 $0x1082;
	s9 =	sld [smem:$0x3F99]  }
0x2f: {  	lr =	sadd.s32 s0, s3;
	s0 =	sld [smem:$0x3F90]  }
0x30: {  	s3 =	sld [smem:$0x3F93]  }
0x31: {  	[smem:$0x3F9C] =	sst s10  }
0x32: {  	s10 =	sld [smem:$0x3F9A];
	_ =	sdelay $0x3  }
0x33: {  	p0 =	seq.s32 s10, $0x1;
	s10 =	sld [smem:$0x3F9C];
	_ =	sdelay $0x3  }
0x34: {  	[smem:$0x3F9C] =	sst s10  }
0x35: {  	s10 =	sld [smem:$0x3F9B];
	_ =	sdelay $0x3  }
0x36: {  	p1 =	seq.s32 s10, $0x1;
	s10 =	sld [smem:$0x3F9C];
	_ =	sdelay $0x3  }
0x37: {  	[smem:$0x3F9C] =	sst s10  }
0x38: {  	s10 =	sld [smem:$0x3F9D]  }
0x39: {  	_ = 	snop;
	(pc) =	sbr.ind lr, $3  }
0x3a: {  	_ = 	snop  }
0x3b: {  	_ = 	snop  }
0x3c: {  	p2 =	seq.s32 s10, $0x1;
	s10 =	sld [smem:$0x3F9C]  }
0x3d: {  	_ =	shalt  }
0x3e: {  	_ =	shalt  }
0x3f: {  	_ =	shalt  }
0x40: {  	_ =	shalt  }
0x41: {  	_ =	shalt  }
0x42: {  	_ =	shalt  }
0x43: {  	_ =	shalt  }
0x44: {  	_ =	shalt  }
0x45: {  	_ =	shalt  }
0x46: {  	_ =	shalt  }
0x47: {  	_ =	shalt  }
0x48: {  	_ =	shalt  }
0x49: {  	_ =	shalt  }
0x4a: {  	_ =	shalt  }
0x4b: {  	_ =	shalt  }
0x4c: {  	_ =	shalt  }
0x4d: {  	_ =	shalt  }
0x4e: {  	_ =	shalt  }
0x4f: {  	_ =	shalt  }
0x50: {  	_ =	shalt  }
0x51: {  	_ =	shalt  }
0x52: {  	_ =	shalt  }
0x53: {  	_ =	shalt  }
0x54: {  	_ =	shalt  }
0x55: {  	_ =	shalt  }
0x56: {  	_ =	shalt  }
0x57: {  	_ =	shalt  }
0x58: {  	_ =	shalt  }
0x59: {  	_ =	shalt  }
0x5a: {  	_ =	shalt  }
0x5b: {  	_ =	shalt  }
0x5c: {  	_ =	shalt  }
0x5d: {  	_ =	shalt  }
0x5e: {  	_ =	shalt  }
0x5f: {  	_ =	shalt  }
0x60: {  	_ =	shalt  }
0x61: {  	_ =	shalt  }
0x62: {  	_ =	shalt  }
0x63: {  	_ =	shalt  }
0x64: {  	_ =	shalt  }
0x65: {  	_ =	shalt  }
0x66: {  	_ =	shalt  }
0x67: {  	_ =	shalt  }
0x68: {  	_ =	shalt  }
0x69: {  	_ =	shalt  }
0x6a: {  	_ =	shalt  }
0x6b: {  	_ =	shalt  }
0x6c: {  	_ =	shalt  }
0x6d: {  	_ =	shalt  }
0x6e: {  	_ =	shalt  }
0x6f: {  	_ =	shalt  }
0x70: {  	_ =	shalt  }
0x71: {  	_ =	shalt  }
0x72: {  	_ =	shalt  }
0x73: {  	_ =	shalt  }
0x74: {  	_ =	shalt  }
0x75: {  	_ =	shalt  }
0x76: {  	_ =	shalt  }
0x77: {  	_ =	shalt  }
0x78: {  	_ =	shalt  }
0x79: {  	_ =	shalt  }
0x7a: {  	_ =	shalt  }
0x7b: {  	_ =	shalt  }
0x7c: {  	_ =	shalt  }
0x7d: {  	_ =	shalt  }
0x7e: {  	_ =	shalt  }
0x7f: {  	_ =	shalt  }
0x80: {  	_ =	shalt  }
0x81: {  	_ =	shalt  }
0x82: {  	_ =	shalt  }
0x83: {  	_ =	shalt  }
0x84: {  	_ =	shalt  }
0x85: {  	_ =	shalt  }
0x86: {  	_ =	shalt  }
0x87: {  	_ =	shalt  }
.Lfunc_end0:
.L_simem_size_0:
called_computation.1_lowered:
.L_overlay_start_0:
0x88: {  	s2 =	sld [smem:$0x3FD9]  }
0x89: {  	s3 =	sld [smem:$0x3FFE];
	_ =	sdelay $0x1  }
0x8a: {  	s1 =	srdreg.scid  }
0x8b: {  	s0 =	sand.u32 $0x1, s1  }
0x8c: {  	s16 =	sshll.u32 s0, $0xA;
	s2 =	sadd.s32 s3, s2  }
0x8d: {  	s2 =	sadd.s32 s2, s16  }
0x8e: {  	[smem:$0x3FA8] =	sst s2  }
0x8f: {  	_ = 	snop  }
0x90: {  	(tm) =	ssettm $0x1  }
0x91: {  	s17 =	sld [smem:$0x3FFB];
	_ =	sdelay $0x3  }
0x92: {  	_ =	strace s17  }
0x93: {  	s2 =	sld [smem:$0x3FFC];
	_ =	sdelay $0x3  }
0x94: {  	_ =	strace s2  }
0x95: {  	s2 =	sld [smem:$0x3FFD];
	_ =	sdelay $0x3  }
0x96: {  	_ =	strace s2  }
0x97: {  	_ =	strace $0x8FFFFFFF  }
0x98: {  	s18 =	sld [smem:$0x3FDB];
	_ =	sdelay $0x1  }
0x99: {  	s19 =	simm.s32 $_scs_section_size  }
0x9a: {  	s4 =	simm.s32 $_size__tile_overlayer_lowered;
	s5 =	simm.s32 $_tile_overlayer_lowered  }
0x9b: {  	s22 =	simm.s32 $0x1BFF;
	s21 =	sshll.u32 s5, $0x1;
	s2 =	sadd.s32 s19, s18  }
0x9c: {  	s6 =	simm.s32 $0x0;
	s20 =	sshll.u32 s4, $0x1;
	s4 =	sadd.s32 s21, s2  }
0x9d: {  	[timem:s6], [sflag:s22] =	dma.local [hbm:s4], s20  }
0x9e: {  	_ =	swait.ge [sflag:s22], s20  }
0x9f: {  	s3 =	ssub.s32 $0x0, s20;
	[sflag:s22] =	ssyncset.done $0x0  }
0xa0: {  	[sflag:s22] =	ssyncadd.s32 s3;
	_ =	sdelay $0x1  }
0xa1: {  	s23 =	simm.s32 $0x1B8B  }
0xa2: {  	_ =	swait.ge [sflag:s23], $0x1  }
0xa3: {  	[sflag:s23] =	ssyncset.done $0x0  }
0xa4: {  	s25 =	simm.s32 $0x1B8E;
	s24 =	sld [smem:$0x3FFE];
	[sflag:s23] =	ssyncadd.s32 $0xFFFFFFFF  }
0xa5: {  	s26 =	simm.s32 $execute0_lowered;
	[smem:$0x3FD2] =	sst s25  }
0xa6: {  	s4 =	sshll.u32 s26, $0x1;
	_ =	strace $0x80000049;
	[dreg:$0x1] =	wrdreg $0xFFFFFFFF  }
0xa7: {  	s28 =	simm.s32 $_size_execute0_lowered;
	s2 =	sadd.s32 s2, s4;
	[dreg:$0x0] =	wrdreg $0x0  }
0xa8: {  	s4 =	sshll.u32 s28, $0x1;
	[dreg:$0x2] =	wrdreg s2  }
0xa9: {  	[dreg:$0x3] =	wrdreg s4  }
0xaa: {  	[dreg:$0x4] =	wrdreg $0xC0  }
0xab: {  	_ =	task [dreg:s6], $0x5FFFF  }
0xac: {  	[dreg:$0x1] =	wrdreg $0xFFFFFFFF  }
0xad: {  	[dreg:$0x0] =	wrdreg $0x60  }
0xae: {  	[dreg:$0x2] =	wrdreg s24  }
0xaf: {  	[dreg:$0x3] =	wrdreg $0x0  }
0xb0: {  	[dreg:$0x4] =	wrdreg $0x17D900  }
0xb1: {  	[dreg:$0x5] =	wrdreg $0x9  }
0xb2: {  	_ =	task.clear_ibuf [dreg:s6], $0x6FFFF;
	_ =	strace $0x90000049  }
0xb3: {  	s29 =	simm.s32 $0x9;
	_ =	strace $0x8000004B  }
0xb4: {  	_ =	swait.ge [sflag:s29], $0x1  }
0xb5: {  	[sflag:s29] =	ssyncadd.s32 $0xFFFFFFFF  }
0xb6: {  	_ =	strace $0x9000004B  }
0xb7: {  	_ =	sfence  }
0xb8: {  	s30 =	sld [smem:$0x0];
	_ =	sdelay $0x2  }
0xb9: {  	s31 =	sshll.u32 s1, $0xD;
	s1 =	sshrl.u32 s1, $0x2  }
0xba: {  	s3 =	sand.u32 $0x4000, s31;
	s1 =	sadd.s32 s1, s30  }
0xbb: {  	s0 =	sor.u32 s3, s0;
	s1 =	sshll.u32 s1, $0x11  }
0xbc: {  	s0 =	sor.u32 s1, s0  }
0xbd: {  	s0 =	sadd.s32 $0x8F2B, s0  }
0xbe: {  	[sflag:s0] =	ssyncadd.remote.s32 $0x1  }
0xbf: {  	_ =	sfence.sel $0xFFFF  }
0xc0: {  	[dreg:$0x0] =	wrdreg $0xFFFFFFFF;
	(pc) =	sbr.abs _section_cstart, $3  }
0xc1: {  	[dreg:$0x1] =	wrdreg $0xFFFFFFFF  }
0xc2: {  	_ =	task.clear_ibuf [dreg:s6], $0x2FFFF;
	_ =	strace $0x9FFFFFFF  }
0xc3: {  	(tm) =	ssettm $0x7FFFFFFF  }
tec
execute0_lowered:
.L_overlay_start_1:
0x0: {  	(tag) =	ssettag $0x1  }
0x1: {  	s0 =	rddreg [dreg:$0x0]  }
0x2: {  	s2 =	rddreg [dreg:$0x1]  }
0x3: {  	s3 =	rddreg [dreg:$0x2];
	s17 =	stileid.u32  }
0x4: {  	s1 =	srdreg.scid;
	s5 =	smul.u32 $0x9C40, s17  }
0x5: {  	s4 =	simm.s32 $0x0;
	s1 =	sand.u32 $0x1, s1;
	s7 =	smul.u32 $0x2710, s17  }
0x6: {  	s28 =	simm.s32 $0x13880;
	s29 =	simm.s32 $0x13980;
	s6 =	smul.u32 $0x9C400, s1  }
0x7: {  	s30 =	simm.s32 $0x1;
	s11 =	sshll.u32 s17, $0x1;
	s8 =	smul.u32 $0x27100, s1  }
0x8: {  	s31 =	simm.s32 $0x13900;
	s20 =	sor.u32 s1, s11;
	s18 =	smul.u32 $0x2710, s1  }
0x9: {  	[smem:$0x7FF] =	sst s4;
	s9 =	sadd.s32 $0x2B4400, s0;
	s13 =	smul.u32 $0x2710, s20  }
0xa: {  	s10 =	sadd.s32 $0x8800, s0;
	s21 =	ssub.s32 $0x2, s1;
	s14 =	smul.u32 $0x13880, s20  }
0xb: {  	_ =	strace $0x8000004A;
	s22 =	sshrl.u32 s21, $0x1;
	s16 =	smul.u32 $0x9C400, s20  }
0xc: {  	s6 =	sadd.s32 s5, s6;
	s19 =	sadd.s32 s7, s8;
	s11 =	ssub.s32 s21, s22  }
0xd: {  	s5 =	sadd.s32 s5, s2;
	s6 =	sshrl.u32 s6, $0x3;
	s15 =	sshrl.u32 s13, $0x3  }
0xe: {  	s26 =	sshrl.u32 s16, $0x3;
	s16 =	smul.u32 $0x4E20, s17;
	s17 =	smax.u32 s11, $0x1  }
0xf: {  	s25 =	sadd.s32 s9, s14;
	s13 =	sshll.u32 s13, $0x3;
	[dreg:$0xa] =	wrdreg s17  }
0x10: {  	s23 =	sadd.s32 s10, s15;
	s20 =	sadd.s32 $0x400, s25;
	[dreg:$0x5] =	wrdreg s25  }
0x11: {  	s11 =	simm.s32 $0x4;
	s24 =	sadd.s32 $0x9C40, s23;
	[dreg:$0xc] =	wrdreg s20  }
0x12: {  	s14 =	sadd.s32 s9, s26;
	s15 =	sadd.s32 $0xA120, s23;
	[dreg:$0x4] =	wrdreg s24  }
0x13: {  	s12 =	sadd.s32 s6, s0;
	s14 =	sadd.s32 $0x13800, s14;
	[dreg:$0x6] =	wrdreg s15  }
0x14: {  	s6 =	sshrl.u32 s19, $0x3;
	s12 =	sadd.s32 $0x26000, s12;
	[dreg:$0x7] =	wrdreg s14  }
0x15: {  	s21 =	sadd.s32 s9, s13;
	s19 =	sadd.s32 $0x9C50, s23;
	[dreg:$0x8] =	wrdreg s12  }
0x16: {  	s13 =	simm.s32 $0x17990;
	s22 =	sadd.s32 $0x9C60, s23;
	[dreg:$0xb] =	wrdreg s19  }
0x17: {  	s0 =	sadd.s32 s6, s0;
	s1 =	sadd.s32 $0x800, s21;
	[dreg:$0xd] =	wrdreg s22  }
0x18: {  	s6 =	sadd.s32 s7, s3;
	s23 =	sadd.s32 $0xA110, s23;
	[dreg:$0xe] =	wrdreg s1  }
0x19: {  	s0 =	sadd.s32 $0x1C200, s0;
	[dreg:$0xf] =	wrdreg s23;
	s24 =	sadd.s32 $0x13400, s25  }
0x1a: {  	s12 =	simm.s32 $0x17980;
	s14 =	simm.s32 $0x10;
	[dreg:$0x9] =	wrdreg s0  }
0x1b: {  	s15 =	simm.s32 $0x0;
	s0 =	sadd.s32 s18, s16;
	[dreg:$0x10] =	wrdreg s24  }
0x1c: {  	s24 =	simm.s32 $0x9C40;
	s25 =	sshll.u32 s0, $0x3;
	s26 =	sadd.s32 $0x4E400, s0  }
0x1d: {  	s0 =	sadd.s32 $0x4E380, s0;
	s1 =	sadd.s32 s9, s25;
	s7 =	sshrl.u32 s26, $0x3  }
0x1e: {  	s0 =	sshrl.u32 s0, $0x3;
	s25 =	simm.s32 $0x5;
	s26 =	simm.s32 $0x1A4A0  }
0x1f: {  	s9 =	simm.s32 $0x2;
	s17 =	sadd.s32 $0x1000, s1;
	s21 =	sadd.s32 s7, s10  }
0x20: {  	s18 =	sadd.s32 $0xC00, s1;
	s23 =	sadd.s32 s0, s10;
	s0 =	simm.s32 $0x15980  }
0x21: {  	v0 =	vimm.f32 $0.0e+00;
	v1 =	vimm.f32 $1.000000000e+00;
	s1 =	simm.s32 $0x80;
	s7 =	simm.s32 $0x1CBB0;
	s10 =	simm.s32 $0x3  }
.LBB2_1:
0x22: {  	s20 =	simm.s32 $0x100;
	s16 =	simm.s32 $0x0  }
.LBB2_2:
0x23: {  	p0 =	sne.s32 s20, $0x27000;
	[tilespmem:s16+$0x9C70] =	vst v0;
	s22 =	smov.u32 s20;
	s20 =	sadd.s32 $0x100, s20  }
.Ltmp0:
0x24: {  	[tilespmem:s16+$0x9C60] =	vst v0;
	(pc) =	sbr.rel @p0 .LBB2_2-.Ltmp0, $3  }
0x25: {  	[tilespmem:s16+$0x9C40] =	vst v0  }
0x26: {  	[tilespmem:s16+$0x9C50] =	vst v0;
	_ =	sdelay $0x1  }
0x27: {  	s16 =	sshra.s32 s22, $0x2  }
0x28: {  	[tilespmem:s16+$0x9C70] =	vst v0  }
0x29: {  	[tilespmem:s16+$0x9C60] =	vst v0  }
0x2a: {  	[tilespmem:s16+$0x9C40] =	vst v0  }
0x2b: {  	[tilespmem:s16+$0x9C50] =	vst v0  }
0x2c: {  	[spmem:s5] =	stream.linear.scatter [tilespmem:s24], [sflag:$0x5], $0x9C40, $0x38;
	[tilespmem:$0x1D4B0] =	vst v63  }
0x2d: {  	_ =	swait.ge [sflag:s25], $0x9C40  }
0x2e: {  	[sflag:s25] =	ssyncset.done $0x0  }
0x2f: {  	s16 =	simm.s32 $0x40;
	s20 =	simm.s32 $0x0;
	[sflag:s25] =	ssyncadd.s32 $0xFFFF63C0  }
.LBB2_4:
0x30: {  	p0 =	sne.s32 s16, $0x9C00;
	[tilespmem:s20+$0x1A4A0] =	vst v0;
	s20 =	smov.u32 s16;
	s16 =	sadd.s32 $0x40, s16  }
.Ltmp1:
0x31: {  	(pc) =	sbr.rel @p0 .LBB2_4-.Ltmp1, $2  }
0x32: {  	_ =	sdelay $0x2  }
0x33: {  	s20 =	sshra.s32 s20, $0x2  }
0x34: {  	[tilespmem:s20+$0x1A4A0] =	vst v0  }
0x35: {  	[spmem:s6] =	stream.linear.scatter [tilespmem:s26], [sflag:$0x5], $0x2710, $0x38;
	[tilespmem:$0x1D4B0] =	vst v63  }
0x36: {  	_ =	swait.ge [sflag:s25], $0x2710  }
0x37: {  	[sflag:s25] =	ssyncset.done $0x0  }
0x38: {  	s16 =	simm.s32 $0x40;
	s20 =	simm.s32 $0x0;
	[sflag:s25] =	ssyncadd.s32 $0xFFFFD8F0  }
.LBB2_6:
0x39: {  	p0 =	sne.s32 s16, $0x1FC0;
	[tilespmem:s20+$0x1CBB0] =	vst v1;
	s20 =	smov.u32 s16;
	s16 =	sadd.s32 $0x40, s16  }
.Ltmp2:
0x3a: {  	(pc) =	sbr.rel @p0 .LBB2_6-.Ltmp2, $2  }
0x3b: {  	_ =	sdelay $0x2  }
0x3c: {  	s20 =	sshra.s32 s20, $0x2  }
0x3d: {  	[tilespmem:s20+$0x1CBB0] =	vst v1  }
0x3e: {  	[tilespmem:$0x1D3B0] =	vst v1  }
0x3f: {  	[tilespmem:$0x1D3C0] =	vst v1  }
0x40: {  	[tilespmem:$0x1D3D0] =	vst v1  }
0x41: {  	[tilespmem:$0x1D3E0] =	vst v1  }
0x42: {  	[tilespmem:$0x1D3F0] =	vst v1  }
0x43: {  	[tilespmem:$0x1D400] =	vst v1  }
0x44: {  	[tilespmem:$0x1D410] =	vst v1  }
0x45: {  	[tilespmem:$0x1D420] =	vst v1  }
0x46: {  	[tilespmem:$0x1D430] =	vst v1  }
0x47: {  	[tilespmem:$0x1D440] =	vst v1  }
0x48: {  	[tilespmem:$0x1D450] =	vst v1  }
0x49: {  	[tilespmem:$0x1D460] =	vst v1  }
0x4a: {  	[tilespmem:$0x1D470] =	vst v1  }
0x4b: {  	[tilespmem:$0x1D480] =	vst v1  }
0x4c: {  	[tilespmem:$0x1D490] =	vst v1  }
0x4d: {  	[tilespmem:$0x1D4A0] =	vst v1  }
0x4e: {  	[bflag:$0x0] =	sbarrier.arrive $0xFFFF  }
0x4f: {  	s16 =	simm.s32 $0x0;
	s8 =	rddreg [dreg:$0x4]  }
0x50: {  	[tilespmem:s28], [sflag:$0x1] =	stream.linear.gather [hbm4b:s8+s16], $0x80, $0x38;
	[tilespmem:$0x1D4B0] =	vst v63  }
0x51: {  	s22 =	rddreg [dreg:$0x5]  }
0x52: {  	[tilespmem:s29], [sflag:$0x1] =	stream.linear.gather [hbm4b:s22+s16], $0x2000, $0x38;
	[tilespmem:$0x1D4B0] =	vst v63  }
0x53: {  	_ =	swait.ge [sflag:s30], $0x80  }
0x54: {  	[sflag:s30] =	ssyncset.done $0x0  }
0x55: {  	[sflag:s30] =	ssyncadd.s32 $0xFFFFFF80  }
0x56: {  	_ =	swait.ge [sflag:s30], $0x2000  }
0x57: {  	[sflag:s30] =	ssyncset.done $0x0  }
0x58: {  	s19 =	rddreg [dreg:$0xb];
	[sflag:s30] =	ssyncadd.s32 $0xFFFFE000  }
0x59: {  	[tilespmem:s31], [sflag:$0x2] =	stream.linear.gather [hbm4b:s19+s16], $0x80, $0x38;
	[tilespmem:$0x1D4B0] =	vst v63  }
0x5a: {  	s20 =	rddreg [dreg:$0xc]  }
0x5b: {  	[tilespmem:s0], [sflag:$0x2] =	stream.linear.gather [hbm4b:s20+s16], $0x2000, $0x38;
	[tilespmem:$0x1D4B0] =	vst v63  }
0x5c: {  	_ = 	snop  }
0x5d: {  	[spmem:s2] =	stream.indirect.scatter.add.f32 [tilespmem:s29], [sflag:$0x3], $0x40, s28, s1, $0xb8;
	[tilespmem:$0x1D4B0] =	vst v63  }
0x5e: {  	_ = 	snop  }
0x5f: {  	[spmem:s3] =	stream.indirect.scatter.add.f32 [tilespmem:s7], [sflag:$0x5], $0x10, s28, s1, $0xb8;
	[tilespmem:$0x1D4B0] =	vst v63  }
0x60: {  	_ =	swait.ge [sflag:s25], $0x800  }
0x61: {  	[sflag:s25] =	ssyncset.done $0x0  }
0x62: {  	[sflag:s25] =	ssyncadd.s32 $0xFFFFF800  }
0x63: {  	_ =	swait.ge [sflag:s9], $0x80  }
0x64: {  	[sflag:s9] =	ssyncset.done $0x0  }
0x65: {  	[sflag:s9] =	ssyncadd.s32 $0xFFFFFF80  }
0x66: {  	_ =	swait.ge [sflag:s9], $0x2000  }
0x67: {  	[sflag:s9] =	ssyncset.done $0x0  }
0x68: {  	[sflag:s9] =	ssyncadd.s32 $0xFFFFE000  }
0x69: {  	_ =	swait.ge [sflag:s10], $0x2000  }
0x6a: {  	[sflag:s10] =	ssyncset.done $0x0  }
0x6b: {  	s22 =	rddreg [dreg:$0xd];
	[sflag:s10] =	ssyncadd.s32 $0xFFFFE000  }
0x6c: {  	[tilespmem:s28], [sflag:$0x1] =	stream.linear.gather [hbm4b:s22+s16], $0x80, $0x38;
	[tilespmem:$0x1D4B0] =	vst v63  }
0x6d: {  	s19 =	rddreg [dreg:$0xe]  }
0x6e: {  	[tilespmem:s29], [sflag:$0x1] =	stream.linear.gather [hbm4b:s19+s16], $0x2000, $0x38;
	[tilespmem:$0x1D4B0] =	vst v63  }
0x6f: {  	_ = 	snop  }
0x70: {  	[spmem:s2] =	stream.indirect.scatter.add.f32 [tilespmem:s0], [sflag:$0x4], $0x40, s31, s1, $0xb8;
	[tilespmem:$0x1D4B0] =	vst v63  }
0x71: {  	_ = 	snop  }
0x72: {  	[spmem:s3] =	stream.indirect.scatter.add.f32 [tilespmem:s7], [sflag:$0x5], $0x10, s31, s1, $0xb8;
	[tilespmem:$0x1D4B0] =	vst v63  }
0x73: {  	_ =	swait.ge [sflag:s25], $0x800  }
0x74: {  	[sflag:s25] =	ssyncset.done $0x0  }
0x75: {  	[sflag:s25] =	ssyncadd.s32 $0xFFFFF800  }
0x76: {  	_ =	swait.ge [sflag:s30], $0x80  }
0x77: {  	[sflag:s30] =	ssyncset.done $0x0  }
0x78: {  	[sflag:s30] =	ssyncadd.s32 $0xFFFFFF80  }
0x79: {  	_ =	swait.ge [sflag:s30], $0x2000  }
0x7a: {  	[sflag:s30] =	ssyncset.done $0x0  }
0x7b: {  	[sflag:s30] =	ssyncadd.s32 $0xFFFFE000  }
0x7c: {  	_ =	swait.ge [sflag:s11], $0x2000  }
0x7d: {  	[sflag:s11] =	ssyncset.done $0x0  }
0x7e: {  	s20 =	sadd.s32 $0x0, s23;
	[sflag:s11] =	ssyncadd.s32 $0xFFFFE000  }
0x7f: {  	[tilespmem:s31], [sflag:$0x2] =	stream.linear.gather [hbm4b:s20+s4], $0x80, $0x38;
	[tilespmem:$0x1D4B0] =	vst v63  }
0x80: {  	_ = 	snop  }
0x81: {  	[tilespmem:s0], [sflag:$0x2] =	stream.linear.gather [hbm4b:s18+s4], $0x2000, $0x38;
	[tilespmem:$0x1D4B0] =	vst v63  }
0x82: {  	_ = 	snop  }
0x83: {  	[spmem:s2] =	stream.indirect.scatter.add.f32 [tilespmem:s29], [sflag:$0x3], $0x40, s28, s1, $0xb8;
	[tilespmem:$0x1D4B0] =	vst v63  }
0x84: {  	_ = 	snop  }
0x85: {  	[spmem:s3] =	stream.indirect.scatter.add.f32 [tilespmem:s7], [sflag:$0x5], $0x10, s28, s1, $0xb8;
	[tilespmem:$0x1D4B0] =	vst v63  }
0x86: {  	_ =	swait.ge [sflag:s25], $0x800  }
0x87: {  	[sflag:s25] =	ssyncset.done $0x0  }
0x88: {  	[sflag:s25] =	ssyncadd.s32 $0xFFFFF800  }
0x89: {  	_ =	swait.ge [sflag:s9], $0x80  }
0x8a: {  	[sflag:s9] =	ssyncset.done $0x0  }
0x8b: {  	[sflag:s9] =	ssyncadd.s32 $0xFFFFFF80  }
0x8c: {  	_ =	swait.ge [sflag:s9], $0x2000  }
0x8d: {  	[sflag:s9] =	ssyncset.done $0x0  }
0x8e: {  	[sflag:s9] =	ssyncadd.s32 $0xFFFFE000  }
0x8f: {  	_ =	swait.ge [sflag:s10], $0x2000  }
0x90: {  	[sflag:s10] =	ssyncset.done $0x0  }
0x91: {  	s22 =	sadd.s32 $0x0, s21;
	[sflag:s10] =	ssyncadd.s32 $0xFFFFE000  }
0x92: {  	[tilespmem:s28], [sflag:$0x1] =	stream.linear.gather [hbm4b:s22+s4], $0x80, $0x38;
	[tilespmem:$0x1D4B0] =	vst v63  }
0x93: {  	_ = 	snop  }
0x94: {  	[tilespmem:s29], [sflag:$0x1] =	stream.linear.gather [hbm4b:s17+s4], $0x2000, $0x38;
	[tilespmem:$0x1D4B0] =	vst v63  }
0x95: {  	_ = 	snop  }
0x96: {  	[spmem:s2] =	stream.indirect.scatter.add.f32 [tilespmem:s0], [sflag:$0x4], $0x40, s31, s1, $0xb8;
	[tilespmem:$0x1D4B0] =	vst v63  }
0x97: {  	_ = 	snop  }
0x98: {  	[spmem:s3] =	stream.indirect.scatter.add.f32 [tilespmem:s7], [sflag:$0x5], $0x10, s31, s1, $0xb8;
	[tilespmem:$0x1D4B0] =	vst v63  }
0x99: {  	s16 =	simm.s32 $0x20;
	_ =	swait.ge [sflag:s25], $0x800  }
0x9a: {  	s20 =	smov.u32 s17;
	s22 =	smov.u32 s18;
	[sflag:s25] =	ssyncset.done $0x0  }
.LBB2_8:
0x9b: {  	[sflag:s25] =	ssyncadd.s32 $0xFFFFF800;
	s20 =	sadd.s32 $0x800, s20;
	s22 =	sadd.s32 $0x800, s22  }
0x9c: {  	p0 =	sne.s32 s16, $0x480;
	s19 =	smov.u32 s16;
	s16 =	sadd.s32 $0x20, s16  }
0x9d: {  	_ =	swait.ge [sflag:s30], $0x80  }
0x9e: {  	[sflag:s30] =	ssyncset.done $0x0  }
0x9f: {  	[sflag:s30] =	ssyncadd.s32 $0xFFFFFF80  }
0xa0: {  	_ =	swait.ge [sflag:s30], $0x2000  }
0xa1: {  	[sflag:s30] =	ssyncset.done $0x0  }
0xa2: {  	[sflag:s30] =	ssyncadd.s32 $0xFFFFE000  }
0xa3: {  	_ =	swait.ge [sflag:s11], $0x2000  }
0xa4: {  	[sflag:s11] =	ssyncset.done $0x0  }
0xa5: {  	s8 =	sadd.s32 s19, s23;
	[sflag:s11] =	ssyncadd.s32 $0xFFFFE000  }
0xa6: {  	[tilespmem:s31], [sflag:$0x2] =	stream.linear.gather [hbm4b:s8+s4], $0x80, $0x38;
	[tilespmem:$0x1D4B0] =	vst v63  }
0xa7: {  	_ = 	snop  }
0xa8: {  	[tilespmem:s0], [sflag:$0x2] =	stream.linear.gather [hbm4b:s22+s4], $0x2000, $0x38;
	[tilespmem:$0x1D4B0] =	vst v63  }
0xa9: {  	_ = 	snop  }
0xaa: {  	[spmem:s2] =	stream.indirect.scatter.add.f32 [tilespmem:s29], [sflag:$0x3], $0x40, s28, s1, $0xb8;
	[tilespmem:$0x1D4B0] =	vst v63  }
0xab: {  	_ = 	snop  }
0xac: {  	[spmem:s3] =	stream.indirect.scatter.add.f32 [tilespmem:s7], [sflag:$0x5], $0x10, s28, s1, $0xb8;
	[tilespmem:$0x1D4B0] =	vst v63  }
0xad: {  	_ =	swait.ge [sflag:s25], $0x800  }
0xae: {  	[sflag:s25] =	ssyncset.done $0x0  }
0xaf: {  	[sflag:s25] =	ssyncadd.s32 $0xFFFFF800  }
0xb0: {  	_ =	swait.ge [sflag:s9], $0x80  }
0xb1: {  	[sflag:s9] =	ssyncset.done $0x0  }
0xb2: {  	[sflag:s9] =	ssyncadd.s32 $0xFFFFFF80  }
0xb3: {  	_ =	swait.ge [sflag:s9], $0x2000  }
0xb4: {  	[sflag:s9] =	ssyncset.done $0x0  }
0xb5: {  	[sflag:s9] =	ssyncadd.s32 $0xFFFFE000  }
0xb6: {  	_ =	swait.ge [sflag:s10], $0x2000  }
0xb7: {  	[sflag:s10] =	ssyncset.done $0x0  }
0xb8: {  	s8 =	sadd.s32 s19, s21;
	[sflag:s10] =	ssyncadd.s32 $0xFFFFE000  }
0xb9: {  	[tilespmem:s28], [sflag:$0x1] =	stream.linear.gather [hbm4b:s8+s4], $0x80, $0x38;
	[tilespmem:$0x1D4B0] =	vst v63  }
0xba: {  	_ = 	snop  }
0xbb: {  	[tilespmem:s29], [sflag:$0x1] =	stream.linear.gather [hbm4b:s20+s4], $0x2000, $0x38;
	[tilespmem:$0x1D4B0] =	vst v63  }
0xbc: {  	_ = 	snop  }
0xbd: {  	[spmem:s2] =	stream.indirect.scatter.add.f32 [tilespmem:s0], [sflag:$0x4], $0x40, s31, s1, $0xb8;
	[tilespmem:$0x1D4B0] =	vst v63  }
.Ltmp3:
0xbe: {  	_ = 	snop;
	(pc) =	sbr.rel @p0 .LBB2_8-.Ltmp3, $4  }
0xbf: {  	_ = 	snop  }
0xc0: {  	[spmem:s3] =	stream.indirect.scatter.add.f32 [tilespmem:s7], [sflag:$0x5], $0x10, s31, s1, $0xb8;
	[tilespmem:$0x1D4B0] =	vst v63  }
0xc1: {  	_ =	swait.ge [sflag:s25], $0x800  }
0xc2: {  	[sflag:s25] =	ssyncset.done $0x0  }
0xc3: {  	[sflag:s25] =	ssyncadd.s32 $0xFFFFF800  }
0xc4: {  	_ =	swait.ge [sflag:s30], $0x80  }
0xc5: {  	[sflag:s30] =	ssyncset.done $0x0  }
0xc6: {  	[sflag:s30] =	ssyncadd.s32 $0xFFFFFF80  }
0xc7: {  	_ =	swait.ge [sflag:s30], $0x2000  }
0xc8: {  	[sflag:s30] =	ssyncset.done $0x0  }
0xc9: {  	[sflag:s30] =	ssyncadd.s32 $0xFFFFE000  }
0xca: {  	_ =	swait.ge [sflag:s11], $0x2000  }
0xcb: {  	[sflag:s11] =	ssyncset.done $0x0  }
0xcc: {  	s8 =	rddreg [dreg:$0xf];
	[sflag:s11] =	ssyncadd.s32 $0xFFFFE000  }
0xcd: {  	[tilespmem:s31], [sflag:$0x2] =	stream.linear.gather [hbm4b:s8+s4], $0x80, $0x38;
	[tilespmem:$0x1D4B0] =	vst v63  }
0xce: {  	s19 =	rddreg [dreg:$0x10]  }
0xcf: {  	[tilespmem:s0], [sflag:$0x2] =	stream.linear.gather [hbm4b:s19+s4], $0x2000, $0x38;
	[tilespmem:$0x1D4B0] =	vst v63  }
0xd0: {  	_ = 	snop  }
0xd1: {  	[spmem:s2] =	stream.indirect.scatter.add.f32 [tilespmem:s29], [sflag:$0x3], $0x40, s28, s1, $0xb8;
	[tilespmem:$0x1D4B0] =	vst v63  }
0xd2: {  	_ = 	snop  }
0xd3: {  	[spmem:s3] =	stream.indirect.scatter.add.f32 [tilespmem:s7], [sflag:$0x5], $0x10, s28, s1, $0xb8;
	[tilespmem:$0x1D4B0] =	vst v63  }
0xd4: {  	_ =	swait.ge [sflag:s25], $0x800  }
0xd5: {  	[sflag:s25] =	ssyncset.done $0x0  }
0xd6: {  	[sflag:s25] =	ssyncadd.s32 $0xFFFFF800  }
0xd7: {  	_ =	swait.ge [sflag:s9], $0x80  }
0xd8: {  	[sflag:s9] =	ssyncset.done $0x0  }
0xd9: {  	[sflag:s9] =	ssyncadd.s32 $0xFFFFFF80  }
0xda: {  	_ =	swait.ge [sflag:s9], $0x2000  }
0xdb: {  	[sflag:s9] =	ssyncset.done $0x0  }
0xdc: {  	[sflag:s9] =	ssyncadd.s32 $0xFFFFE000  }
0xdd: {  	_ =	swait.ge [sflag:s10], $0x2000  }
0xde: {  	[sflag:s10] =	ssyncset.done $0x0  }
0xdf: {  	[sflag:s10] =	ssyncadd.s32 $0xFFFFE000  }
0xe0: {  	[spmem:s2] =	stream.indirect.scatter.add.f32 [tilespmem:s0], [sflag:$0x4], $0x40, s31, s1, $0xb8;
	[tilespmem:$0x1D4B0] =	vst v63  }
0xe1: {  	_ = 	snop  }
0xe2: {  	[spmem:s3] =	stream.indirect.scatter.add.f32 [tilespmem:s7], [sflag:$0x5], $0x10, s31, s1, $0xb8;
	[tilespmem:$0x1D4B0] =	vst v63  }
0xe3: {  	_ =	swait.ge [sflag:s25], $0x800  }
0xe4: {  	[sflag:s25] =	ssyncset.done $0x0  }
0xe5: {  	[sflag:s25] =	ssyncadd.s32 $0xFFFFF800  }
0xe6: {  	_ =	swait.ge [sflag:s11], $0x2000  }
0xe7: {  	[sflag:s11] =	ssyncset.done $0x0  }
0xe8: {  	s20 =	rddreg [dreg:$0x6];
	[sflag:s11] =	ssyncadd.s32 $0xFFFFE000  }
0xe9: {  	[tilespmem:s12], [sflag:$0x5] =	stream.linear.gather [hbm4b:s20+s4], $0x10, $0x38;
	[tilespmem:$0x1D4B0] =	vst v63  }
0xea: {  	_ =	swait.ge [sflag:s25], $0x10  }
0xeb: {  	[sflag:s25] =	ssyncset.done $0x0  }
0xec: {  	s22 =	rddreg [dreg:$0x7];
	[sflag:s25] =	ssyncadd.s32 $0xFFFFFFF0  }
0xed: {  	[tilespmem:s13], [sflag:$0x5] =	stream.linear.gather [hbm4b:s22+s4], $0x400, $0x38;
	[tilespmem:$0x1D4B0] =	vst v63  }
0xee: {  	_ =	swait.ge [sflag:s25], $0x400  }
0xef: {  	[sflag:s25] =	ssyncset.done $0x0  }
0xf0: {  	[sflag:s25] =	ssyncadd.s32 $0xFFFFFC00  }
0xf1: {  	[spmem:s2] =	stream.indirect.scatter.add.f32 [tilespmem:s13], [sflag:$0x5], $0x40, s12, s14, $0xb8;
	[tilespmem:$0x1D4B0] =	vst v63  }
0xf2: {  	_ =	swait.ge [sflag:s25], $0x400  }
0xf3: {  	[sflag:s25] =	ssyncset.done $0x0  }
0xf4: {  	s16 =	simm.s32 $0x1D3B0;
	[sflag:s25] =	ssyncadd.s32 $0xFFFFFC00  }
0xf5: {  	[spmem:s3] =	stream.indirect.scatter.add.f32 [tilespmem:s16], [sflag:$0x5], $0x10, s12, s14, $0xb8;
	[tilespmem:$0x1D4B0] =	vst v63  }
0xf6: {  	_ =	swait.ge [sflag:s25], $0x100  }
0xf7: {  	[sflag:s25] =	ssyncset.done $0x0  }
0xf8: {  	[sflag:s25] =	ssyncadd.s32 $0xFFFFFF00  }
0xf9: {  	[bflag:$0x0] =	sbarrier.arrive $0xFFFF  }
0xfa: {  	[tilespmem:s24], [sflag:$0x5] =	stream.linear.gather [spmem:s5], $0x9C40, $0x38;
	[tilespmem:$0x1D4B0] =	vst v63  }
0xfb: {  	_ =	swait.ge [sflag:s25], $0x9C40  }
0xfc: {  	[sflag:s25] =	ssyncset.done $0x0  }
0xfd: {  	s19 =	rddreg [dreg:$0x8];
	[sflag:s25] =	ssyncadd.s32 $0xFFFF63C0  }
0xfe: {  	[hbm4b:s19+s4] =	stream.linear.scatter [tilespmem:s24], [sflag:$0x5], $0x9C40, $0x38;
	[tilespmem:$0x1D4B0] =	vst v63  }
0xff: {  	_ =	swait.ge [sflag:s25], $0x9C40  }
0x100: {  	[sflag:s25] =	ssyncset.done $0x0  }
0x101: {  	[sflag:s25] =	ssyncadd.s32 $0xFFFF63C0  }
0x102: {  	[tilespmem:s26], [sflag:$0x5] =	stream.linear.gather [spmem:s6], $0x2710, $0x38;
	[tilespmem:$0x1D4B0] =	vst v63  }
0x103: {  	_ =	swait.ge [sflag:s25], $0x2710  }
0x104: {  	[sflag:s25] =	ssyncset.done $0x0  }
0x105: {  	s20 =	rddreg [dreg:$0x9];
	[sflag:s25] =	ssyncadd.s32 $0xFFFFD8F0  }
0x106: {  	[hbm4b:s20+s4] =	stream.linear.scatter [tilespmem:s26], [sflag:$0x5], $0x2710, $0x38;
	[tilespmem:$0x1D4B0] =	vst v63  }
0x107: {  	_ =	swait.ge [sflag:s25], $0x2710  }
0x108: {  	s15 =	sadd.s32 $0x1, s15;
	s22 =	rddreg [dreg:$0xa]  }
0x109: {  	p0 =	sne.s32 s15, s22  }
.Ltmp4:
0x10a: {  	_ = 	snop;
	(pc) =	sbr.rel @p0 .LBB2_1-.Ltmp4, $3  }
0x10b: {  	_ =	sdelay $0x1  }
0x10c: {  	[sflag:s25] =	ssyncset.done $0x0  }
0x10d: {  	[sflag:s25] =	ssyncadd.s32 $0xFFFFD8F0  }
0x10e: {  	_ =	sfence.sel $0x180000  }
0x10f: {  	[bflag:$0x0] =	sbarrier.arrive $0xFFFF  }
0x110: {  	_ =	strace $0x9000004A  }
0x111: {  	s0 =	stileid.u32;
	[bflag:$0x2] =	sbarrier.arrive $0xFFFF  }
0x112: {  	p0 =	sne.s32 s0, $0x0;
	s0 =	rddreg [dreg:$0x3]  }
0x113: {  	s0 =	sadd.s32 @!p0 $0x100000, s0  }
0x114: {  	[sflag:s0] =	ssyncadd.tile.s32 @!p0 $0x1;
	_ =	shalt  }
.Lfunc_end2:
_tile_overlayer_lowered:
.L_overlay_start_2:
0x115: {  	(tag) =	ssettag $0x2  }
0x116: {  	s0 =	rddreg [dreg:$0x0];
	s2 =	stileid.u32  }
0x117: {  	s1 =	rddreg [dreg:$0x1];
	p0 =	sne.s32 s2, $0x0  }
0x118: {  	s3 =	rddreg [dreg:$0x2];
	[bflag:$0x3] =	sbarrier.arrive $0xFFFF;
	s2 =	simm.s32 @!p0 $0x1C05  }
0x119: {  	[timem:s3], [sflag:s2] =	dma.local @!p0 [hbm:s0], s1  }
0x11a: {  	s0 =	simm.s32 @!p0 $0x5  }
0x11b: {  	_ =	swait.ge @!p0 [sflag:s0], s1  }
0x11c: {  	s1 =	ssub.s32 @!p0 $0x0, s1;
	[sflag:s0] =	ssyncset.done @!p0 $0x0  }
0x11d: {  	[sflag:s0] =	ssyncadd.s32 @!p0 s1  }
0x11e: {  	[bflag:$0x3] =	sbarrier.arrive $0xFFFF  }
0x11f: {  	_ =	shalt  }

// kernel: kernel.22.cloned.1.call-start
scs
__scs_entry_jumppad:
0x0: {  	(pc) =	sbr.rel $0x88, $3  }
0x1: {  	(tag) =	ssettag $0x0;
	lr =	simm.s32 $0x1  }
0x2: {  	[smem:$0x3F81] =	sst lr;
	_ =	strace $0xD0000000  }
0x3: {  	_ = 	snop  }
0x4: {  	_ = 	snop  }
0x5: {  	_ = 	snop  }
0x6: {  	_ = 	snop  }
0x7: {  	_ = 	snop  }
__scs_overlays_trampoline_lowered:
0x8: {  	[smem:$0x3F90] =	sst s0  }
0x9: {  	[smem:$0x3F91] =	sst s1  }
0xa: {  	[smem:$0x3F92] =	sst s2  }
0xb: {  	[smem:$0x3F93] =	sst s3  }
0xc: {  	[smem:$0x3F94] =	sst s4  }
0xd: {  	[smem:$0x3F95] =	sst s5  }
0xe: {  	[smem:$0x3F96] =	sst s6  }
0xf: {  	[smem:$0x3F97] =	sst s7  }
0x10: {  	[smem:$0x3F98] =	sst s8  }
0x11: {  	[smem:$0x3F99] =	sst s9;
	s0 =	simm.s32 @!p0 $0x0  }
0x12: {  	s1 =	sld [smem:$0x3F7F];
	s0 =	simm.s32 @p0 $0x1  }
0x13: {  	[smem:$0x3F9A] =	sst s0;
	s0 =	simm.s32 @!p1 $0x0  }
0x14: {  	s2 =	sld [smem:$0x3F7E];
	s0 =	simm.s32 @p1 $0x1  }
0x15: {  	[smem:$0x3F9B] =	sst s0;
	s0 =	simm.s32 @!p2 $0x0  }
0x16: {  	s3 =	sld [smem:$0x3FDB];
	s0 =	simm.s32 @p2 $0x1  }
0x17: {  	s4 =	simm.s32 $0x1BF5;
	[smem:$0x3F9D] =	sst s0  }
0x18: {  	s0 =	sld [smem:$0x3F80];
	_ =	swait.ge [sflag:s4], $0x0  }
0x19: {  	s7 =	sld [smem:$0x3F81]  }
0x1a: {  	s8 =	sadd.s32 $0xFFFFE003, lr  }
0x1b: {  	s9 =	sadd.s32 $0xFFFFFEF7, lr;
	s5 =	simm.s32 $0xFFFFFFFF;
	p2 =	slt.u32 s8, $0xFFFFF086  }
0x1c: {  	p1 =	slt.u32 s9, $0xF7A;
	s5 =	simm.s32 @!p2 $0x0  }
0x1d: {  	s5 =	simm.s32 @p1 $0x1;
	p0 =	seq.s32 s7, s2  }
0x1e: {  	s7 =	smul.u32 @!p0 $0xF7A, s2;
	p2 =	seq.s32 @!p0 s5, $0x0  }
0x1f: {  	s9 =	smul.u32 $0xF7A, s1;
	s8 =	simm.s32 @!p0 $0x1BF5;
	p2 =	por !p2, p0  }
0x20: {  	[sflag:s8] =	ssyncset.s32 @!p0 $0xFFFFF086;
	s6 =	sadd.s32 @!p0 s3, s7;
	s7 =	simm.s32 @!p0 $0x108  }
0x21: {  	s3 =	sadd.s32 s3, s9;
	s6 =	sadd.s32 @!p0 $0x88, s6;
	s7 =	simm.s32 @p2 $0x1082  }
0x22: {  	[simem:s7], [sflag:s8] =	dma.local @!p0 [hbm:s6], $0xF7A  }
0x23: {  	s9 =	sor.u32 $0xD0000000, s2;
	s6 =	simm.s32 $0x108;
	_ =	swait.ge @!p0 [sflag:s8], $0x0  }
0x24: {  	s3 =	sadd.s32 $0x88, s3;
	s6 =	simm.s32 @!p1 $0x1082;
	[sflag:s4] =	ssyncset.s32 $0xFFFFF086  }
0x25: {  	[simem:s6], [sflag:s4] =	dma.local [hbm:s3], $0xF7A  }
0x26: {  	[smem:$0x3F81] =	sst s1;
	(tag) =	ssettag s2;
	_ =	strace s9  }
0x27: {  	s1 =	sld [smem:$0x3F91]  }
0x28: {  	s2 =	sld [smem:$0x3F92]  }
0x29: {  	s4 =	sld [smem:$0x3F94]  }
0x2a: {  	p0 =	seq.s32 s5, $0x0;
	s5 =	sld [smem:$0x3F95]  }
0x2b: {  	s6 =	sld [smem:$0x3F96]  }
0x2c: {  	s7 =	sld [smem:$0x3F97]  }
0x2d: {  	s3 =	simm.s32 $0x108;
	s8 =	sld [smem:$0x3F98]  }
0x2e: {  	s3 =	simm.s32 @!p0 $0x1082;
	s9 =	sld [smem:$0x3F99]  }
0x2f: {  	lr =	sadd.s32 s0, s3;
	s0 =	sld [smem:$0x3F90]  }
0x30: {  	s3 =	sld [smem:$0x3F93]  }
0x31: {  	[smem:$0x3F9C] =	sst s10  }
0x32: {  	s10 =	sld [smem:$0x3F9A];
	_ =	sdelay $0x3  }
0x33: {  	p0 =	seq.s32 s10, $0x1;
	s10 =	sld [smem:$0x3F9C];
	_ =	sdelay $0x3  }
0x34: {  	[smem:$0x3F9C] =	sst s10  }
0x35: {  	s10 =	sld [smem:$0x3F9B];
	_ =	sdelay $0x3  }
0x36: {  	p1 =	seq.s32 s10, $0x1;
	s10 =	sld [smem:$0x3F9C];
	_ =	sdelay $0x3  }
0x37: {  	[smem:$0x3F9C] =	sst s10  }
0x38: {  	s10 =	sld [smem:$0x3F9D]  }
0x39: {  	_ = 	snop;
	(pc) =	sbr.ind lr, $3  }
0x3a: {  	_ = 	snop  }
0x3b: {  	_ = 	snop  }
0x3c: {  	p2 =	seq.s32 s10, $0x1;
	s10 =	sld [smem:$0x3F9C]  }
0x3d: {  	_ =	shalt  }
0x3e: {  	_ =	shalt  }
0x3f: {  	_ =	shalt  }
0x40: {  	_ =	shalt  }
0x41: {  	_ =	shalt  }
0x42: {  	_ =	shalt  }
0x43: {  	_ =	shalt  }
0x44: {  	_ =	shalt  }
0x45: {  	_ =	shalt  }
0x46: {  	_ =	shalt  }
0x47: {  	_ =	shalt  }
0x48: {  	_ =	shalt  }
0x49: {  	_ =	shalt  }
0x4a: {  	_ =	shalt  }
0x4b: {  	_ =	shalt  }
0x4c: {  	_ =	shalt  }
0x4d: {  	_ =	shalt  }
0x4e: {  	_ =	shalt  }
0x4f: {  	_ =	shalt  }
0x50: {  	_ =	shalt  }
0x51: {  	_ =	shalt  }
0x52: {  	_ =	shalt  }
0x53: {  	_ =	shalt  }
0x54: {  	_ =	shalt  }
0x55: {  	_ =	shalt  }
0x56: {  	_ =	shalt  }
0x57: {  	_ =	shalt  }
0x58: {  	_ =	shalt  }
0x59: {  	_ =	shalt  }
0x5a: {  	_ =	shalt  }
0x5b: {  	_ =	shalt  }
0x5c: {  	_ =	shalt  }
0x5d: {  	_ =	shalt  }
0x5e: {  	_ =	shalt  }
0x5f: {  	_ =	shalt  }
0x60: {  	_ =	shalt  }
0x61: {  	_ =	shalt  }
0x62: {  	_ =	shalt  }
0x63: {  	_ =	shalt  }
0x64: {  	_ =	shalt  }
0x65: {  	_ =	shalt  }
0x66: {  	_ =	shalt  }
0x67: {  	_ =	shalt  }
0x68: {  	_ =	shalt  }
0x69: {  	_ =	shalt  }
0x6a: {  	_ =	shalt  }
0x6b: {  	_ =	shalt  }
0x6c: {  	_ =	shalt  }
0x6d: {  	_ =	shalt  }
0x6e: {  	_ =	shalt  }
0x6f: {  	_ =	shalt  }
0x70: {  	_ =	shalt  }
0x71: {  	_ =	shalt  }
0x72: {  	_ =	shalt  }
0x73: {  	_ =	shalt  }
0x74: {  	_ =	shalt  }
0x75: {  	_ =	shalt  }
0x76: {  	_ =	shalt  }
0x77: {  	_ =	shalt  }
0x78: {  	_ =	shalt  }
0x79: {  	_ =	shalt  }
0x7a: {  	_ =	shalt  }
0x7b: {  	_ =	shalt  }
0x7c: {  	_ =	shalt  }
0x7d: {  	_ =	shalt  }
0x7e: {  	_ =	shalt  }
0x7f: {  	_ =	shalt  }
0x80: {  	_ =	shalt  }
0x81: {  	_ =	shalt  }
0x82: {  	_ =	shalt  }
0x83: {  	_ =	shalt  }
0x84: {  	_ =	shalt  }
0x85: {  	_ =	shalt  }
0x86: {  	_ =	shalt  }
0x87: {  	_ =	shalt  }
.Lfunc_end0:
.L_simem_size_0:
called_computation.2_lowered:
.L_overlay_start_0:
0x88: {  	s2 =	sld [smem:$0x3FD9]  }
0x89: {  	s3 =	sld [smem:$0x3FFE];
	_ =	sdelay $0x1  }
0x8a: {  	s1 =	srdreg.scid  }
0x8b: {  	s0 =	sand.u32 $0x1, s1  }
0x8c: {  	s16 =	sshll.u32 s0, $0xA;
	s2 =	sadd.s32 s3, s2  }
0x8d: {  	s2 =	sadd.s32 s2, s16  }
0x8e: {  	[smem:$0x3FA8] =	sst s2  }
0x8f: {  	_ = 	snop  }
0x90: {  	(tm) =	ssettm $0x1  }
0x91: {  	s17 =	sld [smem:$0x3FFB];
	_ =	sdelay $0x3  }
0x92: {  	_ =	strace s17  }
0x93: {  	s2 =	sld [smem:$0x3FFC];
	_ =	sdelay $0x3  }
0x94: {  	_ =	strace s2  }
0x95: {  	s2 =	sld [smem:$0x3FFD];
	_ =	sdelay $0x3  }
0x96: {  	_ =	strace s2  }
0x97: {  	_ =	strace $0x8FFFFFFF  }
0x98: {  	s18 =	sld [smem:$0x3FDB];
	_ =	sdelay $0x1  }
0x99: {  	s19 =	simm.s32 $_scs_section_size  }
0x9a: {  	s4 =	simm.s32 $_size__tile_overlayer_lowered;
	s5 =	simm.s32 $_tile_overlayer_lowered  }
0x9b: {  	s22 =	simm.s32 $0x1BFF;
	s21 =	sshll.u32 s5, $0x1;
	s2 =	sadd.s32 s19, s18  }
0x9c: {  	s6 =	simm.s32 $0x0;
	s20 =	sshll.u32 s4, $0x1;
	s4 =	sadd.s32 s21, s2  }
0x9d: {  	[timem:s6], [sflag:s22] =	dma.local [hbm:s4], s20  }
0x9e: {  	_ =	swait.ge [sflag:s22], s20  }
0x9f: {  	s3 =	ssub.s32 $0x0, s20;
	[sflag:s22] =	ssyncset.done $0x0  }
0xa0: {  	[sflag:s22] =	ssyncadd.s32 s3;
	_ =	sdelay $0x1  }
0xa1: {  	s23 =	simm.s32 $0x1B8B  }
0xa2: {  	_ =	swait.ge [sflag:s23], $0x1  }
0xa3: {  	[sflag:s23] =	ssyncset.done $0x0  }
0xa4: {  	s25 =	simm.s32 $0x1B8E;
	s24 =	sld [smem:$0x3FFE];
	[sflag:s23] =	ssyncadd.s32 $0xFFFFFFFF  }
0xa5: {  	s26 =	simm.s32 $execute0_lowered;
	[smem:$0x3FD2] =	sst s25  }
0xa6: {  	s4 =	sshll.u32 s26, $0x1;
	_ =	strace $0x8000004C;
	[dreg:$0x1] =	wrdreg $0xFFFFFFFF  }
0xa7: {  	s28 =	simm.s32 $_size_execute0_lowered;
	s2 =	sadd.s32 s2, s4;
	[dreg:$0x0] =	wrdreg $0x0  }
0xa8: {  	s4 =	sshll.u32 s28, $0x1;
	[dreg:$0x2] =	wrdreg s2  }
0xa9: {  	[dreg:$0x3] =	wrdreg s4  }
0xaa: {  	[dreg:$0x4] =	wrdreg $0xC0  }
0xab: {  	_ =	task [dreg:s6], $0x5FFFF  }
0xac: {  	[dreg:$0x1] =	wrdreg $0xFFFFFFFF  }
0xad: {  	[dreg:$0x0] =	wrdreg $0x60  }
0xae: {  	[dreg:$0x2] =	wrdreg s24  }
0xaf: {  	[dreg:$0x3] =	wrdreg $0x9  }
0xb0: {  	_ =	task.clear_ibuf [dreg:s6], $0x4FFFF;
	_ =	strace $0x9000004C  }
0xb1: {  	s29 =	simm.s32 $0x9;
	_ =	strace $0x8000004E  }
0xb2: {  	_ =	swait.ge [sflag:s29], $0x1  }
0xb3: {  	[sflag:s29] =	ssyncadd.s32 $0xFFFFFFFF  }
0xb4: {  	_ =	strace $0x9000004E  }
0xb5: {  	_ =	sfence  }
0xb6: {  	s30 =	sld [smem:$0x0];
	_ =	sdelay $0x2  }
0xb7: {  	s31 =	sshll.u32 s1, $0xD;
	s1 =	sshrl.u32 s1, $0x2  }
0xb8: {  	s3 =	sand.u32 $0x4000, s31;
	s1 =	sadd.s32 s1, s30  }
0xb9: {  	s0 =	sor.u32 s3, s0;
	s1 =	sshll.u32 s1, $0x11  }
0xba: {  	s0 =	sor.u32 s1, s0  }
0xbb: {  	s0 =	sadd.s32 $0x8F2B, s0  }
0xbc: {  	[sflag:s0] =	ssyncadd.remote.s32 $0x1  }
0xbd: {  	_ =	sfence.sel $0xFFFF  }
0xbe: {  	[dreg:$0x0] =	wrdreg $0xFFFFFFFF;
	(pc) =	sbr.abs _section_cstart, $3  }
0xbf: {  	[dreg:$0x1] =	wrdreg $0xFFFFFFFF  }
0xc0: {  	_ =	task.clear_ibuf [dreg:s6], $0x2FFFF;
	_ =	strace $0x9FFFFFFF  }
0xc1: {  	(tm) =	ssettm $0x7FFFFFFF  }
tec
execute0_lowered:
.L_overlay_start_1:
0x0: {  	(tag) =	ssettag $0x1  }
0x1: {  	s0 =	srdreg.scid;
	s12 =	stileid.u32  }
0x2: {  	s4 =	rddreg [dreg:$0x0];
	s2 =	simm.s32 $0x0;
	s14 =	simm.s32 $0x3  }
0x3: {  	s15 =	simm.s32 $0x2710;
	s16 =	simm.s32 $0x80;
	s17 =	simm.s32 $0x4E20  }
0x4: {  	s18 =	simm.s32 $0x1;
	s19 =	simm.s32 $0x6E20;
	s20 =	simm.s32 $0x2  }
0x5: {  	s28 =	simm.s32 $0x2700;
	s29 =	simm.s32 $0x8E20;
	s9 =	smul.u32 $0x4E20, s12  }
0x6: {  	s0 =	sand.u32 $0x1, s0;
	s1 =	sshll.u32 s12, $0x1;
	s12 =	smul.u32 $0x27100, s12  }
0x7: {  	s30 =	simm.s32 $0x4E10;
	s31 =	simm.s32 $0x0;
	s10 =	smul.u32 $0x2710, s0  }
0x8: {  	s1 =	sor.u32 s0, s1;
	s6 =	ssub.s32 $0x2, s0;
	s0 =	smul.u32 $0x13880, s0  }
0x9: {  	[smem:$0x7FF] =	sst s2;
	s3 =	sadd.s32 $0x1C200, s4;
	s5 =	smul.u32 $0x2710, s1  }
0xa: {  	s11 =	sadd.s32 $0xE9800, s4;
	_ =	strace $0x8000004D;
	s7 =	smul.u32 $0x9C400, s1  }
0xb: {  	s24 =	sshrl.u32 s6, $0x1;
	s1 =	smul.u32 $0x13880, s1;
	s12 =	sadd.s32 s12, s11  }
0xc: {  	s8 =	ssub.s32 s6, s24;
	s26 =	sadd.s32 s10, s9;
	s0 =	sadd.s32 s0, s12  }
0xd: {  	s5 =	sshrl.u32 s5, $0x3;
	s25 =	sshrl.u32 s7, $0x3;
	s7 =	smax.u32 s8, $0x1  }
0xe: {  	s8 =	sadd.s32 s11, s1;
	s1 =	sshll.u32 s26, $0x3;
	s13 =	sadd.s32 $0x800, s0  }
0xf: {  	s26 =	simm.s32 $0x10;
	s5 =	sadd.s32 s5, s4;
	s6 =	sadd.s32 s11, s25  }
0x10: {  	s9 =	sadd.s32 $0x400, s8;
	s10 =	sadd.s32 $0x13000, s8;
	s1 =	sadd.s32 s11, s1  }
0x11: {  	s11 =	sadd.s32 $0x13400, s8;
	s25 =	simm.s32 $0x4D90;
	s4 =	sadd.s32 $0x12440, s5  }
0x12: {  	s5 =	sadd.s32 $0x8800, s5;
	s6 =	sadd.s32 $0x13800, s6;
	s22 =	sadd.s32 $0xC00, s1  }
.LBB2_1:
0x13: {  	[tilespmem:s2], [sflag:$0x3] =	stream.linear.gather [hbm4b:s4+s2], $0x2710, $0x38;
	[tilespmem:$0x9220] =	vst v63  }
0x14: {  	_ =	swait.ge [sflag:s14], $0x2710  }
0x15: {  	[sflag:s14] =	ssyncset.done $0x0  }
0x16: {  	[sflag:s14] =	ssyncadd.s32 $0xFFFFD8F0  }
0x17: {  	[tilespmem:s15], [sflag:$0x3] =	stream.linear.gather [hbm4b:s5+s2], $0x2710, $0x38;
	[tilespmem:$0x9220] =	vst v63  }
0x18: {  	_ =	swait.ge [sflag:s14], $0x2710  }
0x19: {  	[sflag:s14] =	ssyncset.done $0x0  }
0x1a: {  	s0 =	simm.s32 $0x0;
	[sflag:s14] =	ssyncadd.s32 $0xFFFFD8F0  }
0x1b: {  	s1 =	simm.s32 $0x40;
	v0 =	vld [tilespmem:s0+$0x0]  }
.LBB2_2:
0x1c: {  	p0 =	sne.s32 s1, $0x9C00;
	v1 =	vld [tilespmem:s0+$0x2710];
	_ =	sdelay $0x2  }
.Ltmp0:
0x1d: {  	(pc) =	sbr.rel @p0 .LBB2_2-.Ltmp0, $4  }
0x1e: {  	_ = 	snop  }
0x1f: {  	v0 =	vshll.u32 v0, $0x1;
	v1 =	vshll.u32 v1, $0x1  }
0x20: {  	s12 =	sshra.s32 s1, $0x2;
	[tilespmem:s0+$0x0] =	vst v0;
	v1 =	vor.u32 $0x1, v1  }
0x21: {  	s1 =	sadd.s32 $0x40, s1;
	v0 =	vld [tilespmem:s12+$0x0];
	[tilespmem:s0+$0x2710] =	vst v1;
	s0 =	smov.u32 s12  }
0x22: {  	v1 =	vld [tilespmem:s0+$0x2710];
	_ =	sdelay $0x4  }
0x23: {  	v0 =	vshll.u32 v0, $0x1;
	v1 =	vshll.u32 v1, $0x1  }
0x24: {  	[tilespmem:s0+$0x0] =	vst v0;
	v63 =	vor.u32 $0x1, v1  }
0x25: {  	s23 =	simm.s32 $0x0;
	[tilespmem:s0+$0x2710] =	vst v63  }
0x26: {  	[tilespmem:s17], [sflag:$0x1] =	stream.indirect.gather [hbm4b:s3+s16], $0x40, s23, s16, $0xb8;
	[tilespmem:$0x9220] =	vst v63  }
0x27: {  	_ =	swait.ge [sflag:s18], $0x2000  }
0x28: {  	[sflag:s18] =	ssyncset.done $0x0  }
0x29: {  	[sflag:s18] =	ssyncadd.s32 $0xFFFFE000  }
0x2a: {  	[tilespmem:s17], [sflag:$0x1] =	stream.indirect.gather.add.f32 [hbm:s3], $0x40, s15, s16, $0xb8;
	[tilespmem:$0x9220] =	vst v63  }
0x2b: {  	_ = 	snop  }
0x2c: {  	[tilespmem:s19], [sflag:$0x2] =	stream.indirect.gather [hbm4b:s3+s16], $0x40, s16, s16, $0xb8;
	[tilespmem:$0x9220] =	vst v63  }
0x2d: {  	_ =	swait.ge [sflag:s18], $0x2000  }
0x2e: {  	[sflag:s18] =	ssyncset.done $0x0  }
0x2f: {  	[sflag:s18] =	ssyncadd.s32 $0xFFFFE000  }
0x30: {  	[hbm4b:s8+s23] =	stream.linear.scatter [tilespmem:s17], [sflag:$0x1], $0x2000, $0x38;
	[tilespmem:$0x9220] =	vst v63  }
0x31: {  	_ =	swait.ge [sflag:s20], $0x2000  }
0x32: {  	[sflag:s20] =	ssyncset.done $0x0  }
0x33: {  	s1 =	simm.s32 $0x2790;
	[sflag:s20] =	ssyncadd.s32 $0xFFFFE000  }
0x34: {  	[tilespmem:s19], [sflag:$0x2] =	stream.indirect.gather.add.f32 [hbm:s3], $0x40, s1, s16, $0xb8;
	[tilespmem:$0x9220] =	vst v63  }
0x35: {  	_ =	swait.ge [sflag:s18], $0x2000  }
0x36: {  	[sflag:s18] =	ssyncset.done $0x0  }
0x37: {  	s24 =	simm.s32 $0x100;
	[sflag:s18] =	ssyncadd.s32 $0xFFFFE000  }
0x38: {  	[tilespmem:s17], [sflag:$0x1] =	stream.indirect.gather [hbm4b:s3+s16], $0x40, s24, s16, $0xb8;
	[tilespmem:$0x9220] =	vst v63  }
0x39: {  	_ =	swait.ge [sflag:s20], $0x2000  }
0x3a: {  	[sflag:s20] =	ssyncset.done $0x0  }
0x3b: {  	[sflag:s20] =	ssyncadd.s32 $0xFFFFE000  }
0x3c: {  	[hbm4b:s9+s23] =	stream.linear.scatter [tilespmem:s19], [sflag:$0x2], $0x2000, $0x38;
	[tilespmem:$0x9220] =	vst v63  }
0x3d: {  	_ =	swait.ge [sflag:s18], $0x2000  }
0x3e: {  	[sflag:s18] =	ssyncset.done $0x0  }
0x3f: {  	s12 =	simm.s32 $0x2810;
	[sflag:s18] =	ssyncadd.s32 $0xFFFFE000  }
0x40: {  	[tilespmem:s17], [sflag:$0x1] =	stream.indirect.gather.add.f32 [hbm:s3], $0x40, s12, s16, $0xb8;
	[tilespmem:$0x9220] =	vst v63  }
0x41: {  	_ =	swait.ge [sflag:s20], $0x2000  }
0x42: {  	[sflag:s20] =	ssyncset.done $0x0  }
0x43: {  	s21 =	simm.s32 $0x180;
	[sflag:s20] =	ssyncadd.s32 $0xFFFFE000  }
0x44: {  	[tilespmem:s19], [sflag:$0x2] =	stream.indirect.gather [hbm4b:s3+s16], $0x40, s21, s16, $0xb8;
	[tilespmem:$0x9220] =	vst v63  }
0x45: {  	_ =	swait.ge [sflag:s18], $0x2000  }
0x46: {  	[sflag:s18] =	ssyncset.done $0x0  }
0x47: {  	[sflag:s18] =	ssyncadd.s32 $0xFFFFE000  }
0x48: {  	[hbm4b:s13+s2] =	stream.linear.scatter [tilespmem:s17], [sflag:$0x1], $0x2000, $0x38;
	[tilespmem:$0x9220] =	vst v63  }
0x49: {  	_ =	swait.ge [sflag:s20], $0x2000  }
0x4a: {  	[sflag:s20] =	ssyncset.done $0x0  }
0x4b: {  	s23 =	simm.s32 $0x2890;
	[sflag:s20] =	ssyncadd.s32 $0xFFFFE000  }
0x4c: {  	[tilespmem:s19], [sflag:$0x2] =	stream.indirect.gather.add.f32 [hbm:s3], $0x40, s23, s16, $0xb8;
	[tilespmem:$0x9220] =	vst v63  }
0x4d: {  	_ =	swait.ge [sflag:s18], $0x2000  }
0x4e: {  	[sflag:s18] =	ssyncset.done $0x0  }
0x4f: {  	s24 =	simm.s32 $0x200;
	[sflag:s18] =	ssyncadd.s32 $0xFFFFE000  }
0x50: {  	[tilespmem:s17], [sflag:$0x1] =	stream.indirect.gather [hbm4b:s3+s16], $0x40, s24, s16, $0xb8;
	[tilespmem:$0x9220] =	vst v63  }
0x51: {  	_ =	swait.ge [sflag:s20], $0x2000  }
0x52: {  	s0 =	sadd.s32 $0x800, s22;
	s1 =	simm.s32 $0x400;
	[sflag:s20] =	ssyncset.done $0x0  }
0x53: {  	s12 =	smov.u32 s22;
	s21 =	sadd.s32 $0x800, s13;
	[sflag:s20] =	ssyncadd.s32 $0xFFFFE000  }
.LBB2_4:
0x54: {  	[hbm4b:s12+s2] =	stream.linear.scatter [tilespmem:s19], [sflag:$0x2], $0x2000, $0x38;
	[tilespmem:$0x9220] =	vst v63  }
0x55: {  	s23 =	smov.u32 s1;
	s12 =	smov.u32 s0  }
0x56: {  	p0 =	sne.s32 s1, $0x9000;
	s1 =	sadd.s32 $0x400, s1;
	_ =	swait.ge [sflag:s18], $0x2000  }
0x57: {  	s23 =	sshra.s32 s23, $0x2;
	[sflag:s18] =	ssyncset.done $0x0  }
0x58: {  	s24 =	sadd.s32 $0x2810, s23;
	[sflag:s18] =	ssyncadd.s32 $0xFFFFE000  }
0x59: {  	[tilespmem:s17], [sflag:$0x1] =	stream.indirect.gather.add.f32 [hbm:s3], $0x40, s24, s16, $0xb8;
	[tilespmem:$0x9220] =	vst v63  }
0x5a: {  	_ =	swait.ge [sflag:s20], $0x2000  }
0x5b: {  	[sflag:s20] =	ssyncset.done $0x0  }
0x5c: {  	s24 =	sadd.s32 $0x180, s23;
	[sflag:s20] =	ssyncadd.s32 $0xFFFFE000  }
0x5d: {  	[tilespmem:s19], [sflag:$0x2] =	stream.indirect.gather [hbm4b:s3+s16], $0x40, s24, s16, $0xb8;
	[tilespmem:$0x9220] =	vst v63  }
0x5e: {  	_ =	swait.ge [sflag:s18], $0x2000  }
0x5f: {  	[sflag:s18] =	ssyncset.done $0x0  }
0x60: {  	[sflag:s18] =	ssyncadd.s32 $0xFFFFE000  }
0x61: {  	[hbm4b:s21+s2] =	stream.linear.scatter [tilespmem:s17], [sflag:$0x1], $0x2000, $0x38;
	[tilespmem:$0x9220] =	vst v63  }
0x62: {  	_ =	swait.ge [sflag:s20], $0x2000  }
0x63: {  	[sflag:s20] =	ssyncset.done $0x0  }
0x64: {  	s24 =	sadd.s32 $0x2890, s23;
	[sflag:s20] =	ssyncadd.s32 $0xFFFFE000  }
0x65: {  	[tilespmem:s19], [sflag:$0x2] =	stream.indirect.gather.add.f32 [hbm:s3], $0x40, s24, s16, $0xb8;
	[tilespmem:$0x9220] =	vst v63  }
0x66: {  	_ =	swait.ge [sflag:s18], $0x2000  }
0x67: {  	[sflag:s18] =	ssyncset.done $0x0  }
.Ltmp1:
0x68: {  	s23 =	sadd.s32 $0x200, s23;
	[sflag:s18] =	ssyncadd.s32 $0xFFFFE000;
	(pc) =	sbr.rel @p0 .LBB2_4-.Ltmp1, $4  }
0x69: {  	[tilespmem:s17], [sflag:$0x1] =	stream.indirect.gather [hbm4b:s3+s16], $0x40, s23, s16, $0xb8;
	[tilespmem:$0x9220] =	vst v63  }
0x6a: {  	_ =	swait.ge [sflag:s20], $0x2000  }
0x6b: {  	[sflag:s20] =	ssyncset.done $0x0  }
0x6c: {  	s0 =	sadd.s32 $0x800, s0;
	s21 =	sadd.s32 $0x800, s21;
	[sflag:s20] =	ssyncadd.s32 $0xFFFFE000  }
0x6d: {  	[hbm4b:s12+s2] =	stream.linear.scatter [tilespmem:s19], [sflag:$0x2], $0x2000, $0x38;
	[tilespmem:$0x9220] =	vst v63  }
0x6e: {  	_ =	swait.ge [sflag:s18], $0x2000  }
0x6f: {  	[sflag:s18] =	ssyncset.done $0x0  }
0x70: {  	s0 =	simm.s32 $0x4D10;
	[sflag:s18] =	ssyncadd.s32 $0xFFFFE000  }
0x71: {  	[tilespmem:s17], [sflag:$0x1] =	stream.indirect.gather.add.f32 [hbm:s3], $0x40, s0, s16, $0xb8;
	[tilespmem:$0x9220] =	vst v63  }
0x72: {  	_ =	swait.ge [sflag:s20], $0x2000  }
0x73: {  	[sflag:s20] =	ssyncset.done $0x0  }
0x74: {  	s24 =	simm.s32 $0x2680;
	[sflag:s20] =	ssyncadd.s32 $0xFFFFE000  }
0x75: {  	[tilespmem:s19], [sflag:$0x2] =	stream.indirect.gather [hbm4b:s3+s16], $0x40, s24, s16, $0xb8;
	[tilespmem:$0x9220] =	vst v63  }
0x76: {  	_ =	swait.ge [sflag:s18], $0x2000  }
0x77: {  	[sflag:s18] =	ssyncset.done $0x0  }
0x78: {  	[sflag:s18] =	ssyncadd.s32 $0xFFFFE000  }
0x79: {  	[hbm4b:s10+s2] =	stream.linear.scatter [tilespmem:s17], [sflag:$0x1], $0x2000, $0x38;
	[tilespmem:$0x9220] =	vst v63  }
0x7a: {  	_ =	swait.ge [sflag:s20], $0x2000  }
0x7b: {  	[sflag:s20] =	ssyncset.done $0x0  }
0x7c: {  	[sflag:s20] =	ssyncadd.s32 $0xFFFFE000  }
0x7d: {  	[tilespmem:s19], [sflag:$0x2] =	stream.indirect.gather.add.f32 [hbm:s3], $0x40, s25, s16, $0xb8;
	[tilespmem:$0x9220] =	vst v63  }
0x7e: {  	_ =	swait.ge [sflag:s18], $0x2000  }
0x7f: {  	[sflag:s18] =	ssyncset.done $0x0  }
0x80: {  	[sflag:s18] =	ssyncadd.s32 $0xFFFFE000  }
0x81: {  	_ =	swait.ge [sflag:s20], $0x2000  }
0x82: {  	[sflag:s20] =	ssyncset.done $0x0  }
0x83: {  	[sflag:s20] =	ssyncadd.s32 $0xFFFFE000  }
0x84: {  	[hbm4b:s11+s2] =	stream.linear.scatter [tilespmem:s19], [sflag:$0x2], $0x2000, $0x38;
	[tilespmem:$0x9220] =	vst v63  }
0x85: {  	_ =	swait.ge [sflag:s20], $0x2000  }
0x86: {  	[sflag:s20] =	ssyncset.done $0x0  }
0x87: {  	[sflag:s20] =	ssyncadd.s32 $0xFFFFE000  }
0x88: {  	[tilespmem:s29], [sflag:$0x3] =	stream.indirect.gather [hbm4b:s3+s26], $0x40, s28, s26, $0xb8;
	[tilespmem:$0x9220] =	vst v63  }
0x89: {  	_ =	swait.ge [sflag:s14], $0x400  }
0x8a: {  	[sflag:s14] =	ssyncset.done $0x0  }
0x8b: {  	[sflag:s14] =	ssyncadd.s32 $0xFFFFFC00  }
0x8c: {  	[tilespmem:s29], [sflag:$0x3] =	stream.indirect.gather.add.f32 [hbm:s3], $0x40, s30, s26, $0xb8;
	[tilespmem:$0x9220] =	vst v63  }
0x8d: {  	s31 =	sadd.s32 $0x1, s31;
	_ =	swait.ge [sflag:s14], $0x400  }
0x8e: {  	p0 =	sne.s32 s31, s7;
	[sflag:s14] =	ssyncset.done $0x0  }
.Ltmp2:
0x8f: {  	[sflag:s14] =	ssyncadd.s32 $0xFFFFFC00;
	(pc) =	sbr.rel @p0 .LBB2_1-.Ltmp2, $4  }
0x90: {  	[hbm4b:s6+s2] =	stream.linear.scatter [tilespmem:s29], [sflag:$0x3], $0x400, $0x38;
	[tilespmem:$0x9220] =	vst v63  }
0x91: {  	_ =	swait.ge [sflag:s14], $0x400  }
0x92: {  	[sflag:s14] =	ssyncset.done $0x0  }
0x93: {  	[sflag:s14] =	ssyncadd.s32 $0xFFFFFC00  }
0x94: {  	_ =	sfence.sel $0x180000  }
0x95: {  	[bflag:$0x0] =	sbarrier.arrive $0xFFFF  }
0x96: {  	_ =	strace $0x9000004D  }
0x97: {  	s0 =	stileid.u32;
	[bflag:$0x2] =	sbarrier.arrive $0xFFFF  }
0x98: {  	p0 =	sne.s32 s0, $0x0;
	s0 =	rddreg [dreg:$0x1]  }
0x99: {  	s0 =	sadd.s32 @!p0 $0x100000, s0  }
0x9a: {  	[sflag:s0] =	ssyncadd.tile.s32 @!p0 $0x1;
	_ =	shalt  }
.Lfunc_end2:
_tile_overlayer_lowered:
.L_overlay_start_2:
0x9b: {  	(tag) =	ssettag $0x2  }
0x9c: {  	s0 =	rddreg [dreg:$0x0];
	s2 =	stileid.u32  }
0x9d: {  	s1 =	rddreg [dreg:$0x1];
	p0 =	sne.s32 s2, $0x0  }
0x9e: {  	s3 =	rddreg [dreg:$0x2];
	[bflag:$0x3] =	sbarrier.arrive $0xFFFF;
	s2 =	simm.s32 @!p0 $0x1C03  }
0x9f: {  	[timem:s3], [sflag:s2] =	dma.local @!p0 [hbm:s0], s1  }
0xa0: {  	s0 =	simm.s32 @!p0 $0x3  }
0xa1: {  	_ =	swait.ge @!p0 [sflag:s0], s1  }
0xa2: {  	s1 =	ssub.s32 @!p0 $0x0, s1;
	[sflag:s0] =	ssyncset.done @!p0 $0x0  }
0xa3: {  	[sflag:s0] =	ssyncadd.s32 @!p0 s1  }
0xa4: {  	[bflag:$0x3] =	sbarrier.arrive $0xFFFF  }
0xa5: {  	_ =	shalt  }

// kernel: kernel.25.cloned.1.call-start
scs
__scs_entry_jumppad:
0x0: {  	(pc) =	sbr.rel $0x88, $3  }
0x1: {  	(tag) =	ssettag $0x0;
	lr =	simm.s32 $0x1  }
0x2: {  	[smem:$0x3F81] =	sst lr;
	_ =	strace $0xD0000000  }
0x3: {  	_ = 	snop  }
0x4: {  	_ = 	snop  }
0x5: {  	_ = 	snop  }
0x6: {  	_ = 	snop  }
0x7: {  	_ = 	snop  }
__scs_overlays_trampoline_lowered:
0x8: {  	[smem:$0x3F90] =	sst s0  }
0x9: {  	[smem:$0x3F91] =	sst s1  }
0xa: {  	[smem:$0x3F92] =	sst s2  }
0xb: {  	[smem:$0x3F93] =	sst s3  }
0xc: {  	[smem:$0x3F94] =	sst s4  }
0xd: {  	[smem:$0x3F95] =	sst s5  }
0xe: {  	[smem:$0x3F96] =	sst s6  }
0xf: {  	[smem:$0x3F97] =	sst s7  }
0x10: {  	[smem:$0x3F98] =	sst s8  }
0x11: {  	[smem:$0x3F99] =	sst s9;
	s0 =	simm.s32 @!p0 $0x0  }
0x12: {  	s1 =	sld [smem:$0x3F7F];
	s0 =	simm.s32 @p0 $0x1  }
0x13: {  	[smem:$0x3F9A] =	sst s0;
	s0 =	simm.s32 @!p1 $0x0  }
0x14: {  	s2 =	sld [smem:$0x3F7E];
	s0 =	simm.s32 @p1 $0x1  }
0x15: {  	[smem:$0x3F9B] =	sst s0;
	s0 =	simm.s32 @!p2 $0x0  }
0x16: {  	s3 =	sld [smem:$0x3FDB];
	s0 =	simm.s32 @p2 $0x1  }
0x17: {  	s4 =	simm.s32 $0x1BF5;
	[smem:$0x3F9D] =	sst s0  }
0x18: {  	s0 =	sld [smem:$0x3F80];
	_ =	swait.ge [sflag:s4], $0x0  }
0x19: {  	s7 =	sld [smem:$0x3F81]  }
0x1a: {  	s8 =	sadd.s32 $0xFFFFE003, lr  }
0x1b: {  	s9 =	sadd.s32 $0xFFFFFEF7, lr;
	s5 =	simm.s32 $0xFFFFFFFF;
	p2 =	slt.u32 s8, $0xFFFFF086  }
0x1c: {  	p1 =	slt.u32 s9, $0xF7A;
	s5 =	simm.s32 @!p2 $0x0  }
0x1d: {  	s5 =	simm.s32 @p1 $0x1;
	p0 =	seq.s32 s7, s2  }
0x1e: {  	s7 =	smul.u32 @!p0 $0xF7A, s2;
	p2 =	seq.s32 @!p0 s5, $0x0  }
0x1f: {  	s9 =	smul.u32 $0xF7A, s1;
	s8 =	simm.s32 @!p0 $0x1BF5;
	p2 =	por !p2, p0  }
0x20: {  	[sflag:s8] =	ssyncset.s32 @!p0 $0xFFFFF086;
	s6 =	sadd.s32 @!p0 s3, s7;
	s7 =	simm.s32 @!p0 $0x108  }
0x21: {  	s3 =	sadd.s32 s3, s9;
	s6 =	sadd.s32 @!p0 $0x88, s6;
	s7 =	simm.s32 @p2 $0x1082  }
0x22: {  	[simem:s7], [sflag:s8] =	dma.local @!p0 [hbm:s6], $0xF7A  }
0x23: {  	s9 =	sor.u32 $0xD0000000, s2;
	s6 =	simm.s32 $0x108;
	_ =	swait.ge @!p0 [sflag:s8], $0x0  }
0x24: {  	s3 =	sadd.s32 $0x88, s3;
	s6 =	simm.s32 @!p1 $0x1082;
	[sflag:s4] =	ssyncset.s32 $0xFFFFF086  }
0x25: {  	[simem:s6], [sflag:s4] =	dma.local [hbm:s3], $0xF7A  }
0x26: {  	[smem:$0x3F81] =	sst s1;
	(tag) =	ssettag s2;
	_ =	strace s9  }
0x27: {  	s1 =	sld [smem:$0x3F91]  }
0x28: {  	s2 =	sld [smem:$0x3F92]  }
0x29: {  	s4 =	sld [smem:$0x3F94]  }
0x2a: {  	p0 =	seq.s32 s5, $0x0;
	s5 =	sld [smem:$0x3F95]  }
0x2b: {  	s6 =	sld [smem:$0x3F96]  }
0x2c: {  	s7 =	sld [smem:$0x3F97]  }
0x2d: {  	s3 =	simm.s32 $0x108;
	s8 =	sld [smem:$0x3F98]  }
0x2e: {  	s3 =	simm.s32 @!p0 $0x1082;
	s9 =	sld [smem:$0x3F99]  }
0x2f: {  	lr =	sadd.s32 s0, s3;
	s0 =	sld [smem:$0x3F90]  }
0x30: {  	s3 =	sld [smem:$0x3F93]  }
0x31: {  	[smem:$0x3F9C] =	sst s10  }
0x32: {  	s10 =	sld [smem:$0x3F9A];
	_ =	sdelay $0x3  }
0x33: {  	p0 =	seq.s32 s10, $0x1;
	s10 =	sld [smem:$0x3F9C];
	_ =	sdelay $0x3  }
0x34: {  	[smem:$0x3F9C] =	sst s10  }
0x35: {  	s10 =	sld [smem:$0x3F9B];
	_ =	sdelay $0x3  }
0x36: {  	p1 =	seq.s32 s10, $0x1;
	s10 =	sld [smem:$0x3F9C];
	_ =	sdelay $0x3  }
0x37: {  	[smem:$0x3F9C] =	sst s10  }
0x38: {  	s10 =	sld [smem:$0x3F9D]  }
0x39: {  	_ = 	snop;
	(pc) =	sbr.ind lr, $3  }
0x3a: {  	_ = 	snop  }
0x3b: {  	_ = 	snop  }
0x3c: {  	p2 =	seq.s32 s10, $0x1;
	s10 =	sld [smem:$0x3F9C]  }
0x3d: {  	_ =	shalt  }
0x3e: {  	_ =	shalt  }
0x3f: {  	_ =	shalt  }
0x40: {  	_ =	shalt  }
0x41: {  	_ =	shalt  }
0x42: {  	_ =	shalt  }
0x43: {  	_ =	shalt  }
0x44: {  	_ =	shalt  }
0x45: {  	_ =	shalt  }
0x46: {  	_ =	shalt  }
0x47: {  	_ =	shalt  }
0x48: {  	_ =	shalt  }
0x49: {  	_ =	shalt  }
0x4a: {  	_ =	shalt  }
0x4b: {  	_ =	shalt  }
0x4c: {  	_ =	shalt  }
0x4d: {  	_ =	shalt  }
0x4e: {  	_ =	shalt  }
0x4f: {  	_ =	shalt  }
0x50: {  	_ =	shalt  }
0x51: {  	_ =	shalt  }
0x52: {  	_ =	shalt  }
0x53: {  	_ =	shalt  }
0x54: {  	_ =	shalt  }
0x55: {  	_ =	shalt  }
0x56: {  	_ =	shalt  }
0x57: {  	_ =	shalt  }
0x58: {  	_ =	shalt  }
0x59: {  	_ =	shalt  }
0x5a: {  	_ =	shalt  }
0x5b: {  	_ =	shalt  }
0x5c: {  	_ =	shalt  }
0x5d: {  	_ =	shalt  }
0x5e: {  	_ =	shalt  }
0x5f: {  	_ =	shalt  }
0x60: {  	_ =	shalt  }
0x61: {  	_ =	shalt  }
0x62: {  	_ =	shalt  }
0x63: {  	_ =	shalt  }
0x64: {  	_ =	shalt  }
0x65: {  	_ =	shalt  }
0x66: {  	_ =	shalt  }
0x67: {  	_ =	shalt  }
0x68: {  	_ =	shalt  }
0x69: {  	_ =	shalt  }
0x6a: {  	_ =	shalt  }
0x6b: {  	_ =	shalt  }
0x6c: {  	_ =	shalt  }
0x6d: {  	_ =	shalt  }
0x6e: {  	_ =	shalt  }
0x6f: {  	_ =	shalt  }
0x70: {  	_ =	shalt  }
0x71: {  	_ =	shalt  }
0x72: {  	_ =	shalt  }
0x73: {  	_ =	shalt  }
0x74: {  	_ =	shalt  }
0x75: {  	_ =	shalt  }
0x76: {  	_ =	shalt  }
0x77: {  	_ =	shalt  }
0x78: {  	_ =	shalt  }
0x79: {  	_ =	shalt  }
0x7a: {  	_ =	shalt  }
0x7b: {  	_ =	shalt  }
0x7c: {  	_ =	shalt  }
0x7d: {  	_ =	shalt  }
0x7e: {  	_ =	shalt  }
0x7f: {  	_ =	shalt  }
0x80: {  	_ =	shalt  }
0x81: {  	_ =	shalt  }
0x82: {  	_ =	shalt  }
0x83: {  	_ =	shalt  }
0x84: {  	_ =	shalt  }
0x85: {  	_ =	shalt  }
0x86: {  	_ =	shalt  }
0x87: {  	_ =	shalt  }
.Lfunc_end0:
.L_simem_size_0:
called_computation.3_lowered:
.L_overlay_start_0:
0x88: {  	s2 =	sld [smem:$0x3FD9]  }
0x89: {  	s3 =	sld [smem:$0x3FFE];
	_ =	sdelay $0x1  }
0x8a: {  	s1 =	srdreg.scid  }
0x8b: {  	s0 =	sand.u32 $0x1, s1  }
0x8c: {  	s16 =	sshll.u32 s0, $0xA;
	s2 =	sadd.s32 s3, s2  }
0x8d: {  	s2 =	sadd.s32 s2, s16  }
0x8e: {  	[smem:$0x3FA8] =	sst s2  }
0x8f: {  	_ = 	snop  }
0x90: {  	(tm) =	ssettm $0x1  }
0x91: {  	s17 =	sld [smem:$0x3FFB];
	_ =	sdelay $0x3  }
0x92: {  	_ =	strace s17  }
0x93: {  	s2 =	sld [smem:$0x3FFC];
	_ =	sdelay $0x3  }
0x94: {  	_ =	strace s2  }
0x95: {  	s2 =	sld [smem:$0x3FFD];
	_ =	sdelay $0x3  }
0x96: {  	_ =	strace s2  }
0x97: {  	_ =	strace $0x8FFFFFFF  }
0x98: {  	s18 =	sld [smem:$0x3FDB];
	_ =	sdelay $0x1  }
0x99: {  	s19 =	simm.s32 $_scs_section_size  }
0x9a: {  	s4 =	simm.s32 $_size__tile_overlayer_lowered;
	s5 =	simm.s32 $_tile_overlayer_lowered  }
0x9b: {  	s22 =	simm.s32 $0x1BFF;
	s21 =	sshll.u32 s5, $0x1;
	s2 =	sadd.s32 s19, s18  }
0x9c: {  	s6 =	simm.s32 $0x0;
	s20 =	sshll.u32 s4, $0x1;
	s4 =	sadd.s32 s21, s2  }
0x9d: {  	[timem:s6], [sflag:s22] =	dma.local [hbm:s4], s20  }
0x9e: {  	_ =	swait.ge [sflag:s22], s20  }
0x9f: {  	s3 =	ssub.s32 $0x0, s20;
	[sflag:s22] =	ssyncset.done $0x0  }
0xa0: {  	[sflag:s22] =	ssyncadd.s32 s3;
	_ =	sdelay $0x1  }
0xa1: {  	s23 =	simm.s32 $0x1B8B  }
0xa2: {  	_ =	swait.ge [sflag:s23], $0x1  }
0xa3: {  	[sflag:s23] =	ssyncset.done $0x0  }
0xa4: {  	s25 =	simm.s32 $0x1B8E;
	s24 =	sld [smem:$0x3FFE];
	[sflag:s23] =	ssyncadd.s32 $0xFFFFFFFF  }
0xa5: {  	s26 =	simm.s32 $execute0_lowered;
	[smem:$0x3FD2] =	sst s25  }
0xa6: {  	s4 =	sshll.u32 s26, $0x1;
	_ =	strace $0x8000004F;
	[dreg:$0x1] =	wrdreg $0xFFFFFFFF  }
0xa7: {  	s28 =	simm.s32 $_size_execute0_lowered;
	s2 =	sadd.s32 s2, s4;
	[dreg:$0x0] =	wrdreg $0x0  }
0xa8: {  	s4 =	sshll.u32 s28, $0x1;
	[dreg:$0x2] =	wrdreg s2  }
0xa9: {  	[dreg:$0x3] =	wrdreg s4  }
0xaa: {  	[dreg:$0x4] =	wrdreg $0xC0  }
0xab: {  	_ =	task [dreg:s6], $0x5FFFF  }
0xac: {  	[dreg:$0x1] =	wrdreg $0xFFFFFFFF  }
0xad: {  	[dreg:$0x0] =	wrdreg $0x60  }
0xae: {  	[dreg:$0x2] =	wrdreg s24  }
0xaf: {  	[dreg:$0x3] =	wrdreg $0x0  }
0xb0: {  	[dreg:$0x4] =	wrdreg $0x9  }
0xb1: {  	_ =	task.clear_ibuf [dreg:s6], $0x5FFFF;
	_ =	strace $0x9000004F  }
0xb2: {  	s29 =	simm.s32 $0x9;
	_ =	strace $0x80000051  }
0xb3: {  	_ =	swait.ge [sflag:s29], $0x1  }
0xb4: {  	[sflag:s29] =	ssyncadd.s32 $0xFFFFFFFF  }
0xb5: {  	_ =	strace $0x90000051  }
0xb6: {  	_ =	sfence  }
0xb7: {  	s30 =	sld [smem:$0x0];
	_ =	sdelay $0x2  }
0xb8: {  	s31 =	sshll.u32 s1, $0xD;
	s1 =	sshrl.u32 s1, $0x2  }
0xb9: {  	s3 =	sand.u32 $0x4000, s31;
	s1 =	sadd.s32 s1, s30  }
0xba: {  	s0 =	sor.u32 s3, s0;
	s1 =	sshll.u32 s1, $0x11  }
0xbb: {  	s0 =	sor.u32 s1, s0  }
0xbc: {  	s0 =	sadd.s32 $0x8F2B, s0  }
0xbd: {  	[sflag:s0] =	ssyncadd.remote.s32 $0x1  }
0xbe: {  	_ =	sfence.sel $0xFFFF  }
0xbf: {  	[dreg:$0x0] =	wrdreg $0xFFFFFFFF;
	(pc) =	sbr.abs _section_cstart, $3  }
0xc0: {  	[dreg:$0x1] =	wrdreg $0xFFFFFFFF  }
0xc1: {  	_ =	task.clear_ibuf [dreg:s6], $0x2FFFF;
	_ =	strace $0x9FFFFFFF  }
0xc2: {  	(tm) =	ssettm $0x7FFFFFFF  }
0xc3: {  	_ =	shalt  }
tec
execute0_lowered:
.L_overlay_start_1:
0x0: {  	(tag) =	ssettag $0x1  }
0x1: {  	s0 =	rddreg [dreg:$0x0]  }
0x2: {  	s2 =	rddreg [dreg:$0x1]  }
0x3: {  	s1 =	srdreg.scid;
	s12 =	stileid.u32  }
0x4: {  	s3 =	simm.s32 $0x0;
	s19 =	simm.s32 $0x9C40;
	s20 =	simm.s32 $0x5  }
0x5: {  	s28 =	simm.s32 $0x2;
	s29 =	simm.s32 $0x3;
	s4 =	smul.u32 $0x9C40, s12  }
0x6: {  	s30 =	simm.s32 $0x4;
	s1 =	sand.u32 $0x1, s1;
	s16 =	smul.u32 $0x4E20, s12  }
0x7: {  	s31 =	simm.s32 $0x17980;
	s6 =	sshll.u32 s12, $0x1;
	s5 =	smul.u32 $0x9C400, s1  }
0x8: {  	s6 =	sor.u32 s1, s6;
	s21 =	ssub.s32 $0x2, s1;
	s1 =	smul.u32 $0x2710, s1  }
0x9: {  	[smem:$0x7FF] =	sst s3;
	s7 =	sadd.s32 $0x35A800, s0;
	s8 =	smul.u32 $0x2710, s6  }
0xa: {  	s15 =	sadd.s32 $0x8800, s0;
	_ =	strace $0x80000050;
	s9 =	smul.u32 $0x13880, s6  }
0xb: {  	s10 =	sshrl.u32 s21, $0x1;
	s6 =	smul.u32 $0x9C400, s6;
	s5 =	sadd.s32 s4, s5  }
0xc: {  	s4 =	sadd.s32 s4, s2;
	s1 =	sadd.s32 s1, s16;
	s5 =	sshrl.u32 s5, $0x3  }
0xd: {  	s11 =	sshrl.u32 s8, $0x3;
	s17 =	sadd.s32 s7, s9;
	s6 =	sshrl.u32 s6, $0x3  }
0xe: {  	s14 =	sshll.u32 s8, $0x3;
	s25 =	sshll.u32 s1, $0x3;
	s26 =	sadd.s32 $0x4E400, s1  }
0xf: {  	s1 =	sadd.s32 $0x4E380, s1;
	s0 =	sadd.s32 s5, s0;
	s5 =	ssub.s32 s21, s10  }
0x10: {  	s13 =	sadd.s32 s15, s11;
	s6 =	sadd.s32 s7, s6;
	s9 =	smov.u32 s17  }
0x11: {  	s12 =	sadd.s32 $0x400, s17;
	s24 =	sadd.s32 s7, s14;
	s1 =	sshrl.u32 s1, $0x3  }
0x12: {  	s21 =	simm.s32 $0x13880;
	s22 =	sadd.s32 $0x9C40, s13;
	s23 =	sadd.s32 $0xA120, s13  }
0x13: {  	s6 =	sadd.s32 $0x13800, s6;
	s0 =	sadd.s32 $0x1C200, s0;
	s10 =	smax.u32 s5, $0x1  }
0x14: {  	s11 =	sadd.s32 $0x9C50, s13;
	s13 =	sadd.s32 $0x9C60, s13;
	s14 =	sadd.s32 $0x800, s24  }
0x15: {  	s5 =	sshrl.u32 s26, $0x3;
	s18 =	sadd.s32 s1, s15;
	[dreg:$0x3] =	wrdreg s22  }
.Ltmp0:
0x16: {  	s24 =	simm.s32 $0x13900;
	[dreg:$0x4] =	wrdreg s23;
	(pc) =	sbr.rel .LBB2_1-.Ltmp0, $4  }
0x17: {  	s26 =	simm.s32 $0x80;
	s1 =	simm.s32 $0x0;
	[dreg:$0x5] =	wrdreg s6  }
0x18: {  	[dreg:$0x6] =	wrdreg s0;
	s0 =	sadd.s32 s7, s25;
	s16 =	sadd.s32 s5, s15  }
0x19: {  	s22 =	simm.s32 $0x13980;
	s23 =	simm.s32 $0x1;
	s25 =	simm.s32 $0x15980  }
0x1a: {  	v0 =	vimm.f32 $0.0e+00;
	s6 =	sadd.s32 $0x1000, s0;
	s7 =	sadd.s32 $0xC00, s0;
	s0 =	simm.s32 $0x17990  }
.LBB2_6:
0x1b: {  	[spmem:s2] =	stream.indirect.scatter.add.f32 [tilespmem:s25], [sflag:$0x4], $0x40, s24, s26, $0xb8;
	[tilespmem:$0x17D90] =	vst v63  }
0x1c: {  	_ =	swait.ge [sflag:s30], $0x2000  }
0x1d: {  	[sflag:s30] =	ssyncset.done $0x0  }
0x1e: {  	s5 =	rddreg [dreg:$0x4];
	[sflag:s30] =	ssyncadd.s32 $0xFFFFE000  }
0x1f: {  	[tilespmem:s31], [sflag:$0x5] =	stream.linear.gather [hbm4b:s5+s3], $0x10, $0x38;
	[tilespmem:$0x17D90] =	vst v63  }
0x20: {  	_ =	swait.ge [sflag:s20], $0x10  }
0x21: {  	[sflag:s20] =	ssyncset.done $0x0  }
0x22: {  	s8 =	rddreg [dreg:$0x5];
	[sflag:s20] =	ssyncadd.s32 $0xFFFFFFF0  }
0x23: {  	[tilespmem:s0], [sflag:$0x5] =	stream.linear.gather [hbm4b:s8+s3], $0x400, $0x38;
	[tilespmem:$0x17D90] =	vst v63  }
0x24: {  	_ =	swait.ge [sflag:s20], $0x400  }
0x25: {  	[sflag:s20] =	ssyncset.done $0x0  }
0x26: {  	s15 =	simm.s32 $0x10;
	[sflag:s20] =	ssyncadd.s32 $0xFFFFFC00  }
0x27: {  	[spmem:s2] =	stream.indirect.scatter.add.f32 [tilespmem:s0], [sflag:$0x5], $0x40, s31, s15, $0xb8;
	[tilespmem:$0x17D90] =	vst v63  }
0x28: {  	_ =	swait.ge [sflag:s20], $0x400  }
0x29: {  	[sflag:s20] =	ssyncset.done $0x0  }
0x2a: {  	[sflag:s20] =	ssyncadd.s32 $0xFFFFFC00  }
0x2b: {  	[bflag:$0x0] =	sbarrier.arrive $0xFFFF  }
0x2c: {  	[tilespmem:s19], [sflag:$0x5] =	stream.linear.gather [spmem:s4], $0x9C40, $0x38;
	[tilespmem:$0x17D90] =	vst v63  }
0x2d: {  	s1 =	sadd.s32 $0x1, s1;
	_ =	swait.ge [sflag:s20], $0x9C40  }
0x2e: {  	p0 =	sne.s32 s1, s10;
	[sflag:s20] =	ssyncset.done $0x0  }
.Ltmp1:
0x2f: {  	s17 =	rddreg [dreg:$0x6];
	[sflag:s20] =	ssyncadd.s32 $0xFFFF63C0;
	(pc) =	sbr.rel @!p0 .LBB2_7-.Ltmp1, $4  }
0x30: {  	[hbm4b:s17+s3] =	stream.linear.scatter [tilespmem:s19], [sflag:$0x5], $0x9C40, $0x38;
	[tilespmem:$0x17D90] =	vst v63  }
0x31: {  	_ =	swait.ge [sflag:s20], $0x9C40  }
0x32: {  	[sflag:s20] =	ssyncset.done $0x0  }
0x33: {  	[sflag:s20] =	ssyncadd.s32 $0xFFFF63C0  }
.LBB2_1:
0x34: {  	s15 =	simm.s32 $0x100;
	s5 =	simm.s32 $0x0  }
.LBB2_2:
0x35: {  	p0 =	sne.s32 s15, $0x27000;
	[tilespmem:s5+$0x9C70] =	vst v0;
	s17 =	smov.u32 s15;
	s15 =	sadd.s32 $0x100, s15  }
.Ltmp2:
0x36: {  	[tilespmem:s5+$0x9C60] =	vst v0;
	(pc) =	sbr.rel @p0 .LBB2_2-.Ltmp2, $3  }
0x37: {  	[tilespmem:s5+$0x9C40] =	vst v0  }
0x38: {  	[tilespmem:s5+$0x9C50] =	vst v0;
	_ =	sdelay $0x1  }
0x39: {  	s5 =	sshra.s32 s17, $0x2  }
0x3a: {  	[tilespmem:s5+$0x9C70] =	vst v0  }
0x3b: {  	[tilespmem:s5+$0x9C60] =	vst v0  }
0x3c: {  	[tilespmem:s5+$0x9C40] =	vst v0  }
0x3d: {  	[tilespmem:s5+$0x9C50] =	vst v0  }
0x3e: {  	[spmem:s4] =	stream.linear.scatter [tilespmem:s19], [sflag:$0x5], $0x9C40, $0x38;
	[tilespmem:$0x17D90] =	vst v63  }
0x3f: {  	_ =	swait.ge [sflag:s20], $0x9C40  }
0x40: {  	[sflag:s20] =	ssyncset.done $0x0  }
0x41: {  	[sflag:s20] =	ssyncadd.s32 $0xFFFF63C0  }
0x42: {  	[bflag:$0x0] =	sbarrier.arrive $0xFFFF  }
0x43: {  	s5 =	simm.s32 $0x0;
	s8 =	rddreg [dreg:$0x3]  }
0x44: {  	[tilespmem:s21], [sflag:$0x1] =	stream.linear.gather [hbm4b:s8+s5], $0x80, $0x38;
	[tilespmem:$0x17D90] =	vst v63  }
0x45: {  	_ = 	snop  }
0x46: {  	[tilespmem:s22], [sflag:$0x1] =	stream.linear.gather [hbm4b:s9+s5], $0x2000, $0x38;
	[tilespmem:$0x17D90] =	vst v63  }
0x47: {  	_ =	swait.ge [sflag:s23], $0x80  }
0x48: {  	[sflag:s23] =	ssyncset.done $0x0  }
0x49: {  	[sflag:s23] =	ssyncadd.s32 $0xFFFFFF80  }
0x4a: {  	_ =	swait.ge [sflag:s23], $0x2000  }
0x4b: {  	[sflag:s23] =	ssyncset.done $0x0  }
0x4c: {  	[sflag:s23] =	ssyncadd.s32 $0xFFFFE000  }
0x4d: {  	[tilespmem:s24], [sflag:$0x2] =	stream.linear.gather [hbm4b:s11+s5], $0x80, $0x38;
	[tilespmem:$0x17D90] =	vst v63  }
0x4e: {  	_ = 	snop  }
0x4f: {  	[tilespmem:s25], [sflag:$0x2] =	stream.linear.gather [hbm4b:s12+s5], $0x2000, $0x38;
	[tilespmem:$0x17D90] =	vst v63  }
0x50: {  	_ = 	snop  }
0x51: {  	[spmem:s2] =	stream.indirect.scatter.add.f32 [tilespmem:s22], [sflag:$0x3], $0x40, s21, s26, $0xb8;
	[tilespmem:$0x17D90] =	vst v63  }
0x52: {  	_ =	swait.ge [sflag:s28], $0x80  }
0x53: {  	[sflag:s28] =	ssyncset.done $0x0  }
0x54: {  	[sflag:s28] =	ssyncadd.s32 $0xFFFFFF80  }
0x55: {  	_ =	swait.ge [sflag:s28], $0x2000  }
0x56: {  	[sflag:s28] =	ssyncset.done $0x0  }
0x57: {  	[sflag:s28] =	ssyncadd.s32 $0xFFFFE000  }
0x58: {  	_ =	swait.ge [sflag:s29], $0x2000  }
0x59: {  	[sflag:s29] =	ssyncset.done $0x0  }
0x5a: {  	[sflag:s29] =	ssyncadd.s32 $0xFFFFE000  }
0x5b: {  	[tilespmem:s21], [sflag:$0x1] =	stream.linear.gather [hbm4b:s13+s5], $0x80, $0x38;
	[tilespmem:$0x17D90] =	vst v63  }
0x5c: {  	_ = 	snop  }
0x5d: {  	[tilespmem:s22], [sflag:$0x1] =	stream.linear.gather [hbm4b:s14+s5], $0x2000, $0x38;
	[tilespmem:$0x17D90] =	vst v63  }
0x5e: {  	s17 =	smov.u32 s7;
	s15 =	smov.u32 s6  }
0x5f: {  	[spmem:s2] =	stream.indirect.scatter.add.f32 [tilespmem:s25], [sflag:$0x4], $0x40, s24, s26, $0xb8;
	[tilespmem:$0x17D90] =	vst v63  }
.LBB2_4:
0x60: {  	_ =	swait.ge [sflag:s23], $0x80  }
0x61: {  	[sflag:s23] =	ssyncset.done $0x0  }
0x62: {  	[sflag:s23] =	ssyncadd.s32 $0xFFFFFF80  }
0x63: {  	_ =	swait.ge [sflag:s23], $0x2000  }
0x64: {  	[sflag:s23] =	ssyncset.done $0x0  }
0x65: {  	[sflag:s23] =	ssyncadd.s32 $0xFFFFE000  }
0x66: {  	_ =	swait.ge [sflag:s30], $0x2000  }
0x67: {  	[sflag:s30] =	ssyncset.done $0x0  }
0x68: {  	s8 =	sadd.s32 s5, s18;
	[sflag:s30] =	ssyncadd.s32 $0xFFFFE000  }
0x69: {  	[tilespmem:s24], [sflag:$0x2] =	stream.linear.gather [hbm4b:s8+s3], $0x80, $0x38;
	[tilespmem:$0x17D90] =	vst v63  }
0x6a: {  	_ = 	snop  }
0x6b: {  	[tilespmem:s25], [sflag:$0x2] =	stream.linear.gather [hbm4b:s17+s3], $0x2000, $0x38;
	[tilespmem:$0x17D90] =	vst v63  }
0x6c: {  	_ = 	snop  }
0x6d: {  	[spmem:s2] =	stream.indirect.scatter.add.f32 [tilespmem:s22], [sflag:$0x3], $0x40, s21, s26, $0xb8;
	[tilespmem:$0x17D90] =	vst v63  }
0x6e: {  	_ =	swait.ge [sflag:s28], $0x80  }
0x6f: {  	[sflag:s28] =	ssyncset.done $0x0  }
0x70: {  	[sflag:s28] =	ssyncadd.s32 $0xFFFFFF80  }
0x71: {  	p0 =	seq.s32 s5, $0x4A0;
	_ =	swait.ge [sflag:s28], $0x2000  }
.Ltmp3:
0x72: {  	[sflag:s28] =	ssyncset.done $0x0;
	(pc) =	sbr.rel @p0 .LBB2_6-.Ltmp3, $4  }
0x73: {  	[sflag:s28] =	ssyncadd.s32 $0xFFFFE000  }
0x74: {  	_ =	swait.ge [sflag:s29], $0x2000  }
0x75: {  	[sflag:s29] =	ssyncset.done $0x0  }
0x76: {  	[sflag:s29] =	ssyncadd.s32 $0xFFFFE000  }
0x77: {  	s8 =	sadd.s32 s5, s16  }
0x78: {  	[tilespmem:s21], [sflag:$0x1] =	stream.linear.gather [hbm4b:s8+s3], $0x80, $0x38;
	[tilespmem:$0x17D90] =	vst v63  }
.Ltmp4:
0x79: {  	_ = 	snop;
	(pc) =	sbr.rel .LBB2_4-.Ltmp4, $4  }
0x7a: {  	_ = 	snop  }
0x7b: {  	[tilespmem:s22], [sflag:$0x1] =	stream.linear.gather [hbm4b:s15+s3], $0x2000, $0x38;
	[tilespmem:$0x17D90] =	vst v63  }
0x7c: {  	s5 =	sadd.s32 $0x20, s5;
	s17 =	sadd.s32 $0x800, s17;
	s15 =	sadd.s32 $0x800, s15  }
0x7d: {  	[spmem:s2] =	stream.indirect.scatter.add.f32 [tilespmem:s25], [sflag:$0x4], $0x40, s24, s26, $0xb8;
	[tilespmem:$0x17D90] =	vst v63  }
.LBB2_7:
0x7e: {  	_ =	sfence.sel $0x180000  }
0x7f: {  	[bflag:$0x0] =	sbarrier.arrive $0xFFFF  }
0x80: {  	_ =	strace $0x90000050  }
0x81: {  	s0 =	stileid.u32;
	[bflag:$0x2] =	sbarrier.arrive $0xFFFF  }
0x82: {  	p0 =	sne.s32 s0, $0x0;
	s0 =	rddreg [dreg:$0x2]  }
0x83: {  	s0 =	sadd.s32 @!p0 $0x100000, s0  }
0x84: {  	[sflag:s0] =	ssyncadd.tile.s32 @!p0 $0x1;
	_ =	shalt  }
.Lfunc_end2:
_tile_overlayer_lowered:
.L_overlay_start_2:
0x85: {  	(tag) =	ssettag $0x2  }
0x86: {  	s0 =	rddreg [dreg:$0x0];
	s2 =	stileid.u32  }
0x87: {  	s1 =	rddreg [dreg:$0x1];
	p0 =	sne.s32 s2, $0x0  }
0x88: {  	s3 =	rddreg [dreg:$0x2];
	[bflag:$0x3] =	sbarrier.arrive $0xFFFF;
	s2 =	simm.s32 @!p0 $0x1C05  }
0x89: {  	[timem:s3], [sflag:s2] =	dma.local @!p0 [hbm:s0], s1  }
0x8a: {  	s0 =	simm.s32 @!p0 $0x5  }
0x8b: {  	_ =	swait.ge @!p0 [sflag:s0], s1  }
0x8c: {  	s1 =	ssub.s32 @!p0 $0x0, s1;
	[sflag:s0] =	ssyncset.done @!p0 $0x0  }
0x8d: {  	[sflag:s0] =	ssyncadd.s32 @!p0 s1  }
0x8e: {  	[bflag:$0x3] =	sbarrier.arrive $0xFFFF  }
0x8f: {  	_ =	shalt  }

</sc_bundles>
